<compile_context>
chip_gen: v7x
topology: tpu7x:2x2x1
jax: 0.10.2.dev20260603
libtpu: 0.0.44.dev20260713+nightly
codegen_flags: <defaults>
</compile_context>

<pallas_src>
import functools

import jax
import jax.numpy as jnp
from jax import lax
from jax.experimental import pallas as pl
from jax.experimental.pallas import tpu as pltpu
from jax.experimental.pallas import tpu_sc as plsc

_MARGIN = 0.3
_B = 4096
_D = 512
_C = 256

_NS = 16

_HI = lax.Precision.HIGHEST

_SCB = 512
_SC_CORES = 1
_RG = 4
_CG = 4
_RPG = _SCB // _RG
_CPG = _D // _CG


def _seg_sum_body(x_hbm, t_hbm, z_hbm, out_hbm, t_v, rows_v, acc_v):
    cid = lax.axis_index("c")
    sid = lax.axis_index("s")
    wid = cid * _NS + sid
    h = wid // _CG
    g = wid % _CG
    pltpu.sync_copy(t_hbm.at[pl.ds(h * _RPG, _RPG)], t_v)
    pltpu.sync_copy(x_hbm.at[pl.ds(h * _RPG, _RPG), pl.ds(g * _CPG, _CPG)],
                    rows_v)
    pltpu.sync_copy(z_hbm.at[pl.ds(0, _C), pl.ds(g * _CPG, _CPG)], acc_v)

    @plsc.parallel_loop(0, _RPG // 16, 1, unroll=4)
    def grp_step(gi):
        t_vec = t_v[pl.ds(gi * 16, 16)]
        for j in range(16):
            t_r = t_vec[j]
            r = gi * 16 + j
            for k in range(_CPG // 16):
                plsc.addupdate(acc_v.at[t_r, pl.ds(k * 16, 16)],
                               rows_v[r, pl.ds(k * 16, 16)])
    pltpu.sync_copy(acc_v, out_hbm.at[h, pl.ds(0, _C), pl.ds(g * _CPG, _CPG)])


@functools.cache
def _seg_sum():
    return pl.kernel(
        _seg_sum_body,
        out_type=jax.ShapeDtypeStruct((_RG, _C, _D), jnp.float32),
        mesh=plsc.VectorSubcoreMesh(core_axis_name="c", subcore_axis_name="s",
                                    num_cores=_SC_CORES, num_subcores=_NS),
        scratch_types=[
            pltpu.VMEM((_RPG,), jnp.int32),
            pltpu.VMEM((_RPG, _CPG), jnp.float32),
            pltpu.VMEM((_C, _CPG), jnp.float32),
        ],
    )


_PBS = 512
_NPB = _B // _PBS
_SCB_BLKS = _SCB // _PBS


def _pre_body(t_row_ref, x_ref, part_ref, counts_ref):
    i = pl.program_id(0)
    t_row = t_row_ref[...]
    cix_t = lax.broadcasted_iota(jnp.int32, (_C, 1), 0)
    onehot_t = (t_row == cix_t).astype(jnp.float32)
    cnt = jnp.sum(onehot_t, axis=1, keepdims=True)

    @pl.when(i == 0)
    def _():
        part_ref[...] = jnp.zeros((_C, _D), jnp.float32)
        counts_ref[...] = jnp.zeros((_C, 1), jnp.float32)

    counts_ref[...] = counts_ref[...] + cnt

    @pl.when(i >= _SCB_BLKS)
    def _():
        part_ref[...] = part_ref[...] + lax.dot_general(
            onehot_t, x_ref[...], (((1,), (0,)), ((), ())),
            precision=_HI)


_BS = 1024
_NBLK = _B // _BS


def _loss_block_body(x_ref, t_ref, part_ref, part_tc_ref, counts_ref,
                     out_ref, avg_s, aux_s):
    i = pl.program_id(0)

    @pl.when(i == 0)
    def _():
        counts_col = counts_ref[...]
        sums = part_tc_ref[...]
        for h in range(_RG):
            sums = sums + part_ref[h]
        avg0 = sums / jnp.maximum(counts_col, 1.0)
        present_row = (counts_col > 0.0).astype(jnp.float32).T
        p_total = jnp.sum(present_row)
        s_row = jnp.sum(avg0, axis=0, keepdims=True)

        a2_row = jnp.sum(avg0 * avg0, axis=1, keepdims=True).T
        sdot_row = jnp.sum(avg0 * s_row, axis=1, keepdims=True).T
        s2 = jnp.sum(s_row * s_row)
        denom_row = p_total - present_row
        restn2_row = ((s2 - 2.0 * sdot_row + a2_row)
                      / (denom_row * denom_row))

        rowi = lax.broadcasted_iota(jnp.int32, (_C, _C), 0)
        coli = lax.broadcasted_iota(jnp.int32, (_C, _C), 1)
        upper = (rowi < coli).astype(jnp.float32)
        rank_row = lax.dot_general(present_row, upper,
                                   (((1,), (0,)), ((), ())),
                                   precision=_HI)

        avg_s[...] = avg0
        aux_s[...] = jnp.concatenate(
            [a2_row, rank_row, denom_row, restn2_row], axis=0)
        out_ref[...] = jnp.zeros((1, 1), jnp.float32)

    x = x_ref[...]
    t = t_ref[...]
    avg = avg_s[...]
    cix = lax.broadcasted_iota(jnp.int32, (1, _C), 1)
    onehot = (t == cix).astype(jnp.float32)
    a2_row = aux_s[0:1, :]
    rank_row = aux_s[1:2, :]
    denom_row = aux_s[2:3, :]
    restn2_row = aux_s[3:4, :]

    g = lax.dot_general(x, avg, (((1,), (1,)), ((), ())),
                        precision=_HI)
    xs2 = jnp.sum(x * x, axis=1, keepdims=True)
    x_dot_s = jnp.sum(g, axis=1, keepdims=True)
    g_t = jnp.sum(g * onehot, axis=1, keepdims=True)
    a2_t = jnp.sum(onehot * a2_row, axis=1, keepdims=True)
    r = jnp.sum(onehot * rank_row, axis=1, keepdims=True)
    cix_f = cix.astype(jnp.float32)
    onehot_r = (r == cix_f).astype(jnp.float32)
    g_r = jnp.sum(g * onehot_r, axis=1, keepdims=True)
    denom_r = jnp.sum(onehot_r * denom_row, axis=1, keepdims=True)
    restn2_r = jnp.sum(onehot_r * restn2_row, axis=1, keepdims=True)

    dap = jnp.sqrt(jnp.maximum(xs2 - 2.0 * g_t + a2_t, 0.0))
    dan = jnp.sqrt(jnp.maximum(
        xs2 - 2.0 * (x_dot_s - g_r) / denom_r + restn2_r, 0.0))
    part = jnp.sum(jnp.maximum(0.0, dap - dan + _MARGIN),
                   axis=0, keepdims=True) * (1.0 / _B)
    out_ref[...] = out_ref[...] + part


@jax.jit
def kernel(inputs, targets):
    t_i32 = targets.astype(jnp.int32)
    zeros = jnp.zeros((_C, _D), jnp.float32)
    partials = _seg_sum()(inputs, t_i32, zeros)
    t2 = t_i32.reshape(_B, 1)
    part_tc, counts_col = pl.pallas_call(
        _pre_body,
        grid=(_NPB,),
        in_specs=[
            pl.BlockSpec((1, _PBS), lambda i: (0, i)),
            pl.BlockSpec((_PBS, _D), lambda i: (i, 0)),
        ],
        out_specs=[pl.BlockSpec((_C, _D), lambda i: (0, 0)),
                   pl.BlockSpec((_C, 1), lambda i: (0, 0))],
        out_shape=[jax.ShapeDtypeStruct((_C, _D), jnp.float32),
                   jax.ShapeDtypeStruct((_C, 1), jnp.float32)],
    )(t_i32.reshape(1, _B), inputs)
    out = pl.pallas_call(
        _loss_block_body,
        grid=(_NBLK,),
        in_specs=[
            pl.BlockSpec((_BS, _D), lambda i: (i, 0)),
            pl.BlockSpec((_BS, 1), lambda i: (i, 0)),
            pl.BlockSpec((_RG, _C, _D), lambda i: (0, 0, 0)),
            pl.BlockSpec((_C, _D), lambda i: (0, 0)),
            pl.BlockSpec((_C, 1), lambda i: (0, 0)),
        ],
        out_specs=pl.BlockSpec((1, 1), lambda i: (0, 0)),
        out_shape=jax.ShapeDtypeStruct((1, 1), jnp.float32),
        scratch_shapes=[pltpu.VMEM((_C, _D), jnp.float32),
                        pltpu.VMEM((4, _C), jnp.float32)],
    )(inputs, t2, partials, part_tc, counts_col)
    return out[0, 0]

# --- scband reference (transcript-rebuilt; emitter-appended) ---
"""Pipeline reference for scband-centroid-triplet-loss-50156628082749 (READ-ONLY COPY).

The authoritative reference and input builder live on the scoring server;
editing this copy changes nothing except your own understanding.
"""

import jax, jax.numpy as jnp
import numpy as np

MARGIN = 0.3


def setup_inputs(seed: int = 0) -> dict:
    key = jax.random.key(seed)
    k1, k2 = jax.random.split(key)
    inputs = jax.random.normal(k1, (4096, 512), dtype=jnp.float32)
    targets = jax.random.randint(k2, (4096,), 0, 256)
    return {"inputs": inputs, "targets": targets}


def reference(inputs, targets):
    # fixed class universe: targets are always drawn from [0, 256)
    num_classes = 256
    class_values = jnp.arange(num_classes)
    present = jnp.any(targets[None, :] == class_values[:, None], axis=1)  # [256]

    # average_features[c] = mean of inputs whose target == c (0 for absent classes)
    mask = (targets[None, :] == class_values[:, None]).astype(inputs.dtype)  # [256, B]
    counts = mask.sum(axis=1, keepdims=True)
    average_features = (mask @ inputs) / jnp.maximum(counts, 1)  # [256, D]

    # average_rest_features[i] = mean of average_features over present classes != i
    # NOTE: faithful to the original code, which compares class VALUES to the loop index i
    idx = jnp.arange(num_classes)
    rest_mask = (present[None, :] & (class_values[None, :] != idx[:, None])).astype(inputs.dtype)  # [256, 256]
    rest_counts = rest_mask.sum(axis=1, keepdims=True)
    average_rest_features = (rest_mask @ average_features) / rest_counts  # [256, D]

    # per-sample index into the sorted list of present classes
    # (rank of the target value among present class values)
    present_i = present.astype(targets.dtype)
    rank = jnp.cumsum(present_i) - present_i
    pos_idx = rank[targets]  # [B]

    # torch.dist defaults to 2-norm
    dist_ap = jnp.linalg.norm(inputs - average_features[targets], axis=1)
    dist_an = jnp.linalg.norm(inputs - average_rest_features[pos_idx], axis=1)

    # MarginRankingLoss(margin)(dist_an, dist_ap, y=1) = mean(relu(-(dist_an - dist_ap) + margin))
    loss = jnp.mean(jnp.maximum(0.0, dist_ap - dist_an + MARGIN))
    return loss

if __name__ == "__main__":
    import jax
    _d = setup_inputs()
    print(jax.jit(kernel)(*tuple(_d.values())))

</pallas_src>

<mosaic_0001>
#map = affine_map<(d0, d1) -> (0, 0)>
#map1 = affine_map<(d0, d1) -> (0)>
#map2 = affine_map<(d0, d1) -> (0, 0, 0)>
module attributes {stable_mosaic.version = 14 : i64} {
  func.func @_seg_sum_body(%arg0: i32, %arg1: i32, %arg2: memref<4096x512xf32, #tpu.memory_space<hbm>>, %arg3: memref<4096xi32, #tpu.memory_space<hbm>>, %arg4: memref<256x512xf32, #tpu.memory_space<hbm>>, %arg5: memref<4x256x512xf32, #tpu.memory_space<hbm>>, %arg6: memref<128xi32, #tpu.memory_space<vmem>>, %arg7: memref<128x128xf32, #tpu.memory_space<vmem>>, %arg8: memref<256x128xf32, #tpu.memory_space<vmem>>) attributes {dimension_semantics = [#tpu.dimension_semantics<core_parallel>, #tpu.dimension_semantics<subcore_parallel>], iteration_bounds = array<i64: 1, 16>, scalar_prefetch = 0 : i64, scratch_operands = 3 : i64, tpu.core_type = #tpu.core_type<sc_vector_subcore>, window_params = [{transform_indices = #map}, {transform_indices = #map1}, {transform_indices = #map}, {transform_indices = #map2}]} {
    %mul3A = arith.constant 16 : i32
    %mul3A_0 = arith.muli %arg0, %mul3A : i32
    %add3A = arith.addi %mul3A_0, %arg1 : i32
    %jit3A = arith.constant 4 : i32
    %div3A = arith.divsi %add3A, %jit3A : i32
    %sign3A = arith.constant 0 : i32
    %sign3A_1 = arith.cmpi sgt, %add3A, %sign3A : i32
    %sign3A_2 = arith.extui %sign3A_1 : i1 to i32
    %sign3A_3 = arith.constant 0 : i32
    %sign3A_4 = arith.cmpi slt, %add3A, %sign3A_3 : i32
    %sign3A_5 = arith.extui %sign3A_4 : i1 to i32
    %sign3A_6 = arith.subi %sign3A_2, %sign3A_5 : i32
    %sign3A_7 = arith.constant 0 : i32
    %sign3A_8 = arith.cmpi sgt, %jit3A, %sign3A_7 : i32
    %sign3A_9 = arith.extui %sign3A_8 : i1 to i32
    %sign3A_10 = arith.constant 0 : i32
    %sign3A_11 = arith.cmpi slt, %jit3A, %sign3A_10 : i32
    %sign3A_12 = arith.extui %sign3A_11 : i1 to i32
    %sign3A_13 = arith.subi %sign3A_9, %sign3A_12 : i32
    %ne3A = arith.cmpi ne, %sign3A_6, %sign3A_13 : i32
    %rem3A = arith.remsi %add3A, %jit3A : i32
    %ne3A_14 = arith.constant 0 : i32
    %ne3A_15 = arith.cmpi ne, %rem3A, %ne3A_14 : i32
    %and3A = arith.andi %ne3A, %ne3A_15 : i1
    %sub3A = arith.constant 1 : i32
    %sub3A_16 = arith.subi %div3A, %sub3A : i32
    %select_n3A = arith.select %and3A, %sub3A_16, %div3A : i32
    %jit3A_17 = arith.constant 4 : i32
    %eq3A = arith.constant 0 : i32
    %eq3A_18 = arith.cmpi eq, %jit3A_17, %eq3A : i32
    %jit3A_19 = arith.constant 1 : i32
    %select_n3A_20 = arith.select %eq3A_18, %jit3A_19, %jit3A_17 : i32
    %rem3A_21 = arith.remsi %add3A, %select_n3A_20 : i32
    %ne3A_22 = arith.constant 0 : i32
    %ne3A_23 = arith.cmpi ne, %rem3A_21, %ne3A_22 : i32
    %lt3A = arith.constant 0 : i32
    %lt3A_24 = arith.cmpi slt, %rem3A_21, %lt3A : i32
    %lt3A_25 = arith.constant 0 : i32
    %lt3A_26 = arith.cmpi slt, %select_n3A_20, %lt3A_25 : i32
    %ne3A_27 = arith.xori %lt3A_24, %lt3A_26 : i1
    %and3A_28 = arith.andi %ne3A_27, %ne3A_23 : i1
    %add3A_29 = arith.addi %rem3A_21, %select_n3A_20 : i32
    %select_n3A_30 = arith.select %and3A_28, %add3A_29, %rem3A_21 : i32
    %mul3A_31 = arith.constant 128 : i32
    %mul3A_32 = arith.muli %select_n3A, %mul3A_31 : i32
    "tpu.region"() ({
      %run_scoped3A = tpu.sem_alloc : memref<!tpu.dma_semaphore, #tpu.memory_space<semaphore_mem>>
      %dma_start3A = tpu.memref_slice %arg3[%mul3A_32] : memref<4096xi32, #tpu.memory_space<hbm>> -> memref<128xi32, #tpu.memory_space<hbm>>
      %dma_start3A_43 = tpu.memref_slice %arg3[%mul3A_32] : memref<4096xi32, #tpu.memory_space<hbm>> -> memref<128xi32, #tpu.memory_space<hbm>>
      tpu.enqueue_dma source(%dma_start3A_43 : memref<128xi32, #tpu.memory_space<hbm>>) target(%arg6 : memref<128xi32, #tpu.memory_space<vmem>>) target_semaphore(%run_scoped3A : memref<!tpu.dma_semaphore, #tpu.memory_space<semaphore_mem>>)
      %dma_wait3A = tpu.memref_slice %arg3[%mul3A_32] : memref<4096xi32, #tpu.memory_space<hbm>> -> memref<128xi32, #tpu.memory_space<hbm>>
      %dma_wait3A_44 = tpu.memref_slice %arg3[%mul3A_32] : memref<4096xi32, #tpu.memory_space<hbm>> -> memref<128xi32, #tpu.memory_space<hbm>>
      tpu.wait_dma2 semaphore(%run_scoped3A : memref<!tpu.dma_semaphore, #tpu.memory_space<semaphore_mem>>) src(%dma_wait3A_44 : memref<128xi32, #tpu.memory_space<hbm>>) dst(%arg6 : memref<128xi32, #tpu.memory_space<vmem>>)
      tpu.yield
    }) : () -> ()
    %mul3A_33 = arith.constant 128 : i32
    %mul3A_34 = arith.muli %select_n3A, %mul3A_33 : i32
    %mul3A_35 = arith.constant 128 : i32
    %mul3A_36 = arith.muli %select_n3A_30, %mul3A_35 : i32
    "tpu.region"() ({
      %run_scoped3A = tpu.sem_alloc : memref<!tpu.dma_semaphore, #tpu.memory_space<semaphore_mem>>
      %dma_start3A = tpu.memref_slice %arg2[%mul3A_34, %mul3A_36] : memref<4096x512xf32, #tpu.memory_space<hbm>> -> memref<128x128xf32, #tpu.memory_space<hbm>>
      %dma_start3A_43 = tpu.memref_slice %arg2[%mul3A_34, %mul3A_36] : memref<4096x512xf32, #tpu.memory_space<hbm>> -> memref<128x128xf32, #tpu.memory_space<hbm>>
      tpu.enqueue_dma source(%dma_start3A_43 : memref<128x128xf32, #tpu.memory_space<hbm>>) target(%arg7 : memref<128x128xf32, #tpu.memory_space<vmem>>) target_semaphore(%run_scoped3A : memref<!tpu.dma_semaphore, #tpu.memory_space<semaphore_mem>>)
      %dma_wait3A = tpu.memref_slice %arg2[%mul3A_34, %mul3A_36] : memref<4096x512xf32, #tpu.memory_space<hbm>> -> memref<128x128xf32, #tpu.memory_space<hbm>>
      %dma_wait3A_44 = tpu.memref_slice %arg2[%mul3A_34, %mul3A_36] : memref<4096x512xf32, #tpu.memory_space<hbm>> -> memref<128x128xf32, #tpu.memory_space<hbm>>
      tpu.wait_dma2 semaphore(%run_scoped3A : memref<!tpu.dma_semaphore, #tpu.memory_space<semaphore_mem>>) src(%dma_wait3A_44 : memref<128x128xf32, #tpu.memory_space<hbm>>) dst(%arg7 : memref<128x128xf32, #tpu.memory_space<vmem>>)
      tpu.yield
    }) : () -> ()
    %mul3A_37 = arith.constant 128 : i32
    %mul3A_38 = arith.muli %select_n3A_30, %mul3A_37 : i32
    "tpu.region"() ({
      %run_scoped3A = tpu.sem_alloc : memref<!tpu.dma_semaphore, #tpu.memory_space<semaphore_mem>>
      %dma_start3A = arith.constant 0 : i32
      %dma_start3A_43 = tpu.memref_slice %arg4[%dma_start3A, %mul3A_38] : memref<256x512xf32, #tpu.memory_space<hbm>> -> memref<256x128xf32, #tpu.memory_space<hbm>>
      %dma_start3A_44 = arith.constant 0 : i32
      %dma_start3A_45 = tpu.memref_slice %arg4[%dma_start3A_44, %mul3A_38] : memref<256x512xf32, #tpu.memory_space<hbm>> -> memref<256x128xf32, #tpu.memory_space<hbm>>
      tpu.enqueue_dma source(%dma_start3A_45 : memref<256x128xf32, #tpu.memory_space<hbm>>) target(%arg8 : memref<256x128xf32, #tpu.memory_space<vmem>>) target_semaphore(%run_scoped3A : memref<!tpu.dma_semaphore, #tpu.memory_space<semaphore_mem>>)
      %dma_wait3A = arith.constant 0 : i32
      %dma_wait3A_46 = tpu.memref_slice %arg4[%dma_wait3A, %mul3A_38] : memref<256x512xf32, #tpu.memory_space<hbm>> -> memref<256x128xf32, #tpu.memory_space<hbm>>
      %dma_wait3A_47 = arith.constant 0 : i32
      %dma_wait3A_48 = tpu.memref_slice %arg4[%dma_wait3A_47, %mul3A_38] : memref<256x512xf32, #tpu.memory_space<hbm>> -> memref<256x128xf32, #tpu.memory_space<hbm>>
      tpu.wait_dma2 semaphore(%run_scoped3A : memref<!tpu.dma_semaphore, #tpu.memory_space<semaphore_mem>>) src(%dma_wait3A_48 : memref<256x128xf32, #tpu.memory_space<hbm>>) dst(%arg8 : memref<256x128xf32, #tpu.memory_space<vmem>>)
      tpu.yield
    }) : () -> ()
    %parallel_loop3A = arith.constant 0 : i32
    %parallel_loop3A_39 = arith.constant 8 : i32
    %parallel_loop3A_40 = arith.constant 1 : i32
    scf.for %parallel_loop3A_43 = %parallel_loop3A to %parallel_loop3A_39 step %parallel_loop3A_40  : i32 {
      %parallel_loop3A_44 = arith.constant 16 : i32
      %parallel_loop3A_45 = arith.muli %parallel_loop3A_43, %parallel_loop3A_44 : i32
      %parallel_loop3A_46 = arith.index_cast %parallel_loop3A_45 : i32 to index
      %parallel_loop3A_47 = tpu.vector_load %arg6[%parallel_loop3A_46] {strides = array<i32>} : memref<128xi32, #tpu.memory_space<vmem>>, vector<16xi32>,
      %parallel_loop3A_48 = vector.shape_cast %parallel_loop3A_47 : vector<16xi32> to vector<16xi32>
      %parallel_loop3A_49 = vector.extract_strided_slice %parallel_loop3A_48 {offsets = [0], sizes = [1], strides = [1]} : vector<16xi32> to vector<1xi32>
      %parallel_loop3A_50 = vector.extract %parallel_loop3A_49[0] : i32 from vector<1xi32>
      %parallel_loop3A_51 = arith.constant 16 : i32
      %parallel_loop3A_52 = arith.muli %parallel_loop3A_43, %parallel_loop3A_51 : i32
      %parallel_loop3A_53 = arith.constant 0 : i32
      %parallel_loop3A_54 = arith.addi %parallel_loop3A_52, %parallel_loop3A_53 : i32
      %parallel_loop3A_55 = arith.index_cast %parallel_loop3A_54 : i32 to index
      %parallel_loop3A_56 = arith.constant 0 : index
      %parallel_loop3A_57 = tpu.vector_load %arg7[%parallel_loop3A_55, %parallel_loop3A_56] {strides = array<i32>} : memref<128x128xf32, #tpu.memory_space<vmem>>, vector<1x16xf32>,
      %parallel_loop3A_58 = vector.shape_cast %parallel_loop3A_57 : vector<1x16xf32> to vector<16xf32>
      %parallel_loop3A_59 = arith.index_cast %parallel_loop3A_50 : i32 to index
      %parallel_loop3A_60 = arith.constant 0 : index
      %parallel_loop3A_61 = tpu.vector_load %arg8[%parallel_loop3A_59, %parallel_loop3A_60] {strides = array<i32>} : memref<256x128xf32, #tpu.memory_space<vmem>>, vector<1x16xf32>,
      %parallel_loop3A_62 = vector.shape_cast %parallel_loop3A_61 : vector<1x16xf32> to vector<16xf32>
      %parallel_loop3A_63 = vector.shape_cast %parallel_loop3A_58 : vector<16xf32> to vector<1x16xf32>
      tpu.vector_store %arg8[%parallel_loop3A_59, %parallel_loop3A_60], %parallel_loop3A_63 {add = true, strides = array<i32>} : memref<256x128xf32, #tpu.memory_space<vmem>>, vector<1x16xf32>,
      %parallel_loop3A_64 = arith.index_cast %parallel_loop3A_54 : i32 to index
      %parallel_loop3A_65 = arith.constant 16 : index
      %parallel_loop3A_66 = tpu.vector_load %arg7[%parallel_loop3A_64, %parallel_loop3A_65] {strides = array<i32>} : memref<128x128xf32, #tpu.memory_space<vmem>>, vector<1x16xf32>,
      %parallel_loop3A_67 = vector.shape_cast %parallel_loop3A_66 : vector<1x16xf32> to vector<16xf32>
      %parallel_loop3A_68 = arith.index_cast %parallel_loop3A_50 : i32 to index
      %parallel_loop3A_69 = arith.constant 16 : index
      %parallel_loop3A_70 = tpu.vector_load %arg8[%parallel_loop3A_68, %parallel_loop3A_69] {strides = array<i32>} : memref<256x128xf32, #tpu.memory_space<vmem>>, vector<1x16xf32>,
      %parallel_loop3A_71 = vector.shape_cast %parallel_loop3A_70 : vector<1x16xf32> to vector<16xf32>
      %parallel_loop3A_72 = vector.shape_cast %parallel_loop3A_67 : vector<16xf32> to vector<1x16xf32>
      tpu.vector_store %arg8[%parallel_loop3A_68, %parallel_loop3A_69], %parallel_loop3A_72 {add = true, strides = array<i32>} : memref<256x128xf32, #tpu.memory_space<vmem>>, vector<1x16xf32>,
      %parallel_loop3A_73 = arith.index_cast %parallel_loop3A_54 : i32 to index
      %parallel_loop3A_74 = arith.constant 32 : index
      %parallel_loop3A_75 = tpu.vector_load %arg7[%parallel_loop3A_73, %parallel_loop3A_74] {strides = array<i32>} : memref<128x128xf32, #tpu.memory_space<vmem>>, vector<1x16xf32>,
      %parallel_loop3A_76 = vector.shape_cast %parallel_loop3A_75 : vector<1x16xf32> to vector<16xf32>
      %parallel_loop3A_77 = arith.index_cast %parallel_loop3A_50 : i32 to index
      %parallel_loop3A_78 = arith.constant 32 : index
      %parallel_loop3A_79 = tpu.vector_load %arg8[%parallel_loop3A_77, %parallel_loop3A_78] {strides = array<i32>} : memref<256x128xf32, #tpu.memory_space<vmem>>, vector<1x16xf32>,
      %parallel_loop3A_80 = vector.shape_cast %parallel_loop3A_79 : vector<1x16xf32> to vector<16xf32>
      %parallel_loop3A_81 = vector.shape_cast %parallel_loop3A_76 : vector<16xf32> to vector<1x16xf32>
      tpu.vector_store %arg8[%parallel_loop3A_77, %parallel_loop3A_78], %parallel_loop3A_81 {add = true, strides = array<i32>} : memref<256x128xf32, #tpu.memory_space<vmem>>, vector<1x16xf32>,
      %parallel_loop3A_82 = arith.index_cast %parallel_loop3A_54 : i32 to index
      %parallel_loop3A_83 = arith.constant 48 : index
      %parallel_loop3A_84 = tpu.vector_load %arg7[%parallel_loop3A_82, %parallel_loop3A_83] {strides = array<i32>} : memref<128x128xf32, #tpu.memory_space<vmem>>, vector<1x16xf32>,
      %parallel_loop3A_85 = vector.shape_cast %parallel_loop3A_84 : vector<1x16xf32> to vector<16xf32>
      %parallel_loop3A_86 = arith.index_cast %parallel_loop3A_50 : i32 to index
      %parallel_loop3A_87 = arith.constant 48 : index
      %parallel_loop3A_88 = tpu.vector_load %arg8[%parallel_loop3A_86, %parallel_loop3A_87] {strides = array<i32>} : memref<256x128xf32, #tpu.memory_space<vmem>>, vector<1x16xf32>,
      %parallel_loop3A_89 = vector.shape_cast %parallel_loop3A_88 : vector<1x16xf32> to vector<16xf32>
      %parallel_loop3A_90 = vector.shape_cast %parallel_loop3A_85 : vector<16xf32> to vector<1x16xf32>
      tpu.vector_store %arg8[%parallel_loop3A_86, %parallel_loop3A_87], %parallel_loop3A_90 {add = true, strides = array<i32>} : memref<256x128xf32, #tpu.memory_space<vmem>>, vector<1x16xf32>,
      %parallel_loop3A_91 = arith.index_cast %parallel_loop3A_54 : i32 to index
      %parallel_loop3A_92 = arith.constant 64 : index
      %parallel_loop3A_93 = tpu.vector_load %arg7[%parallel_loop3A_91, %parallel_loop3A_92] {strides = array<i32>} : memref<128x128xf32, #tpu.memory_space<vmem>>, vector<1x16xf32>,
      %parallel_loop3A_94 = vector.shape_cast %parallel_loop3A_93 : vector<1x16xf32> to vector<16xf32>
      %parallel_loop3A_95 = arith.index_cast %parallel_loop3A_50 : i32 to index
      %parallel_loop3A_96 = arith.constant 64 : index
      %parallel_loop3A_97 = tpu.vector_load %arg8[%parallel_loop3A_95, %parallel_loop3A_96] {strides = array<i32>} : memref<256x128xf32, #tpu.memory_space<vmem>>, vector<1x16xf32>,
      %parallel_loop3A_98 = vector.shape_cast %parallel_loop3A_97 : vector<1x16xf32> to vector<16xf32>
      %parallel_loop3A_99 = vector.shape_cast %parallel_loop3A_94 : vector<16xf32> to vector<1x16xf32>
      tpu.vector_store %arg8[%parallel_loop3A_95, %parallel_loop3A_96], %parallel_loop3A_99 {add = true, strides = array<i32>} : memref<256x128xf32, #tpu.memory_space<vmem>>, vector<1x16xf32>,
      %parallel_loop3A_100 = arith.index_cast %parallel_loop3A_54 : i32 to index
      %parallel_loop3A_101 = arith.constant 80 : index
      %parallel_loop3A_102 = tpu.vector_load %arg7[%parallel_loop3A_100, %parallel_loop3A_101] {strides = array<i32>} : memref<128x128xf32, #tpu.memory_space<vmem>>, vector<1x16xf32>,
      %parallel_loop3A_103 = vector.shape_cast %parallel_loop3A_102 : vector<1x16xf32> to vector<16xf32>
      %parallel_loop3A_104 = arith.index_cast %parallel_loop3A_50 : i32 to index
      %parallel_loop3A_105 = arith.constant 80 : index
      %parallel_loop3A_106 = tpu.vector_load %arg8[%parallel_loop3A_104, %parallel_loop3A_105] {strides = array<i32>} : memref<256x128xf32, #tpu.memory_space<vmem>>, vector<1x16xf32>,
      %parallel_loop3A_107 = vector.shape_cast %parallel_loop3A_106 : vector<1x16xf32> to vector<16xf32>
      %parallel_loop3A_108 = vector.shape_cast %parallel_loop3A_103 : vector<16xf32> to vector<1x16xf32>
      tpu.vector_store %arg8[%parallel_loop3A_104, %parallel_loop3A_105], %parallel_loop3A_108 {add = true, strides = array<i32>} : memref<256x128xf32, #tpu.memory_space<vmem>>, vector<1x16xf32>,
      %parallel_loop3A_109 = arith.index_cast %parallel_loop3A_54 : i32 to index
      %parallel_loop3A_110 = arith.constant 96 : index
      %parallel_loop3A_111 = tpu.vector_load %arg7[%parallel_loop3A_109, %parallel_loop3A_110] {strides = array<i32>} : memref<128x128xf32, #tpu.memory_space<vmem>>, vector<1x16xf32>,
      %parallel_loop3A_112 = vector.shape_cast %parallel_loop3A_111 : vector<1x16xf32> to vector<16xf32>
      %parallel_loop3A_113 = arith.index_cast %parallel_loop3A_50 : i32 to index
      %parallel_loop3A_114 = arith.constant 96 : index
      %parallel_loop3A_115 = tpu.vector_load %arg8[%parallel_loop3A_113, %parallel_loop3A_114] {strides = array<i32>} : memref<256x128xf32, #tpu.memory_space<vmem>>, vector<1x16xf32>,
      %parallel_loop3A_116 = vector.shape_cast %parallel_loop3A_115 : vector<1x16xf32> to vector<16xf32>
      %parallel_loop3A_117 = vector.shape_cast %parallel_loop3A_112 : vector<16xf32> to vector<1x16xf32>
      tpu.vector_store %arg8[%parallel_loop3A_113, %parallel_loop3A_114], %parallel_loop3A_117 {add = true, strides = array<i32>} : memref<256x128xf32, #tpu.memory_space<vmem>>, vector<1x16xf32>,
      %parallel_loop3A_118 = arith.index_cast %parallel_loop3A_54 : i32 to index
      %parallel_loop3A_119 = arith.constant 112 : index
      %parallel_loop3A_120 = tpu.vector_load %arg7[%parallel_loop3A_118, %parallel_loop3A_119] {strides = array<i32>} : memref<128x128xf32, #tpu.memory_space<vmem>>, vector<1x16xf32>,
      %parallel_loop3A_121 = vector.shape_cast %parallel_loop3A_120 : vector<1x16xf32> to vector<16xf32>
      %parallel_loop3A_122 = arith.index_cast %parallel_loop3A_50 : i32 to index
      %parallel_loop3A_123 = arith.constant 112 : index
      %parallel_loop3A_124 = tpu.vector_load %arg8[%parallel_loop3A_122, %parallel_loop3A_123] {strides = array<i32>} : memref<256x128xf32, #tpu.memory_space<vmem>>, vector<1x16xf32>,
      %parallel_loop3A_125 = vector.shape_cast %parallel_loop3A_124 : vector<1x16xf32> to vector<16xf32>
      %parallel_loop3A_126 = vector.shape_cast %parallel_loop3A_121 : vector<16xf32> to vector<1x16xf32>
      tpu.vector_store %arg8[%parallel_loop3A_122, %parallel_loop3A_123], %parallel_loop3A_126 {add = true, strides = array<i32>} : memref<256x128xf32, #tpu.memory_space<vmem>>, vector<1x16xf32>,
      %parallel_loop3A_127 = vector.extract_strided_slice %parallel_loop3A_48 {offsets = [1], sizes = [1], strides = [1]} : vector<16xi32> to vector<1xi32>
      %parallel_loop3A_128 = vector.extract %parallel_loop3A_127[0] : i32 from vector<1xi32>
      %parallel_loop3A_129 = arith.constant 16 : i32
      %parallel_loop3A_130 = arith.muli %parallel_loop3A_43, %parallel_loop3A_129 : i32
      %parallel_loop3A_131 = arith.constant 1 : i32
      %parallel_loop3A_132 = arith.addi %parallel_loop3A_130, %parallel_loop3A_131 : i32
      %parallel_loop3A_133 = arith.index_cast %parallel_loop3A_132 : i32 to index
      %parallel_loop3A_134 = arith.constant 0 : index
      %parallel_loop3A_135 = tpu.vector_load %arg7[%parallel_loop3A_133, %parallel_loop3A_134] {strides = array<i32>} : memref<128x128xf32, #tpu.memory_space<vmem>>, vector<1x16xf32>,
      %parallel_loop3A_136 = vector.shape_cast %parallel_loop3A_135 : vector<1x16xf32> to vector<16xf32>
      %parallel_loop3A_137 = arith.index_cast %parallel_loop3A_128 : i32 to index
      %parallel_loop3A_138 = arith.constant 0 : index
      %parallel_loop3A_139 = tpu.vector_load %arg8[%parallel_loop3A_137, %parallel_loop3A_138] {strides = array<i32>} : memref<256x128xf32, #tpu.memory_space<vmem>>, vector<1x16xf32>,
      %parallel_loop3A_140 = vector.shape_cast %parallel_loop3A_139 : vector<1x16xf32> to vector<16xf32>
      %parallel_loop3A_141 = vector.shape_cast %parallel_loop3A_136 : vector<16xf32> to vector<1x16xf32>
      tpu.vector_store %arg8[%parallel_loop3A_137, %parallel_loop3A_138], %parallel_loop3A_141 {add = true, strides = array<i32>} : memref<256x128xf32, #tpu.memory_space<vmem>>, vector<1x16xf32>,
      %parallel_loop3A_142 = arith.index_cast %parallel_loop3A_132 : i32 to index
      %parallel_loop3A_143 = arith.constant 16 : index
      %parallel_loop3A_144 = tpu.vector_load %arg7[%parallel_loop3A_142, %parallel_loop3A_143] {strides = array<i32>} : memref<128x128xf32, #tpu.memory_space<vmem>>, vector<1x16xf32>,
      %parallel_loop3A_145 = vector.shape_cast %parallel_loop3A_144 : vector<1x16xf32> to vector<16xf32>
      %parallel_loop3A_146 = arith.index_cast %parallel_loop3A_128 : i32 to index
      %parallel_loop3A_147 = arith.constant 16 : index
      %parallel_loop3A_148 = tpu.vector_load %arg8[%parallel_loop3A_146, %parallel_loop3A_147] {strides = array<i32>} : memref<256x128xf32, #tpu.memory_space<vmem>>, vector<1x16xf32>,
      %parallel_loop3A_149 = vector.shape_cast %parallel_loop3A_148 : vector<1x16xf32> to vector<16xf32>
      %parallel_loop3A_150 = vector.shape_cast %parallel_loop3A_145 : vector<16xf32> to vector<1x16xf32>
      tpu.vector_store %arg8[%parallel_loop3A_146, %parallel_loop3A_147], %parallel_loop3A_150 {add = true, strides = array<i32>} : memref<256x128xf32, #tpu.memory_space<vmem>>, vector<1x16xf32>,
      %parallel_loop3A_151 = arith.index_cast %parallel_loop3A_132 : i32 to index
      %parallel_loop3A_152 = arith.constant 32 : index
      %parallel_loop3A_153 = tpu.vector_load %arg7[%parallel_loop3A_151, %parallel_loop3A_152] {strides = array<i32>} : memref<128x128xf32, #tpu.memory_space<vmem>>, vector<1x16xf32>,
      %parallel_loop3A_154 = vector.shape_cast %parallel_loop3A_153 : vector<1x16xf32> to vector<16xf32>
      %parallel_loop3A_155 = arith.index_cast %parallel_loop3A_128 : i32 to index
      %parallel_loop3A_156 = arith.constant 32 : index
      %parallel_loop3A_157 = tpu.vector_load %arg8[%parallel_loop3A_155, %parallel_loop3A_156] {strides = array<i32>} : memref<256x128xf32, #tpu.memory_space<vmem>>, vector<1x16xf32>,
      %parallel_loop3A_158 = vector.shape_cast %parallel_loop3A_157 : vector<1x16xf32> to vector<16xf32>
      %parallel_loop3A_159 = vector.shape_cast %parallel_loop3A_154 : vector<16xf32> to vector<1x16xf32>
      tpu.vector_store %arg8[%parallel_loop3A_155, %parallel_loop3A_156], %parallel_loop3A_159 {add = true, strides = array<i32>} : memref<256x128xf32, #tpu.memory_space<vmem>>, vector<1x16xf32>,
      %parallel_loop3A_160 = arith.index_cast %parallel_loop3A_132 : i32 to index
      %parallel_loop3A_161 = arith.constant 48 : index
      %parallel_loop3A_162 = tpu.vector_load %arg7[%parallel_loop3A_160, %parallel_loop3A_161] {strides = array<i32>} : memref<128x128xf32, #tpu.memory_space<vmem>>, vector<1x16xf32>,
      %parallel_loop3A_163 = vector.shape_cast %parallel_loop3A_162 : vector<1x16xf32> to vector<16xf32>
      %parallel_loop3A_164 = arith.index_cast %parallel_loop3A_128 : i32 to index
      %parallel_loop3A_165 = arith.constant 48 : index
      %parallel_loop3A_166 = tpu.vector_load %arg8[%parallel_loop3A_164, %parallel_loop3A_165] {strides = array<i32>} : memref<256x128xf32, #tpu.memory_space<vmem>>, vector<1x16xf32>,
      %parallel_loop3A_167 = vector.shape_cast %parallel_loop3A_166 : vector<1x16xf32> to vector<16xf32>
      %parallel_loop3A_168 = vector.shape_cast %parallel_loop3A_163 : vector<16xf32> to vector<1x16xf32>
      tpu.vector_store %arg8[%parallel_loop3A_164, %parallel_loop3A_165], %parallel_loop3A_168 {add = true, strides = array<i32>} : memref<256x128xf32, #tpu.memory_space<vmem>>, vector<1x16xf32>,
      %parallel_loop3A_169 = arith.index_cast %parallel_loop3A_132 : i32 to index
      %parallel_loop3A_170 = arith.constant 64 : index
      %parallel_loop3A_171 = tpu.vector_load %arg7[%parallel_loop3A_169, %parallel_loop3A_170] {strides = array<i32>} : memref<128x128xf32, #tpu.memory_space<vmem>>, vector<1x16xf32>,
      %parallel_loop3A_172 = vector.shape_cast %parallel_loop3A_171 : vector<1x16xf32> to vector<16xf32>
      %parallel_loop3A_173 = arith.index_cast %parallel_loop3A_128 : i32 to index
      %parallel_loop3A_174 = arith.constant 64 : index
      %parallel_loop3A_175 = tpu.vector_load %arg8[%parallel_loop3A_173, %parallel_loop3A_174] {strides = array<i32>} : memref<256x128xf32, #tpu.memory_space<vmem>>, vector<1x16xf32>,
      %parallel_loop3A_176 = vector.shape_cast %parallel_loop3A_175 : vector<1x16xf32> to vector<16xf32>
      %parallel_loop3A_177 = vector.shape_cast %parallel_loop3A_172 : vector<16xf32> to vector<1x16xf32>
      tpu.vector_store %arg8[%parallel_loop3A_173, %parallel_loop3A_174], %parallel_loop3A_177 {add = true, strides = array<i32>} : memref<256x128xf32, #tpu.memory_space<vmem>>, vector<1x16xf32>,
      %parallel_loop3A_178 = arith.index_cast %parallel_loop3A_132 : i32 to index
      %parallel_loop3A_179 = arith.constant 80 : index
      %parallel_loop3A_180 = tpu.vector_load %arg7[%parallel_loop3A_178, %parallel_loop3A_179] {strides = array<i32>} : memref<128x128xf32, #tpu.memory_space<vmem>>, vector<1x16xf32>,
      %parallel_loop3A_181 = vector.shape_cast %parallel_loop3A_180 : vector<1x16xf32> to vector<16xf32>
      %parallel_loop3A_182 = arith.index_cast %parallel_loop3A_128 : i32 to index
      %parallel_loop3A_183 = arith.constant 80 : index
      %parallel_loop3A_184 = tpu.vector_load %arg8[%parallel_loop3A_182, %parallel_loop3A_183] {strides = array<i32>} : memref<256x128xf32, #tpu.memory_space<vmem>>, vector<1x16xf32>,
      %parallel_loop3A_185 = vector.shape_cast %parallel_loop3A_184 : vector<1x16xf32> to vector<16xf32>
      %parallel_loop3A_186 = vector.shape_cast %parallel_loop3A_181 : vector<16xf32> to vector<1x16xf32>
      tpu.vector_store %arg8[%parallel_loop3A_182, %parallel_loop3A_183], %parallel_loop3A_186 {add = true, strides = array<i32>} : memref<256x128xf32, #tpu.memory_space<vmem>>, vector<1x16xf32>,
      %parallel_loop3A_187 = arith.index_cast %parallel_loop3A_132 : i32 to index
      %parallel_loop3A_188 = arith.constant 96 : index
      %parallel_loop3A_189 = tpu.vector_load %arg7[%parallel_loop3A_187, %parallel_loop3A_188] {strides = array<i32>} : memref<128x128xf32, #tpu.memory_space<vmem>>, vector<1x16xf32>,
      %parallel_loop3A_190 = vector.shape_cast %parallel_loop3A_189 : vector<1x16xf32> to vector<16xf32>
      %parallel_loop3A_191 = arith.index_cast %parallel_loop3A_128 : i32 to index
      %parallel_loop3A_192 = arith.constant 96 : index
      %parallel_loop3A_193 = tpu.vector_load %arg8[%parallel_loop3A_191, %parallel_loop3A_192] {strides = array<i32>} : memref<256x128xf32, #tpu.memory_space<vmem>>, vector<1x16xf32>,
      %parallel_loop3A_194 = vector.shape_cast %parallel_loop3A_193 : vector<1x16xf32> to vector<16xf32>
      %parallel_loop3A_195 = vector.shape_cast %parallel_loop3A_190 : vector<16xf32> to vector<1x16xf32>
      tpu.vector_store %arg8[%parallel_loop3A_191, %parallel_loop3A_192], %parallel_loop3A_195 {add = true, strides = array<i32>} : memref<256x128xf32, #tpu.memory_space<vmem>>, vector<1x16xf32>,
      %parallel_loop3A_196 = arith.index_cast %parallel_loop3A_132 : i32 to index
      %parallel_loop3A_197 = arith.constant 112 : index
      %parallel_loop3A_198 = tpu.vector_load %arg7[%parallel_loop3A_196, %parallel_loop3A_197] {strides = array<i32>} : memref<128x128xf32, #tpu.memory_space<vmem>>, vector<1x16xf32>,
      %parallel_loop3A_199 = vector.shape_cast %parallel_loop3A_198 : vector<1x16xf32> to vector<16xf32>
      %parallel_loop3A_200 = arith.index_cast %parallel_loop3A_128 : i32 to index
      %parallel_loop3A_201 = arith.constant 112 : index
      %parallel_loop3A_202 = tpu.vector_load %arg8[%parallel_loop3A_200, %parallel_loop3A_201] {strides = array<i32>} : memref<256x128xf32, #tpu.memory_space<vmem>>, vector<1x16xf32>,
      %parallel_loop3A_203 = vector.shape_cast %parallel_loop3A_202 : vector<1x16xf32> to vector<16xf32>
      %parallel_loop3A_204 = vector.shape_cast %parallel_loop3A_199 : vector<16xf32> to vector<1x16xf32>
      tpu.vector_store %arg8[%parallel_loop3A_200, %parallel_loop3A_201], %parallel_loop3A_204 {add = true, strides = array<i32>} : memref<256x128xf32, #tpu.memory_space<vmem>>, vector<1x16xf32>,
      %parallel_loop3A_205 = vector.extract_strided_slice %parallel_loop3A_48 {offsets = [2], sizes = [1], strides = [1]} : vector<16xi32> to vector<1xi32>
      %parallel_loop3A_206 = vector.extract %parallel_loop3A_205[0] : i32 from vector<1xi32>
      %parallel_loop3A_207 = arith.constant 16 : i32
      %parallel_loop3A_208 = arith.muli %parallel_loop3A_43, %parallel_loop3A_207 : i32
      %parallel_loop3A_209 = arith.constant 2 : i32
      %parallel_loop3A_210 = arith.addi %parallel_loop3A_208, %parallel_loop3A_209 : i32
      %parallel_loop3A_211 = arith.index_cast %parallel_loop3A_210 : i32 to index
      %parallel_loop3A_212 = arith.constant 0 : index
      %parallel_loop3A_213 = tpu.vector_load %arg7[%parallel_loop3A_211, %parallel_loop3A_212] {strides = array<i32>} : memref<128x128xf32, #tpu.memory_space<vmem>>, vector<1x16xf32>,
      %parallel_loop3A_214 = vector.shape_cast %parallel_loop3A_213 : vector<1x16xf32> to vector<16xf32>
      %parallel_loop3A_215 = arith.index_cast %parallel_loop3A_206 : i32 to index
      %parallel_loop3A_216 = arith.constant 0 : index
      %parallel_loop3A_217 = tpu.vector_load %arg8[%parallel_loop3A_215, %parallel_loop3A_216] {strides = array<i32>} : memref<256x128xf32, #tpu.memory_space<vmem>>, vector<1x16xf32>,
      %parallel_loop3A_218 = vector.shape_cast %parallel_loop3A_217 : vector<1x16xf32> to vector<16xf32>
      %parallel_loop3A_219 = vector.shape_cast %parallel_loop3A_214 : vector<16xf32> to vector<1x16xf32>
      tpu.vector_store %arg8[%parallel_loop3A_215, %parallel_loop3A_216], %parallel_loop3A_219 {add = true, strides = array<i32>} : memref<256x128xf32, #tpu.memory_space<vmem>>, vector<1x16xf32>,
      %parallel_loop3A_220 = arith.index_cast %parallel_loop3A_210 : i32 to index
      %parallel_loop3A_221 = arith.constant 16 : index
      %parallel_loop3A_222 = tpu.vector_load %arg7[%parallel_loop3A_220, %parallel_loop3A_221] {strides = array<i32>} : memref<128x128xf32, #tpu.memory_space<vmem>>, vector<1x16xf32>,
      %parallel_loop3A_223 = vector.shape_cast %parallel_loop3A_222 : vector<1x16xf32> to vector<16xf32>
      %parallel_loop3A_224 = arith.index_cast %parallel_loop3A_206 : i32 to index
      %parallel_loop3A_225 = arith.constant 16 : index
      %parallel_loop3A_226 = tpu.vector_load %arg8[%parallel_loop3A_224, %parallel_loop3A_225] {strides = array<i32>} : memref<256x128xf32, #tpu.memory_space<vmem>>, vector<1x16xf32>,
      %parallel_loop3A_227 = vector.shape_cast %parallel_loop3A_226 : vector<1x16xf32> to vector<16xf32>
      %parallel_loop3A_228 = vector.shape_cast %parallel_loop3A_223 : vector<16xf32> to vector<1x16xf32>
      tpu.vector_store %arg8[%parallel_loop3A_224, %parallel_loop3A_225], %parallel_loop3A_228 {add = true, strides = array<i32>} : memref<256x128xf32, #tpu.memory_space<vmem>>, vector<1x16xf32>,
      %parallel_loop3A_229 = arith.index_cast %parallel_loop3A_210 : i32 to index
      %parallel_loop3A_230 = arith.constant 32 : index
      %parallel_loop3A_231 = tpu.vector_load %arg7[%parallel_loop3A_229, %parallel_loop3A_230] {strides = array<i32>} : memref<128x128xf32, #tpu.memory_space<vmem>>, vector<1x16xf32>,
      %parallel_loop3A_232 = vector.shape_cast %parallel_loop3A_231 : vector<1x16xf32> to vector<16xf32>
      %parallel_loop3A_233 = arith.index_cast %parallel_loop3A_206 : i32 to index
      %parallel_loop3A_234 = arith.constant 32 : index
      %parallel_loop3A_235 = tpu.vector_load %arg8[%parallel_loop3A_233, %parallel_loop3A_234] {strides = array<i32>} : memref<256x128xf32, #tpu.memory_space<vmem>>, vector<1x16xf32>,
      %parallel_loop3A_236 = vector.shape_cast %parallel_loop3A_235 : vector<1x16xf32> to vector<16xf32>
      %parallel_loop3A_237 = vector.shape_cast %parallel_loop3A_232 : vector<16xf32> to vector<1x16xf32>
      tpu.vector_store %arg8[%parallel_loop3A_233, %parallel_loop3A_234], %parallel_loop3A_237 {add = true, strides = array<i32>} : memref<256x128xf32, #tpu.memory_space<vmem>>, vector<1x16xf32>,
      %parallel_loop3A_238 = arith.index_cast %parallel_loop3A_210 : i32 to index
      %parallel_loop3A_239 = arith.constant 48 : index
      %parallel_loop3A_240 = tpu.vector_load %arg7[%parallel_loop3A_238, %parallel_loop3A_239] {strides = array<i32>} : memref<128x128xf32, #tpu.memory_space<vmem>>, vector<1x16xf32>,
      %parallel_loop3A_241 = vector.shape_cast %parallel_loop3A_240 : vector<1x16xf32> to vector<16xf32>
      %parallel_loop3A_242 = arith.index_cast %parallel_loop3A_206 : i32 to index
      %parallel_loop3A_243 = arith.constant 48 : index
      %parallel_loop3A_244 = tpu.vector_load %arg8[%parallel_loop3A_242, %parallel_loop3A_243] {strides = array<i32>} : memref<256x128xf32, #tpu.memory_space<vmem>>, vector<1x16xf32>,
      %parallel_loop3A_245 = vector.shape_cast %parallel_loop3A_244 : vector<1x16xf32> to vector<16xf32>
      %parallel_loop3A_246 = vector.shape_cast %parallel_loop3A_241 : vector<16xf32> to vector<1x16xf32>
      tpu.vector_store %arg8[%parallel_loop3A_242, %parallel_loop3A_243], %parallel_loop3A_246 {add = true, strides = array<i32>} : memref<256x128xf32, #tpu.memory_space<vmem>>, vector<1x16xf32>,
      %parallel_loop3A_247 = arith.index_cast %parallel_loop3A_210 : i32 to index
      %parallel_loop3A_248 = arith.constant 64 : index
      %parallel_loop3A_249 = tpu.vector_load %arg7[%parallel_loop3A_247, %parallel_loop3A_248] {strides = array<i32>} : memref<128x128xf32, #tpu.memory_space<vmem>>, vector<1x16xf32>,
      %parallel_loop3A_250 = vector.shape_cast %parallel_loop3A_249 : vector<1x16xf32> to vector<16xf32>
      %parallel_loop3A_251 = arith.index_cast %parallel_loop3A_206 : i32 to index
      %parallel_loop3A_252 = arith.constant 64 : index
      %parallel_loop3A_253 = tpu.vector_load %arg8[%parallel_loop3A_251, %parallel_loop3A_252] {strides = array<i32>} : memref<256x128xf32, #tpu.memory_space<vmem>>, vector<1x16xf32>,
      %parallel_loop3A_254 = vector.shape_cast %parallel_loop3A_253 : vector<1x16xf32> to vector<16xf32>
      %parallel_loop3A_255 = vector.shape_cast %parallel_loop3A_250 : vector<16xf32> to vector<1x16xf32>
      tpu.vector_store %arg8[%parallel_loop3A_251, %parallel_loop3A_252], %parallel_loop3A_255 {add = true, strides = array<i32>} : memref<256x128xf32, #tpu.memory_space<vmem>>, vector<1x16xf32>,
      %parallel_loop3A_256 = arith.index_cast %parallel_loop3A_210 : i32 to index
      %parallel_loop3A_257 = arith.constant 80 : index
      %parallel_loop3A_258 = tpu.vector_load %arg7[%parallel_loop3A_256, %parallel_loop3A_257] {strides = array<i32>} : memref<128x128xf32, #tpu.memory_space<vmem>>, vector<1x16xf32>,
      %parallel_loop3A_259 = vector.shape_cast %parallel_loop3A_258 : vector<1x16xf32> to vector<16xf32>
      %parallel_loop3A_260 = arith.index_cast %parallel_loop3A_206 : i32 to index
      %parallel_loop3A_261 = arith.constant 80 : index
      %parallel_loop3A_262 = tpu.vector_load %arg8[%parallel_loop3A_260, %parallel_loop3A_261] {strides = array<i32>} : memref<256x128xf32, #tpu.memory_space<vmem>>, vector<1x16xf32>,
      %parallel_loop3A_263 = vector.shape_cast %parallel_loop3A_262 : vector<1x16xf32> to vector<16xf32>
      %parallel_loop3A_264 = vector.shape_cast %parallel_loop3A_259 : vector<16xf32> to vector<1x16xf32>
      tpu.vector_store %arg8[%parallel_loop3A_260, %parallel_loop3A_261], %parallel_loop3A_264 {add = true, strides = array<i32>} : memref<256x128xf32, #tpu.memory_space<vmem>>, vector<1x16xf32>,
      %parallel_loop3A_265 = arith.index_cast %parallel_loop3A_210 : i32 to index
      %parallel_loop3A_266 = arith.constant 96 : index
      %parallel_loop3A_267 = tpu.vector_load %arg7[%parallel_loop3A_265, %parallel_loop3A_266] {strides = array<i32>} : memref<128x128xf32, #tpu.memory_space<vmem>>, vector<1x16xf32>,
      %parallel_loop3A_268 = vector.shape_cast %parallel_loop3A_267 : vector<1x16xf32> to vector<16xf32>
      %parallel_loop3A_269 = arith.index_cast %parallel_loop3A_206 : i32 to index
      %parallel_loop3A_270 = arith.constant 96 : index
      %parallel_loop3A_271 = tpu.vector_load %arg8[%parallel_loop3A_269, %parallel_loop3A_270] {strides = array<i32>} : memref<256x128xf32, #tpu.memory_space<vmem>>, vector<1x16xf32>,
      %parallel_loop3A_272 = vector.shape_cast %parallel_loop3A_271 : vector<1x16xf32> to vector<16xf32>
      %parallel_loop3A_273 = vector.shape_cast %parallel_loop3A_268 : vector<16xf32> to vector<1x16xf32>
      tpu.vector_store %arg8[%parallel_loop3A_269, %parallel_loop3A_270], %parallel_loop3A_273 {add = true, strides = array<i32>} : memref<256x128xf32, #tpu.memory_space<vmem>>, vector<1x16xf32>,
      %parallel_loop3A_274 = arith.index_cast %parallel_loop3A_210 : i32 to index
      %parallel_loop3A_275 = arith.constant 112 : index
      %parallel_loop3A_276 = tpu.vector_load %arg7[%parallel_loop3A_274, %parallel_loop3A_275] {strides = array<i32>} : memref<128x128xf32, #tpu.memory_space<vmem>>, vector<1x16xf32>,
      %parallel_loop3A_277 = vector.shape_cast %parallel_loop3A_276 : vector<1x16xf32> to vector<16xf32>
      %parallel_loop3A_278 = arith.index_cast %parallel_loop3A_206 : i32 to index
      %parallel_loop3A_279 = arith.constant 112 : index
      %parallel_loop3A_280 = tpu.vector_load %arg8[%parallel_loop3A_278, %parallel_loop3A_279] {strides = array<i32>} : memref<256x128xf32, #tpu.memory_space<vmem>>, vector<1x16xf32>,
      %parallel_loop3A_281 = vector.shape_cast %parallel_loop3A_280 : vector<1x16xf32> to vector<16xf32>
      %parallel_loop3A_282 = vector.shape_cast %parallel_loop3A_277 : vector<16xf32> to vector<1x16xf32>
      tpu.vector_store %arg8[%parallel_loop3A_278, %parallel_loop3A_279], %parallel_loop3A_282 {add = true, strides = array<i32>} : memref<256x128xf32, #tpu.memory_space<vmem>>, vector<1x16xf32>,
      %parallel_loop3A_283 = vector.extract_strided_slice %parallel_loop3A_48 {offsets = [3], sizes = [1], strides = [1]} : vector<16xi32> to vector<1xi32>
      %parallel_loop3A_284 = vector.extract %parallel_loop3A_283[0] : i32 from vector<1xi32>
      %parallel_loop3A_285 = arith.constant 16 : i32
      %parallel_loop3A_286 = arith.muli %parallel_loop3A_43, %parallel_loop3A_285 : i32
      %parallel_loop3A_287 = arith.constant 3 : i32
      %parallel_loop3A_288 = arith.addi %parallel_loop3A_286, %parallel_loop3A_287 : i32
      %parallel_loop3A_289 = arith.index_cast %parallel_loop3A_288 : i32 to index
      %parallel_loop3A_290 = arith.constant 0 : index
      %parallel_loop3A_291 = tpu.vector_load %arg7[%parallel_loop3A_289, %parallel_loop3A_290] {strides = array<i32>} : memref<128x128xf32, #tpu.memory_space<vmem>>, vector<1x16xf32>,
      %parallel_loop3A_292 = vector.shape_cast %parallel_loop3A_291 : vector<1x16xf32> to vector<16xf32>
      %parallel_loop3A_293 = arith.index_cast %parallel_loop3A_284 : i32 to index
      %parallel_loop3A_294 = arith.constant 0 : index
      %parallel_loop3A_295 = tpu.vector_load %arg8[%parallel_loop3A_293, %parallel_loop3A_294] {strides = array<i32>} : memref<256x128xf32, #tpu.memory_space<vmem>>, vector<1x16xf32>,
      %parallel_loop3A_296 = vector.shape_cast %parallel_loop3A_295 : vector<1x16xf32> to vector<16xf32>
      %parallel_loop3A_297 = vector.shape_cast %parallel_loop3A_292 : vector<16xf32> to vector<1x16xf32>
      tpu.vector_store %arg8[%parallel_loop3A_293, %parallel_loop3A_294], %parallel_loop3A_297 {add = true, strides = array<i32>} : memref<256x128xf32, #tpu.memory_space<vmem>>, vector<1x16xf32>,
      %parallel_loop3A_298 = arith.index_cast %parallel_loop3A_288 : i32 to index
      %parallel_loop3A_299 = arith.constant 16 : index
      %parallel_loop3A_300 = tpu.vector_load %arg7[%parallel_loop3A_298, %parallel_loop3A_299] {strides = array<i32>} : memref<128x128xf32, #tpu.memory_space<vmem>>, vector<1x16xf32>,
      %parallel_loop3A_301 = vector.shape_cast %parallel_loop3A_300 : vector<1x16xf32> to vector<16xf32>
      %parallel_loop3A_302 = arith.index_cast %parallel_loop3A_284 : i32 to index
      %parallel_loop3A_303 = arith.constant 16 : index
      %parallel_loop3A_304 = tpu.vector_load %arg8[%parallel_loop3A_302, %parallel_loop3A_303] {strides = array<i32>} : memref<256x128xf32, #tpu.memory_space<vmem>>, vector<1x16xf32>,
      %parallel_loop3A_305 = vector.shape_cast %parallel_loop3A_304 : vector<1x16xf32> to vector<16xf32>
      %parallel_loop3A_306 = vector.shape_cast %parallel_loop3A_301 : vector<16xf32> to vector<1x16xf32>
      tpu.vector_store %arg8[%parallel_loop3A_302, %parallel_loop3A_303], %parallel_loop3A_306 {add = true, strides = array<i32>} : memref<256x128xf32, #tpu.memory_space<vmem>>, vector<1x16xf32>,
      %parallel_loop3A_307 = arith.index_cast %parallel_loop3A_288 : i32 to index
      %parallel_loop3A_308 = arith.constant 32 : index
      %parallel_loop3A_309 = tpu.vector_load %arg7[%parallel_loop3A_307, %parallel_loop3A_308] {strides = array<i32>} : memref<128x128xf32, #tpu.memory_space<vmem>>, vector<1x16xf32>,
      %parallel_loop3A_310 = vector.shape_cast %parallel_loop3A_309 : vector<1x16xf32> to vector<16xf32>
      %parallel_loop3A_311 = arith.index_cast %parallel_loop3A_284 : i32 to index
      %parallel_loop3A_312 = arith.constant 32 : index
      %parallel_loop3A_313 = tpu.vector_load %arg8[%parallel_loop3A_311, %parallel_loop3A_312] {strides = array<i32>} : memref<256x128xf32, #tpu.memory_space<vmem>>, vector<1x16xf32>,
      %parallel_loop3A_314 = vector.shape_cast %parallel_loop3A_313 : vector<1x16xf32> to vector<16xf32>
      %parallel_loop3A_315 = vector.shape_cast %parallel_loop3A_310 : vector<16xf32> to vector<1x16xf32>
      tpu.vector_store %arg8[%parallel_loop3A_311, %parallel_loop3A_312], %parallel_loop3A_315 {add = true, strides = array<i32>} : memref<256x128xf32, #tpu.memory_space<vmem>>, vector<1x16xf32>,
      %parallel_loop3A_316 = arith.index_cast %parallel_loop3A_288 : i32 to index
      %parallel_loop3A_317 = arith.constant 48 : index
      %parallel_loop3A_318 = tpu.vector_load %arg7[%parallel_loop3A_316, %parallel_loop3A_317] {strides = array<i32>} : memref<128x128xf32, #tpu.memory_space<vmem>>, vector<1x16xf32>,
      %parallel_loop3A_319 = vector.shape_cast %parallel_loop3A_318 : vector<1x16xf32> to vector<16xf32>
      %parallel_loop3A_320 = arith.index_cast %parallel_loop3A_284 : i32 to index
      %parallel_loop3A_321 = arith.constant 48 : index
      %parallel_loop3A_322 = tpu.vector_load %arg8[%parallel_loop3A_320, %parallel_loop3A_321] {strides = array<i32>} : memref<256x128xf32, #tpu.memory_space<vmem>>, vector<1x16xf32>,
      %parallel_loop3A_323 = vector.shape_cast %parallel_loop3A_322 : vector<1x16xf32> to vector<16xf32>
      %parallel_loop3A_324 = vector.shape_cast %parallel_loop3A_319 : vector<16xf32> to vector<1x16xf32>
      tpu.vector_store %arg8[%parallel_loop3A_320, %parallel_loop3A_321], %parallel_loop3A_324 {add = true, strides = array<i32>} : memref<256x128xf32, #tpu.memory_space<vmem>>, vector<1x16xf32>,
      %parallel_loop3A_325 = arith.index_cast %parallel_loop3A_288 : i32 to index
      %parallel_loop3A_326 = arith.constant 64 : index
      %parallel_loop3A_327 = tpu.vector_load %arg7[%parallel_loop3A_325, %parallel_loop3A_326] {strides = array<i32>} : memref<128x128xf32, #tpu.memory_space<vmem>>, vector<1x16xf32>,
      %parallel_loop3A_328 = vector.shape_cast %parallel_loop3A_327 : vector<1x16xf32> to vector<16xf32>
      %parallel_loop3A_329 = arith.index_cast %parallel_loop3A_284 : i32 to index
      %parallel_loop3A_330 = arith.constant 64 : index
      %parallel_loop3A_331 = tpu.vector_load %arg8[%parallel_loop3A_329, %parallel_loop3A_330] {strides = array<i32>} : memref<256x128xf32, #tpu.memory_space<vmem>>, vector<1x16xf32>,
      %parallel_loop3A_332 = vector.shape_cast %parallel_loop3A_331 : vector<1x16xf32> to vector<16xf32>
      %parallel_loop3A_333 = vector.shape_cast %parallel_loop3A_328 : vector<16xf32> to vector<1x16xf32>
      tpu.vector_store %arg8[%parallel_loop3A_329, %parallel_loop3A_330], %parallel_loop3A_333 {add = true, strides = array<i32>} : memref<256x128xf32, #tpu.memory_space<vmem>>, vector<1x16xf32>,
      %parallel_loop3A_334 = arith.index_cast %parallel_loop3A_288 : i32 to index
      %parallel_loop3A_335 = arith.constant 80 : index
      %parallel_loop3A_336 = tpu.vector_load %arg7[%parallel_loop3A_334, %parallel_loop3A_335] {strides = array<i32>} : memref<128x128xf32, #tpu.memory_space<vmem>>, vector<1x16xf32>,
      %parallel_loop3A_337 = vector.shape_cast %parallel_loop3A_336 : vector<1x16xf32> to vector<16xf32>
      %parallel_loop3A_338 = arith.index_cast %parallel_loop3A_284 : i32 to index
      %parallel_loop3A_339 = arith.constant 80 : index
      %parallel_loop3A_340 = tpu.vector_load %arg8[%parallel_loop3A_338, %parallel_loop3A_339] {strides = array<i32>} : memref<256x128xf32, #tpu.memory_space<vmem>>, vector<1x16xf32>,
      %parallel_loop3A_341 = vector.shape_cast %parallel_loop3A_340 : vector<1x16xf32> to vector<16xf32>
      %parallel_loop3A_342 = vector.shape_cast %parallel_loop3A_337 : vector<16xf32> to vector<1x16xf32>
      tpu.vector_store %arg8[%parallel_loop3A_338, %parallel_loop3A_339], %parallel_loop3A_342 {add = true, strides = array<i32>} : memref<256x128xf32, #tpu.memory_space<vmem>>, vector<1x16xf32>,
      %parallel_loop3A_343 = arith.index_cast %parallel_loop3A_288 : i32 to index
      %parallel_loop3A_344 = arith.constant 96 : index
      %parallel_loop3A_345 = tpu.vector_load %arg7[%parallel_loop3A_343, %parallel_loop3A_344] {strides = array<i32>} : memref<128x128xf32, #tpu.memory_space<vmem>>, vector<1x16xf32>,
      %parallel_loop3A_346 = vector.shape_cast %parallel_loop3A_345 : vector<1x16xf32> to vector<16xf32>
      %parallel_loop3A_347 = arith.index_cast %parallel_loop3A_284 : i32 to index
      %parallel_loop3A_348 = arith.constant 96 : index
      %parallel_loop3A_349 = tpu.vector_load %arg8[%parallel_loop3A_347, %parallel_loop3A_348] {strides = array<i32>} : memref<256x128xf32, #tpu.memory_space<vmem>>, vector<1x16xf32>,
      %parallel_loop3A_350 = vector.shape_cast %parallel_loop3A_349 : vector<1x16xf32> to vector<16xf32>
      %parallel_loop3A_351 = vector.shape_cast %parallel_loop3A_346 : vector<16xf32> to vector<1x16xf32>
      tpu.vector_store %arg8[%parallel_loop3A_347, %parallel_loop3A_348], %parallel_loop3A_351 {add = true, strides = array<i32>} : memref<256x128xf32, #tpu.memory_space<vmem>>, vector<1x16xf32>,
      %parallel_loop3A_352 = arith.index_cast %parallel_loop3A_288 : i32 to index
      %parallel_loop3A_353 = arith.constant 112 : index
      %parallel_loop3A_354 = tpu.vector_load %arg7[%parallel_loop3A_352, %parallel_loop3A_353] {strides = array<i32>} : memref<128x128xf32, #tpu.memory_space<vmem>>, vector<1x16xf32>,
      %parallel_loop3A_355 = vector.shape_cast %parallel_loop3A_354 : vector<1x16xf32> to vector<16xf32>
      %parallel_loop3A_356 = arith.index_cast %parallel_loop3A_284 : i32 to index
      %parallel_loop3A_357 = arith.constant 112 : index
      %parallel_loop3A_358 = tpu.vector_load %arg8[%parallel_loop3A_356, %parallel_loop3A_357] {strides = array<i32>} : memref<256x128xf32, #tpu.memory_space<vmem>>, vector<1x16xf32>,
      %parallel_loop3A_359 = vector.shape_cast %parallel_loop3A_358 : vector<1x16xf32> to vector<16xf32>
      %parallel_loop3A_360 = vector.shape_cast %parallel_loop3A_355 : vector<16xf32> to vector<1x16xf32>
      tpu.vector_store %arg8[%parallel_loop3A_356, %parallel_loop3A_357], %parallel_loop3A_360 {add = true, strides = array<i32>} : memref<256x128xf32, #tpu.memory_space<vmem>>, vector<1x16xf32>,
      %parallel_loop3A_361 = vector.extract_strided_slice %parallel_loop3A_48 {offsets = [4], sizes = [1], strides = [1]} : vector<16xi32> to vector<1xi32>
      %parallel_loop3A_362 = vector.extract %parallel_loop3A_361[0] : i32 from vector<1xi32>
      %parallel_loop3A_363 = arith.constant 16 : i32
      %parallel_loop3A_364 = arith.muli %parallel_loop3A_43, %parallel_loop3A_363 : i32
      %parallel_loop3A_365 = arith.constant 4 : i32
      %parallel_loop3A_366 = arith.addi %parallel_loop3A_364, %parallel_loop3A_365 : i32
      %parallel_loop3A_367 = arith.index_cast %parallel_loop3A_366 : i32 to index
      %parallel_loop3A_368 = arith.constant 0 : index
      %parallel_loop3A_369 = tpu.vector_load %arg7[%parallel_loop3A_367, %parallel_loop3A_368] {strides = array<i32>} : memref<128x128xf32, #tpu.memory_space<vmem>>, vector<1x16xf32>,
      %parallel_loop3A_370 = vector.shape_cast %parallel_loop3A_369 : vector<1x16xf32> to vector<16xf32>
      %parallel_loop3A_371 = arith.index_cast %parallel_loop3A_362 : i32 to index
      %parallel_loop3A_372 = arith.constant 0 : index
      %parallel_loop3A_373 = tpu.vector_load %arg8[%parallel_loop3A_371, %parallel_loop3A_372] {strides = array<i32>} : memref<256x128xf32, #tpu.memory_space<vmem>>, vector<1x16xf32>,
      %parallel_loop3A_374 = vector.shape_cast %parallel_loop3A_373 : vector<1x16xf32> to vector<16xf32>
      %parallel_loop3A_375 = vector.shape_cast %parallel_loop3A_370 : vector<16xf32> to vector<1x16xf32>
      tpu.vector_store %arg8[%parallel_loop3A_371, %parallel_loop3A_372], %parallel_loop3A_375 {add = true, strides = array<i32>} : memref<256x128xf32, #tpu.memory_space<vmem>>, vector<1x16xf32>,
      %parallel_loop3A_376 = arith.index_cast %parallel_loop3A_366 : i32 to index
      %parallel_loop3A_377 = arith.constant 16 : index
      %parallel_loop3A_378 = tpu.vector_load %arg7[%parallel_loop3A_376, %parallel_loop3A_377] {strides = array<i32>} : memref<128x128xf32, #tpu.memory_space<vmem>>, vector<1x16xf32>,
      %parallel_loop3A_379 = vector.shape_cast %parallel_loop3A_378 : vector<1x16xf32> to vector<16xf32>
      %parallel_loop3A_380 = arith.index_cast %parallel_loop3A_362 : i32 to index
      %parallel_loop3A_381 = arith.constant 16 : index
      %parallel_loop3A_382 = tpu.vector_load %arg8[%parallel_loop3A_380, %parallel_loop3A_381] {strides = array<i32>} : memref<256x128xf32, #tpu.memory_space<vmem>>, vector<1x16xf32>,
      %parallel_loop3A_383 = vector.shape_cast %parallel_loop3A_382 : vector<1x16xf32> to vector<16xf32>
      %parallel_loop3A_384 = vector.shape_cast %parallel_loop3A_379 : vector<16xf32> to vector<1x16xf32>
      tpu.vector_store %arg8[%parallel_loop3A_380, %parallel_loop3A_381], %parallel_loop3A_384 {add = true, strides = array<i32>} : memref<256x128xf32, #tpu.memory_space<vmem>>, vector<1x16xf32>,
      %parallel_loop3A_385 = arith.index_cast %parallel_loop3A_366 : i32 to index
      %parallel_loop3A_386 = arith.constant 32 : index
      %parallel_loop3A_387 = tpu.vector_load %arg7[%parallel_loop3A_385, %parallel_loop3A_386] {strides = array<i32>} : memref<128x128xf32, #tpu.memory_space<vmem>>, vector<1x16xf32>,
      %parallel_loop3A_388 = vector.shape_cast %parallel_loop3A_387 : vector<1x16xf32> to vector<16xf32>
      %parallel_loop3A_389 = arith.index_cast %parallel_loop3A_362 : i32 to index
      %parallel_loop3A_390 = arith.constant 32 : index
      %parallel_loop3A_391 = tpu.vector_load %arg8[%parallel_loop3A_389, %parallel_loop3A_390] {strides = array<i32>} : memref<256x128xf32, #tpu.memory_space<vmem>>, vector<1x16xf32>,
      %parallel_loop3A_392 = vector.shape_cast %parallel_loop3A_391 : vector<1x16xf32> to vector<16xf32>
      %parallel_loop3A_393 = vector.shape_cast %parallel_loop3A_388 : vector<16xf32> to vector<1x16xf32>
      tpu.vector_store %arg8[%parallel_loop3A_389, %parallel_loop3A_390], %parallel_loop3A_393 {add = true, strides = array<i32>} : memref<256x128xf32, #tpu.memory_space<vmem>>, vector<1x16xf32>,
      %parallel_loop3A_394 = arith.index_cast %parallel_loop3A_366 : i32 to index
      %parallel_loop3A_395 = arith.constant 48 : index
      %parallel_loop3A_396 = tpu.vector_load %arg7[%parallel_loop3A_394, %parallel_loop3A_395] {strides = array<i32>} : memref<128x128xf32, #tpu.memory_space<vmem>>, vector<1x16xf32>,
      %parallel_loop3A_397 = vector.shape_cast %parallel_loop3A_396 : vector<1x16xf32> to vector<16xf32>
      %parallel_loop3A_398 = arith.index_cast %parallel_loop3A_362 : i32 to index
      %parallel_loop3A_399 = arith.constant 48 : index
      %parallel_loop3A_400 = tpu.vector_load %arg8[%parallel_loop3A_398, %parallel_loop3A_399] {strides = array<i32>} : memref<256x128xf32, #tpu.memory_space<vmem>>, vector<1x16xf32>,
      %parallel_loop3A_401 = vector.shape_cast %parallel_loop3A_400 : vector<1x16xf32> to vector<16xf32>
      %parallel_loop3A_402 = vector.shape_cast %parallel_loop3A_397 : vector<16xf32> to vector<1x16xf32>
      tpu.vector_store %arg8[%parallel_loop3A_398, %parallel_loop3A_399], %parallel_loop3A_402 {add = true, strides = array<i32>} : memref<256x128xf32, #tpu.memory_space<vmem>>, vector<1x16xf32>,
      %parallel_loop3A_403 = arith.index_cast %parallel_loop3A_366 : i32 to index
      %parallel_loop3A_404 = arith.constant 64 : index
      %parallel_loop3A_405 = tpu.vector_load %arg7[%parallel_loop3A_403, %parallel_loop3A_404] {strides = array<i32>} : memref<128x128xf32, #tpu.memory_space<vmem>>, vector<1x16xf32>,
      %parallel_loop3A_406 = vector.shape_cast %parallel_loop3A_405 : vector<1x16xf32> to vector<16xf32>
      %parallel_loop3A_407 = arith.index_cast %parallel_loop3A_362 : i32 to index
      %parallel_loop3A_408 = arith.constant 64 : index
      %parallel_loop3A_409 = tpu.vector_load %arg8[%parallel_loop3A_407, %parallel_loop3A_408] {strides = array<i32>} : memref<256x128xf32, #tpu.memory_space<vmem>>, vector<1x16xf32>,
      %parallel_loop3A_410 = vector.shape_cast %parallel_loop3A_409 : vector<1x16xf32> to vector<16xf32>
      %parallel_loop3A_411 = vector.shape_cast %parallel_loop3A_406 : vector<16xf32> to vector<1x16xf32>
      tpu.vector_store %arg8[%parallel_loop3A_407, %parallel_loop3A_408], %parallel_loop3A_411 {add = true, strides = array<i32>} : memref<256x128xf32, #tpu.memory_space<vmem>>, vector<1x16xf32>,
      %parallel_loop3A_412 = arith.index_cast %parallel_loop3A_366 : i32 to index
      %parallel_loop3A_413 = arith.constant 80 : index
      %parallel_loop3A_414 = tpu.vector_load %arg7[%parallel_loop3A_412, %parallel_loop3A_413] {strides = array<i32>} : memref<128x128xf32, #tpu.memory_space<vmem>>, vector<1x16xf32>,
      %parallel_loop3A_415 = vector.shape_cast %parallel_loop3A_414 : vector<1x16xf32> to vector<16xf32>
      %parallel_loop3A_416 = arith.index_cast %parallel_loop3A_362 : i32 to index
      %parallel_loop3A_417 = arith.constant 80 : index
      %parallel_loop3A_418 = tpu.vector_load %arg8[%parallel_loop3A_416, %parallel_loop3A_417] {strides = array<i32>} : memref<256x128xf32, #tpu.memory_space<vmem>>, vector<1x16xf32>,
      %parallel_loop3A_419 = vector.shape_cast %parallel_loop3A_418 : vector<1x16xf32> to vector<16xf32>
      %parallel_loop3A_420 = vector.shape_cast %parallel_loop3A_415 : vector<16xf32> to vector<1x16xf32>
      tpu.vector_store %arg8[%parallel_loop3A_416, %parallel_loop3A_417], %parallel_loop3A_420 {add = true, strides = array<i32>} : memref<256x128xf32, #tpu.memory_space<vmem>>, vector<1x16xf32>,
      %parallel_loop3A_421 = arith.index_cast %parallel_loop3A_366 : i32 to index
      %parallel_loop3A_422 = arith.constant 96 : index
      %parallel_loop3A_423 = tpu.vector_load %arg7[%parallel_loop3A_421, %parallel_loop3A_422] {strides = array<i32>} : memref<128x128xf32, #tpu.memory_space<vmem>>, vector<1x16xf32>,
      %parallel_loop3A_424 = vector.shape_cast %parallel_loop3A_423 : vector<1x16xf32> to vector<16xf32>
      %parallel_loop3A_425 = arith.index_cast %parallel_loop3A_362 : i32 to index
      %parallel_loop3A_426 = arith.constant 96 : index
      %parallel_loop3A_427 = tpu.vector_load %arg8[%parallel_loop3A_425, %parallel_loop3A_426] {strides = array<i32>} : memref<256x128xf32, #tpu.memory_space<vmem>>, vector<1x16xf32>,
      %parallel_loop3A_428 = vector.shape_cast %parallel_loop3A_427 : vector<1x16xf32> to vector<16xf32>
      %parallel_loop3A_429 = vector.shape_cast %parallel_loop3A_424 : vector<16xf32> to vector<1x16xf32>
      tpu.vector_store %arg8[%parallel_loop3A_425, %parallel_loop3A_426], %parallel_loop3A_429 {add = true, strides = array<i32>} : memref<256x128xf32, #tpu.memory_space<vmem>>, vector<1x16xf32>,
      %parallel_loop3A_430 = arith.index_cast %parallel_loop3A_366 : i32 to index
      %parallel_loop3A_431 = arith.constant 112 : index
      %parallel_loop3A_432 = tpu.vector_load %arg7[%parallel_loop3A_430, %parallel_loop3A_431] {strides = array<i32>} : memref<128x128xf32, #tpu.memory_space<vmem>>, vector<1x16xf32>,
      %parallel_loop3A_433 = vector.shape_cast %parallel_loop3A_432 : vector<1x16xf32> to vector<16xf32>
      %parallel_loop3A_434 = arith.index_cast %parallel_loop3A_362 : i32 to index
      %parallel_loop3A_435 = arith.constant 112 : index
      %parallel_loop3A_436 = tpu.vector_load %arg8[%parallel_loop3A_434, %parallel_loop3A_435] {strides = array<i32>} : memref<256x128xf32, #tpu.memory_space<vmem>>, vector<1x16xf32>,
      %parallel_loop3A_437 = vector.shape_cast %parallel_loop3A_436 : vector<1x16xf32> to vector<16xf32>
      %parallel_loop3A_438 = vector.shape_cast %parallel_loop3A_433 : vector<16xf32> to vector<1x16xf32>
      tpu.vector_store %arg8[%parallel_loop3A_434, %parallel_loop3A_435], %parallel_loop3A_438 {add = true, strides = array<i32>} : memref<256x128xf32, #tpu.memory_space<vmem>>, vector<1x16xf32>,
      %parallel_loop3A_439 = vector.extract_strided_slice %parallel_loop3A_48 {offsets = [5], sizes = [1], strides = [1]} : vector<16xi32> to vector<1xi32>
      %parallel_loop3A_440 = vector.extract %parallel_loop3A_439[0] : i32 from vector<1xi32>
      %parallel_loop3A_441 = arith.constant 16 : i32
      %parallel_loop3A_442 = arith.muli %parallel_loop3A_43, %parallel_loop3A_441 : i32
      %parallel_loop3A_443 = arith.constant 5 : i32
      %parallel_loop3A_444 = arith.addi %parallel_loop3A_442, %parallel_loop3A_443 : i32
      %parallel_loop3A_445 = arith.index_cast %parallel_loop3A_444 : i32 to index
      %parallel_loop3A_446 = arith.constant 0 : index
      %parallel_loop3A_447 = tpu.vector_load %arg7[%parallel_loop3A_445, %parallel_loop3A_446] {strides = array<i32>} : memref<128x128xf32, #tpu.memory_space<vmem>>, vector<1x16xf32>,
      %parallel_loop3A_448 = vector.shape_cast %parallel_loop3A_447 : vector<1x16xf32> to vector<16xf32>
      %parallel_loop3A_449 = arith.index_cast %parallel_loop3A_440 : i32 to index
      %parallel_loop3A_450 = arith.constant 0 : index
      %parallel_loop3A_451 = tpu.vector_load %arg8[%parallel_loop3A_449, %parallel_loop3A_450] {strides = array<i32>} : memref<256x128xf32, #tpu.memory_space<vmem>>, vector<1x16xf32>,
      %parallel_loop3A_452 = vector.shape_cast %parallel_loop3A_451 : vector<1x16xf32> to vector<16xf32>
      %parallel_loop3A_453 = vector.shape_cast %parallel_loop3A_448 : vector<16xf32> to vector<1x16xf32>
      tpu.vector_store %arg8[%parallel_loop3A_449, %parallel_loop3A_450], %parallel_loop3A_453 {add = true, strides = array<i32>} : memref<256x128xf32, #tpu.memory_space<vmem>>, vector<1x16xf32>,
      %parallel_loop3A_454 = arith.index_cast %parallel_loop3A_444 : i32 to index
      %parallel_loop3A_455 = arith.constant 16 : index
      %parallel_loop3A_456 = tpu.vector_load %arg7[%parallel_loop3A_454, %parallel_loop3A_455] {strides = array<i32>} : memref<128x128xf32, #tpu.memory_space<vmem>>, vector<1x16xf32>,
      %parallel_loop3A_457 = vector.shape_cast %parallel_loop3A_456 : vector<1x16xf32> to vector<16xf32>
      %parallel_loop3A_458 = arith.index_cast %parallel_loop3A_440 : i32 to index
      %parallel_loop3A_459 = arith.constant 16 : index
      %parallel_loop3A_460 = tpu.vector_load %arg8[%parallel_loop3A_458, %parallel_loop3A_459] {strides = array<i32>} : memref<256x128xf32, #tpu.memory_space<vmem>>, vector<1x16xf32>,
      %parallel_loop3A_461 = vector.shape_cast %parallel_loop3A_460 : vector<1x16xf32> to vector<16xf32>
      %parallel_loop3A_462 = vector.shape_cast %parallel_loop3A_457 : vector<16xf32> to vector<1x16xf32>
      tpu.vector_store %arg8[%parallel_loop3A_458, %parallel_loop3A_459], %parallel_loop3A_462 {add = true, strides = array<i32>} : memref<256x128xf32, #tpu.memory_space<vmem>>, vector<1x16xf32>,
      %parallel_loop3A_463 = arith.index_cast %parallel_loop3A_444 : i32 to index
      %parallel_loop3A_464 = arith.constant 32 : index
      %parallel_loop3A_465 = tpu.vector_load %arg7[%parallel_loop3A_463, %parallel_loop3A_464] {strides = array<i32>} : memref<128x128xf32, #tpu.memory_space<vmem>>, vector<1x16xf32>,
      %parallel_loop3A_466 = vector.shape_cast %parallel_loop3A_465 : vector<1x16xf32> to vector<16xf32>
      %parallel_loop3A_467 = arith.index_cast %parallel_loop3A_440 : i32 to index
      %parallel_loop3A_468 = arith.constant 32 : index
      %parallel_loop3A_469 = tpu.vector_load %arg8[%parallel_loop3A_467, %parallel_loop3A_468] {strides = array<i32>} : memref<256x128xf32, #tpu.memory_space<vmem>>, vector<1x16xf32>,
      %parallel_loop3A_470 = vector.shape_cast %parallel_loop3A_469 : vector<1x16xf32> to vector<16xf32>
      %parallel_loop3A_471 = vector.shape_cast %parallel_loop3A_466 : vector<16xf32> to vector<1x16xf32>
      tpu.vector_store %arg8[%parallel_loop3A_467, %parallel_loop3A_468], %parallel_loop3A_471 {add = true, strides = array<i32>} : memref<256x128xf32, #tpu.memory_space<vmem>>, vector<1x16xf32>,
      %parallel_loop3A_472 = arith.index_cast %parallel_loop3A_444 : i32 to index
      %parallel_loop3A_473 = arith.constant 48 : index
      %parallel_loop3A_474 = tpu.vector_load %arg7[%parallel_loop3A_472, %parallel_loop3A_473] {strides = array<i32>} : memref<128x128xf32, #tpu.memory_space<vmem>>, vector<1x16xf32>,
      %parallel_loop3A_475 = vector.shape_cast %parallel_loop3A_474 : vector<1x16xf32> to vector<16xf32>
      %parallel_loop3A_476 = arith.index_cast %parallel_loop3A_440 : i32 to index
      %parallel_loop3A_477 = arith.constant 48 : index
      %parallel_loop3A_478 = tpu.vector_load %arg8[%parallel_loop3A_476, %parallel_loop3A_477] {strides = array<i32>} : memref<256x128xf32, #tpu.memory_space<vmem>>, vector<1x16xf32>,
      %parallel_loop3A_479 = vector.shape_cast %parallel_loop3A_478 : vector<1x16xf32> to vector<16xf32>
      %parallel_loop3A_480 = vector.shape_cast %parallel_loop3A_475 : vector<16xf32> to vector<1x16xf32>
      tpu.vector_store %arg8[%parallel_loop3A_476, %parallel_loop3A_477], %parallel_loop3A_480 {add = true, strides = array<i32>} : memref<256x128xf32, #tpu.memory_space<vmem>>, vector<1x16xf32>,
      %parallel_loop3A_481 = arith.index_cast %parallel_loop3A_444 : i32 to index
      %parallel_loop3A_482 = arith.constant 64 : index
      %parallel_loop3A_483 = tpu.vector_load %arg7[%parallel_loop3A_481, %parallel_loop3A_482] {strides = array<i32>} : memref<128x128xf32, #tpu.memory_space<vmem>>, vector<1x16xf32>,
      %parallel_loop3A_484 = vector.shape_cast %parallel_loop3A_483 : vector<1x16xf32> to vector<16xf32>
      %parallel_loop3A_485 = arith.index_cast %parallel_loop3A_440 : i32 to index
      %parallel_loop3A_486 = arith.constant 64 : index
      %parallel_loop3A_487 = tpu.vector_load %arg8[%parallel_loop3A_485, %parallel_loop3A_486] {strides = array<i32>} : memref<256x128xf32, #tpu.memory_space<vmem>>, vector<1x16xf32>,
      %parallel_loop3A_488 = vector.shape_cast %parallel_loop3A_487 : vector<1x16xf32> to vector<16xf32>
      %parallel_loop3A_489 = vector.shape_cast %parallel_loop3A_484 : vector<16xf32> to vector<1x16xf32>
      tpu.vector_store %arg8[%parallel_loop3A_485, %parallel_loop3A_486], %parallel_loop3A_489 {add = true, strides = array<i32>} : memref<256x128xf32, #tpu.memory_space<vmem>>, vector<1x16xf32>,
      %parallel_loop3A_490 = arith.index_cast %parallel_loop3A_444 : i32 to index
      %parallel_loop3A_491 = arith.constant 80 : index
      %parallel_loop3A_492 = tpu.vector_load %arg7[%parallel_loop3A_490, %parallel_loop3A_491] {strides = array<i32>} : memref<128x128xf32, #tpu.memory_space<vmem>>, vector<1x16xf32>,
      %parallel_loop3A_493 = vector.shape_cast %parallel_loop3A_492 : vector<1x16xf32> to vector<16xf32>
      %parallel_loop3A_494 = arith.index_cast %parallel_loop3A_440 : i32 to index
      %parallel_loop3A_495 = arith.constant 80 : index
      %parallel_loop3A_496 = tpu.vector_load %arg8[%parallel_loop3A_494, %parallel_loop3A_495] {strides = array<i32>} : memref<256x128xf32, #tpu.memory_space<vmem>>, vector<1x16xf32>,
      %parallel_loop3A_497 = vector.shape_cast %parallel_loop3A_496 : vector<1x16xf32> to vector<16xf32>
      %parallel_loop3A_498 = vector.shape_cast %parallel_loop3A_493 : vector<16xf32> to vector<1x16xf32>
      tpu.vector_store %arg8[%parallel_loop3A_494, %parallel_loop3A_495], %parallel_loop3A_498 {add = true, strides = array<i32>} : memref<256x128xf32, #tpu.memory_space<vmem>>, vector<1x16xf32>,
      %parallel_loop3A_499 = arith.index_cast %parallel_loop3A_444 : i32 to index
      %parallel_loop3A_500 = arith.constant 96 : index
      %parallel_loop3A_501 = tpu.vector_load %arg7[%parallel_loop3A_499, %parallel_loop3A_500] {strides = array<i32>} : memref<128x128xf32, #tpu.memory_space<vmem>>, vector<1x16xf32>,
      %parallel_loop3A_502 = vector.shape_cast %parallel_loop3A_501 : vector<1x16xf32> to vector<16xf32>
      %parallel_loop3A_503 = arith.index_cast %parallel_loop3A_440 : i32 to index
      %parallel_loop3A_504 = arith.constant 96 : index
      %parallel_loop3A_505 = tpu.vector_load %arg8[%parallel_loop3A_503, %parallel_loop3A_504] {strides = array<i32>} : memref<256x128xf32, #tpu.memory_space<vmem>>, vector<1x16xf32>,
      %parallel_loop3A_506 = vector.shape_cast %parallel_loop3A_505 : vector<1x16xf32> to vector<16xf32>
      %parallel_loop3A_507 = vector.shape_cast %parallel_loop3A_502 : vector<16xf32> to vector<1x16xf32>
      tpu.vector_store %arg8[%parallel_loop3A_503, %parallel_loop3A_504], %parallel_loop3A_507 {add = true, strides = array<i32>} : memref<256x128xf32, #tpu.memory_space<vmem>>, vector<1x16xf32>,
      %parallel_loop3A_508 = arith.index_cast %parallel_loop3A_444 : i32 to index
      %parallel_loop3A_509 = arith.constant 112 : index
      %parallel_loop3A_510 = tpu.vector_load %arg7[%parallel_loop3A_508, %parallel_loop3A_509] {strides = array<i32>} : memref<128x128xf32, #tpu.memory_space<vmem>>, vector<1x16xf32>,
      %parallel_loop3A_511 = vector.shape_cast %parallel_loop3A_510 : vector<1x16xf32> to vector<16xf32>
      %parallel_loop3A_512 = arith.index_cast %parallel_loop3A_440 : i32 to index
      %parallel_loop3A_513 = arith.constant 112 : index
      %parallel_loop3A_514 = tpu.vector_load %arg8[%parallel_loop3A_512, %parallel_loop3A_513] {strides = array<i32>} : memref<256x128xf32, #tpu.memory_space<vmem>>, vector<1x16xf32>,
      %parallel_loop3A_515 = vector.shape_cast %parallel_loop3A_514 : vector<1x16xf32> to vector<16xf32>
      %parallel_loop3A_516 = vector.shape_cast %parallel_loop3A_511 : vector<16xf32> to vector<1x16xf32>
      tpu.vector_store %arg8[%parallel_loop3A_512, %parallel_loop3A_513], %parallel_loop3A_516 {add = true, strides = array<i32>} : memref<256x128xf32, #tpu.memory_space<vmem>>, vector<1x16xf32>,
      %parallel_loop3A_517 = vector.extract_strided_slice %parallel_loop3A_48 {offsets = [6], sizes = [1], strides = [1]} : vector<16xi32> to vector<1xi32>
      %parallel_loop3A_518 = vector.extract %parallel_loop3A_517[0] : i32 from vector<1xi32>
      %parallel_loop3A_519 = arith.constant 16 : i32
      %parallel_loop3A_520 = arith.muli %parallel_loop3A_43, %parallel_loop3A_519 : i32
      %parallel_loop3A_521 = arith.constant 6 : i32
      %parallel_loop3A_522 = arith.addi %parallel_loop3A_520, %parallel_loop3A_521 : i32
      %parallel_loop3A_523 = arith.index_cast %parallel_loop3A_522 : i32 to index
      %parallel_loop3A_524 = arith.constant 0 : index
      %parallel_loop3A_525 = tpu.vector_load %arg7[%parallel_loop3A_523, %parallel_loop3A_524] {strides = array<i32>} : memref<128x128xf32, #tpu.memory_space<vmem>>, vector<1x16xf32>,
      %parallel_loop3A_526 = vector.shape_cast %parallel_loop3A_525 : vector<1x16xf32> to vector<16xf32>
      %parallel_loop3A_527 = arith.index_cast %parallel_loop3A_518 : i32 to index
      %parallel_loop3A_528 = arith.constant 0 : index
      %parallel_loop3A_529 = tpu.vector_load %arg8[%parallel_loop3A_527, %parallel_loop3A_528] {strides = array<i32>} : memref<256x128xf32, #tpu.memory_space<vmem>>, vector<1x16xf32>,
      %parallel_loop3A_530 = vector.shape_cast %parallel_loop3A_529 : vector<1x16xf32> to vector<16xf32>
      %parallel_loop3A_531 = vector.shape_cast %parallel_loop3A_526 : vector<16xf32> to vector<1x16xf32>
      tpu.vector_store %arg8[%parallel_loop3A_527, %parallel_loop3A_528], %parallel_loop3A_531 {add = true, strides = array<i32>} : memref<256x128xf32, #tpu.memory_space<vmem>>, vector<1x16xf32>,
      %parallel_loop3A_532 = arith.index_cast %parallel_loop3A_522 : i32 to index
      %parallel_loop3A_533 = arith.constant 16 : index
      %parallel_loop3A_534 = tpu.vector_load %arg7[%parallel_loop3A_532, %parallel_loop3A_533] {strides = array<i32>} : memref<128x128xf32, #tpu.memory_space<vmem>>, vector<1x16xf32>,
      %parallel_loop3A_535 = vector.shape_cast %parallel_loop3A_534 : vector<1x16xf32> to vector<16xf32>
      %parallel_loop3A_536 = arith.index_cast %parallel_loop3A_518 : i32 to index
      %parallel_loop3A_537 = arith.constant 16 : index
      %parallel_loop3A_538 = tpu.vector_load %arg8[%parallel_loop3A_536, %parallel_loop3A_537] {strides = array<i32>} : memref<256x128xf32, #tpu.memory_space<vmem>>, vector<1x16xf32>,
      %parallel_loop3A_539 = vector.shape_cast %parallel_loop3A_538 : vector<1x16xf32> to vector<16xf32>
      %parallel_loop3A_540 = vector.shape_cast %parallel_loop3A_535 : vector<16xf32> to vector<1x16xf32>
      tpu.vector_store %arg8[%parallel_loop3A_536, %parallel_loop3A_537], %parallel_loop3A_540 {add = true, strides = array<i32>} : memref<256x128xf32, #tpu.memory_space<vmem>>, vector<1x16xf32>,
      %parallel_loop3A_541 = arith.index_cast %parallel_loop3A_522 : i32 to index
      %parallel_loop3A_542 = arith.constant 32 : index
      %parallel_loop3A_543 = tpu.vector_load %arg7[%parallel_loop3A_541, %parallel_loop3A_542] {strides = array<i32>} : memref<128x128xf32, #tpu.memory_space<vmem>>, vector<1x16xf32>,
      %parallel_loop3A_544 = vector.shape_cast %parallel_loop3A_543 : vector<1x16xf32> to vector<16xf32>
      %parallel_loop3A_545 = arith.index_cast %parallel_loop3A_518 : i32 to index
      %parallel_loop3A_546 = arith.constant 32 : index
      %parallel_loop3A_547 = tpu.vector_load %arg8[%parallel_loop3A_545, %parallel_loop3A_546] {strides = array<i32>} : memref<256x128xf32, #tpu.memory_space<vmem>>, vector<1x16xf32>,
      %parallel_loop3A_548 = vector.shape_cast %parallel_loop3A_547 : vector<1x16xf32> to vector<16xf32>
      %parallel_loop3A_549 = vector.shape_cast %parallel_loop3A_544 : vector<16xf32> to vector<1x16xf32>
      tpu.vector_store %arg8[%parallel_loop3A_545, %parallel_loop3A_546], %parallel_loop3A_549 {add = true, strides = array<i32>} : memref<256x128xf32, #tpu.memory_space<vmem>>, vector<1x16xf32>,
      %parallel_loop3A_550 = arith.index_cast %parallel_loop3A_522 : i32 to index
      %parallel_loop3A_551 = arith.constant 48 : index
      %parallel_loop3A_552 = tpu.vector_load %arg7[%parallel_loop3A_550, %parallel_loop3A_551] {strides = array<i32>} : memref<128x128xf32, #tpu.memory_space<vmem>>, vector<1x16xf32>,
      %parallel_loop3A_553 = vector.shape_cast %parallel_loop3A_552 : vector<1x16xf32> to vector<16xf32>
      %parallel_loop3A_554 = arith.index_cast %parallel_loop3A_518 : i32 to index
      %parallel_loop3A_555 = arith.constant 48 : index
      %parallel_loop3A_556 = tpu.vector_load %arg8[%parallel_loop3A_554, %parallel_loop3A_555] {strides = array<i32>} : memref<256x128xf32, #tpu.memory_space<vmem>>, vector<1x16xf32>,
      %parallel_loop3A_557 = vector.shape_cast %parallel_loop3A_556 : vector<1x16xf32> to vector<16xf32>
      %parallel_loop3A_558 = vector.shape_cast %parallel_loop3A_553 : vector<16xf32> to vector<1x16xf32>
      tpu.vector_store %arg8[%parallel_loop3A_554, %parallel_loop3A_555], %parallel_loop3A_558 {add = true, strides = array<i32>} : memref<256x128xf32, #tpu.memory_space<vmem>>, vector<1x16xf32>,
      %parallel_loop3A_559 = arith.index_cast %parallel_loop3A_522 : i32 to index
      %parallel_loop3A_560 = arith.constant 64 : index
      %parallel_loop3A_561 = tpu.vector_load %arg7[%parallel_loop3A_559, %parallel_loop3A_560] {strides = array<i32>} : memref<128x128xf32, #tpu.memory_space<vmem>>, vector<1x16xf32>,
      %parallel_loop3A_562 = vector.shape_cast %parallel_loop3A_561 : vector<1x16xf32> to vector<16xf32>
      %parallel_loop3A_563 = arith.index_cast %parallel_loop3A_518 : i32 to index
      %parallel_loop3A_564 = arith.constant 64 : index
      %parallel_loop3A_565 = tpu.vector_load %arg8[%parallel_loop3A_563, %parallel_loop3A_564] {strides = array<i32>} : memref<256x128xf32, #tpu.memory_space<vmem>>, vector<1x16xf32>,
      %parallel_loop3A_566 = vector.shape_cast %parallel_loop3A_565 : vector<1x16xf32> to vector<16xf32>
      %parallel_loop3A_567 = vector.shape_cast %parallel_loop3A_562 : vector<16xf32> to vector<1x16xf32>
      tpu.vector_store %arg8[%parallel_loop3A_563, %parallel_loop3A_564], %parallel_loop3A_567 {add = true, strides = array<i32>} : memref<256x128xf32, #tpu.memory_space<vmem>>, vector<1x16xf32>,
      %parallel_loop3A_568 = arith.index_cast %parallel_loop3A_522 : i32 to index
      %parallel_loop3A_569 = arith.constant 80 : index
      %parallel_loop3A_570 = tpu.vector_load %arg7[%parallel_loop3A_568, %parallel_loop3A_569] {strides = array<i32>} : memref<128x128xf32, #tpu.memory_space<vmem>>, vector<1x16xf32>,
      %parallel_loop3A_571 = vector.shape_cast %parallel_loop3A_570 : vector<1x16xf32> to vector<16xf32>
      %parallel_loop3A_572 = arith.index_cast %parallel_loop3A_518 : i32 to index
      %parallel_loop3A_573 = arith.constant 80 : index
      %parallel_loop3A_574 = tpu.vector_load %arg8[%parallel_loop3A_572, %parallel_loop3A_573] {strides = array<i32>} : memref<256x128xf32, #tpu.memory_space<vmem>>, vector<1x16xf32>,
      %parallel_loop3A_575 = vector.shape_cast %parallel_loop3A_574 : vector<1x16xf32> to vector<16xf32>
      %parallel_loop3A_576 = vector.shape_cast %parallel_loop3A_571 : vector<16xf32> to vector<1x16xf32>
      tpu.vector_store %arg8[%parallel_loop3A_572, %parallel_loop3A_573], %parallel_loop3A_576 {add = true, strides = array<i32>} : memref<256x128xf32, #tpu.memory_space<vmem>>, vector<1x16xf32>,
      %parallel_loop3A_577 = arith.index_cast %parallel_loop3A_522 : i32 to index
      %parallel_loop3A_578 = arith.constant 96 : index
      %parallel_loop3A_579 = tpu.vector_load %arg7[%parallel_loop3A_577, %parallel_loop3A_578] {strides = array<i32>} : memref<128x128xf32, #tpu.memory_space<vmem>>, vector<1x16xf32>,
      %parallel_loop3A_580 = vector.shape_cast %parallel_loop3A_579 : vector<1x16xf32> to vector<16xf32>
      %parallel_loop3A_581 = arith.index_cast %parallel_loop3A_518 : i32 to index
      %parallel_loop3A_582 = arith.constant 96 : index
      %parallel_loop3A_583 = tpu.vector_load %arg8[%parallel_loop3A_581, %parallel_loop3A_582] {strides = array<i32>} : memref<256x128xf32, #tpu.memory_space<vmem>>, vector<1x16xf32>,
      %parallel_loop3A_584 = vector.shape_cast %parallel_loop3A_583 : vector<1x16xf32> to vector<16xf32>
      %parallel_loop3A_585 = vector.shape_cast %parallel_loop3A_580 : vector<16xf32> to vector<1x16xf32>
      tpu.vector_store %arg8[%parallel_loop3A_581, %parallel_loop3A_582], %parallel_loop3A_585 {add = true, strides = array<i32>} : memref<256x128xf32, #tpu.memory_space<vmem>>, vector<1x16xf32>,
      %parallel_loop3A_586 = arith.index_cast %parallel_loop3A_522 : i32 to index
      %parallel_loop3A_587 = arith.constant 112 : index
      %parallel_loop3A_588 = tpu.vector_load %arg7[%parallel_loop3A_586, %parallel_loop3A_587] {strides = array<i32>} : memref<128x128xf32, #tpu.memory_space<vmem>>, vector<1x16xf32>,
      %parallel_loop3A_589 = vector.shape_cast %parallel_loop3A_588 : vector<1x16xf32> to vector<16xf32>
      %parallel_loop3A_590 = arith.index_cast %parallel_loop3A_518 : i32 to index
      %parallel_loop3A_591 = arith.constant 112 : index
      %parallel_loop3A_592 = tpu.vector_load %arg8[%parallel_loop3A_590, %parallel_loop3A_591] {strides = array<i32>} : memref<256x128xf32, #tpu.memory_space<vmem>>, vector<1x16xf32>,
      %parallel_loop3A_593 = vector.shape_cast %parallel_loop3A_592 : vector<1x16xf32> to vector<16xf32>
      %parallel_loop3A_594 = vector.shape_cast %parallel_loop3A_589 : vector<16xf32> to vector<1x16xf32>
      tpu.vector_store %arg8[%parallel_loop3A_590, %parallel_loop3A_591], %parallel_loop3A_594 {add = true, strides = array<i32>} : memref<256x128xf32, #tpu.memory_space<vmem>>, vector<1x16xf32>,
      %parallel_loop3A_595 = vector.extract_strided_slice %parallel_loop3A_48 {offsets = [7], sizes = [1], strides = [1]} : vector<16xi32> to vector<1xi32>
      %parallel_loop3A_596 = vector.extract %parallel_loop3A_595[0] : i32 from vector<1xi32>
      %parallel_loop3A_597 = arith.constant 16 : i32
      %parallel_loop3A_598 = arith.muli %parallel_loop3A_43, %parallel_loop3A_597 : i32
      %parallel_loop3A_599 = arith.constant 7 : i32
      %parallel_loop3A_600 = arith.addi %parallel_loop3A_598, %parallel_loop3A_599 : i32
      %parallel_loop3A_601 = arith.index_cast %parallel_loop3A_600 : i32 to index
      %parallel_loop3A_602 = arith.constant 0 : index
      %parallel_loop3A_603 = tpu.vector_load %arg7[%parallel_loop3A_601, %parallel_loop3A_602] {strides = array<i32>} : memref<128x128xf32, #tpu.memory_space<vmem>>, vector<1x16xf32>,
      %parallel_loop3A_604 = vector.shape_cast %parallel_loop3A_603 : vector<1x16xf32> to vector<16xf32>
      %parallel_loop3A_605 = arith.index_cast %parallel_loop3A_596 : i32 to index
      %parallel_loop3A_606 = arith.constant 0 : index
      %parallel_loop3A_607 = tpu.vector_load %arg8[%parallel_loop3A_605, %parallel_loop3A_606] {strides = array<i32>} : memref<256x128xf32, #tpu.memory_space<vmem>>, vector<1x16xf32>,
      %parallel_loop3A_608 = vector.shape_cast %parallel_loop3A_607 : vector<1x16xf32> to vector<16xf32>
      %parallel_loop3A_609 = vector.shape_cast %parallel_loop3A_604 : vector<16xf32> to vector<1x16xf32>
      tpu.vector_store %arg8[%parallel_loop3A_605, %parallel_loop3A_606], %parallel_loop3A_609 {add = true, strides = array<i32>} : memref<256x128xf32, #tpu.memory_space<vmem>>, vector<1x16xf32>,
      %parallel_loop3A_610 = arith.index_cast %parallel_loop3A_600 : i32 to index
      %parallel_loop3A_611 = arith.constant 16 : index
      %parallel_loop3A_612 = tpu.vector_load %arg7[%parallel_loop3A_610, %parallel_loop3A_611] {strides = array<i32>} : memref<128x128xf32, #tpu.memory_space<vmem>>, vector<1x16xf32>,
      %parallel_loop3A_613 = vector.shape_cast %parallel_loop3A_612 : vector<1x16xf32> to vector<16xf32>
      %parallel_loop3A_614 = arith.index_cast %parallel_loop3A_596 : i32 to index
      %parallel_loop3A_615 = arith.constant 16 : index
      %parallel_loop3A_616 = tpu.vector_load %arg8[%parallel_loop3A_614, %parallel_loop3A_615] {strides = array<i32>} : memref<256x128xf32, #tpu.memory_space<vmem>>, vector<1x16xf32>,
      %parallel_loop3A_617 = vector.shape_cast %parallel_loop3A_616 : vector<1x16xf32> to vector<16xf32>
      %parallel_loop3A_618 = vector.shape_cast %parallel_loop3A_613 : vector<16xf32> to vector<1x16xf32>
      tpu.vector_store %arg8[%parallel_loop3A_614, %parallel_loop3A_615], %parallel_loop3A_618 {add = true, strides = array<i32>} : memref<256x128xf32, #tpu.memory_space<vmem>>, vector<1x16xf32>,
      %parallel_loop3A_619 = arith.index_cast %parallel_loop3A_600 : i32 to index
      %parallel_loop3A_620 = arith.constant 32 : index
      %parallel_loop3A_621 = tpu.vector_load %arg7[%parallel_loop3A_619, %parallel_loop3A_620] {strides = array<i32>} : memref<128x128xf32, #tpu.memory_space<vmem>>, vector<1x16xf32>,
      %parallel_loop3A_622 = vector.shape_cast %parallel_loop3A_621 : vector<1x16xf32> to vector<16xf32>
      %parallel_loop3A_623 = arith.index_cast %parallel_loop3A_596 : i32 to index
      %parallel_loop3A_624 = arith.constant 32 : index
      %parallel_loop3A_625 = tpu.vector_load %arg8[%parallel_loop3A_623, %parallel_loop3A_624] {strides = array<i32>} : memref<256x128xf32, #tpu.memory_space<vmem>>, vector<1x16xf32>,
      %parallel_loop3A_626 = vector.shape_cast %parallel_loop3A_625 : vector<1x16xf32> to vector<16xf32>
      %parallel_loop3A_627 = vector.shape_cast %parallel_loop3A_622 : vector<16xf32> to vector<1x16xf32>
      tpu.vector_store %arg8[%parallel_loop3A_623, %parallel_loop3A_624], %parallel_loop3A_627 {add = true, strides = array<i32>} : memref<256x128xf32, #tpu.memory_space<vmem>>, vector<1x16xf32>,
      %parallel_loop3A_628 = arith.index_cast %parallel_loop3A_600 : i32 to index
      %parallel_loop3A_629 = arith.constant 48 : index
      %parallel_loop3A_630 = tpu.vector_load %arg7[%parallel_loop3A_628, %parallel_loop3A_629] {strides = array<i32>} : memref<128x128xf32, #tpu.memory_space<vmem>>, vector<1x16xf32>,
      %parallel_loop3A_631 = vector.shape_cast %parallel_loop3A_630 : vector<1x16xf32> to vector<16xf32>
      %parallel_loop3A_632 = arith.index_cast %parallel_loop3A_596 : i32 to index
      %parallel_loop3A_633 = arith.constant 48 : index
      %parallel_loop3A_634 = tpu.vector_load %arg8[%parallel_loop3A_632, %parallel_loop3A_633] {strides = array<i32>} : memref<256x128xf32, #tpu.memory_space<vmem>>, vector<1x16xf32>,
      %parallel_loop3A_635 = vector.shape_cast %parallel_loop3A_634 : vector<1x16xf32> to vector<16xf32>
      %parallel_loop3A_636 = vector.shape_cast %parallel_loop3A_631 : vector<16xf32> to vector<1x16xf32>
      tpu.vector_store %arg8[%parallel_loop3A_632, %parallel_loop3A_633], %parallel_loop3A_636 {add = true, strides = array<i32>} : memref<256x128xf32, #tpu.memory_space<vmem>>, vector<1x16xf32>,
      %parallel_loop3A_637 = arith.index_cast %parallel_loop3A_600 : i32 to index
      %parallel_loop3A_638 = arith.constant 64 : index
      %parallel_loop3A_639 = tpu.vector_load %arg7[%parallel_loop3A_637, %parallel_loop3A_638] {strides = array<i32>} : memref<128x128xf32, #tpu.memory_space<vmem>>, vector<1x16xf32>,
      %parallel_loop3A_640 = vector.shape_cast %parallel_loop3A_639 : vector<1x16xf32> to vector<16xf32>
      %parallel_loop3A_641 = arith.index_cast %parallel_loop3A_596 : i32 to index
      %parallel_loop3A_642 = arith.constant 64 : index
      %parallel_loop3A_643 = tpu.vector_load %arg8[%parallel_loop3A_641, %parallel_loop3A_642] {strides = array<i32>} : memref<256x128xf32, #tpu.memory_space<vmem>>, vector<1x16xf32>,
      %parallel_loop3A_644 = vector.shape_cast %parallel_loop3A_643 : vector<1x16xf32> to vector<16xf32>
      %parallel_loop3A_645 = vector.shape_cast %parallel_loop3A_640 : vector<16xf32> to vector<1x16xf32>
      tpu.vector_store %arg8[%parallel_loop3A_641, %parallel_loop3A_642], %parallel_loop3A_645 {add = true, strides = array<i32>} : memref<256x128xf32, #tpu.memory_space<vmem>>, vector<1x16xf32>,
      %parallel_loop3A_646 = arith.index_cast %parallel_loop3A_600 : i32 to index
      %parallel_loop3A_647 = arith.constant 80 : index
      %parallel_loop3A_648 = tpu.vector_load %arg7[%parallel_loop3A_646, %parallel_loop3A_647] {strides = array<i32>} : memref<128x128xf32, #tpu.memory_space<vmem>>, vector<1x16xf32>,
      %parallel_loop3A_649 = vector.shape_cast %parallel_loop3A_648 : vector<1x16xf32> to vector<16xf32>
      %parallel_loop3A_650 = arith.index_cast %parallel_loop3A_596 : i32 to index
      %parallel_loop3A_651 = arith.constant 80 : index
      %parallel_loop3A_652 = tpu.vector_load %arg8[%parallel_loop3A_650, %parallel_loop3A_651] {strides = array<i32>} : memref<256x128xf32, #tpu.memory_space<vmem>>, vector<1x16xf32>,
      %parallel_loop3A_653 = vector.shape_cast %parallel_loop3A_652 : vector<1x16xf32> to vector<16xf32>
      %parallel_loop3A_654 = vector.shape_cast %parallel_loop3A_649 : vector<16xf32> to vector<1x16xf32>
      tpu.vector_store %arg8[%parallel_loop3A_650, %parallel_loop3A_651], %parallel_loop3A_654 {add = true, strides = array<i32>} : memref<256x128xf32, #tpu.memory_space<vmem>>, vector<1x16xf32>,
      %parallel_loop3A_655 = arith.index_cast %parallel_loop3A_600 : i32 to index
      %parallel_loop3A_656 = arith.constant 96 : index
      %parallel_loop3A_657 = tpu.vector_load %arg7[%parallel_loop3A_655, %parallel_loop3A_656] {strides = array<i32>} : memref<128x128xf32, #tpu.memory_space<vmem>>, vector<1x16xf32>,
      %parallel_loop3A_658 = vector.shape_cast %parallel_loop3A_657 : vector<1x16xf32> to vector<16xf32>
      %parallel_loop3A_659 = arith.index_cast %parallel_loop3A_596 : i32 to index
      %parallel_loop3A_660 = arith.constant 96 : index
      %parallel_loop3A_661 = tpu.vector_load %arg8[%parallel_loop3A_659, %parallel_loop3A_660] {strides = array<i32>} : memref<256x128xf32, #tpu.memory_space<vmem>>, vector<1x16xf32>,
      %parallel_loop3A_662 = vector.shape_cast %parallel_loop3A_661 : vector<1x16xf32> to vector<16xf32>
      %parallel_loop3A_663 = vector.shape_cast %parallel_loop3A_658 : vector<16xf32> to vector<1x16xf32>
      tpu.vector_store %arg8[%parallel_loop3A_659, %parallel_loop3A_660], %parallel_loop3A_663 {add = true, strides = array<i32>} : memref<256x128xf32, #tpu.memory_space<vmem>>, vector<1x16xf32>,
      %parallel_loop3A_664 = arith.index_cast %parallel_loop3A_600 : i32 to index
      %parallel_loop3A_665 = arith.constant 112 : index
      %parallel_loop3A_666 = tpu.vector_load %arg7[%parallel_loop3A_664, %parallel_loop3A_665] {strides = array<i32>} : memref<128x128xf32, #tpu.memory_space<vmem>>, vector<1x16xf32>,
      %parallel_loop3A_667 = vector.shape_cast %parallel_loop3A_666 : vector<1x16xf32> to vector<16xf32>
      %parallel_loop3A_668 = arith.index_cast %parallel_loop3A_596 : i32 to index
      %parallel_loop3A_669 = arith.constant 112 : index
      %parallel_loop3A_670 = tpu.vector_load %arg8[%parallel_loop3A_668, %parallel_loop3A_669] {strides = array<i32>} : memref<256x128xf32, #tpu.memory_space<vmem>>, vector<1x16xf32>,
      %parallel_loop3A_671 = vector.shape_cast %parallel_loop3A_670 : vector<1x16xf32> to vector<16xf32>
      %parallel_loop3A_672 = vector.shape_cast %parallel_loop3A_667 : vector<16xf32> to vector<1x16xf32>
      tpu.vector_store %arg8[%parallel_loop3A_668, %parallel_loop3A_669], %parallel_loop3A_672 {add = true, strides = array<i32>} : memref<256x128xf32, #tpu.memory_space<vmem>>, vector<1x16xf32>,
      %parallel_loop3A_673 = vector.extract_strided_slice %parallel_loop3A_48 {offsets = [8], sizes = [1], strides = [1]} : vector<16xi32> to vector<1xi32>
      %parallel_loop3A_674 = vector.extract %parallel_loop3A_673[0] : i32 from vector<1xi32>
      %parallel_loop3A_675 = arith.constant 16 : i32
      %parallel_loop3A_676 = arith.muli %parallel_loop3A_43, %parallel_loop3A_675 : i32
      %parallel_loop3A_677 = arith.constant 8 : i32
      %parallel_loop3A_678 = arith.addi %parallel_loop3A_676, %parallel_loop3A_677 : i32
      %parallel_loop3A_679 = arith.index_cast %parallel_loop3A_678 : i32 to index
      %parallel_loop3A_680 = arith.constant 0 : index
      %parallel_loop3A_681 = tpu.vector_load %arg7[%parallel_loop3A_679, %parallel_loop3A_680] {strides = array<i32>} : memref<128x128xf32, #tpu.memory_space<vmem>>, vector<1x16xf32>,
      %parallel_loop3A_682 = vector.shape_cast %parallel_loop3A_681 : vector<1x16xf32> to vector<16xf32>
      %parallel_loop3A_683 = arith.index_cast %parallel_loop3A_674 : i32 to index
      %parallel_loop3A_684 = arith.constant 0 : index
      %parallel_loop3A_685 = tpu.vector_load %arg8[%parallel_loop3A_683, %parallel_loop3A_684] {strides = array<i32>} : memref<256x128xf32, #tpu.memory_space<vmem>>, vector<1x16xf32>,
      %parallel_loop3A_686 = vector.shape_cast %parallel_loop3A_685 : vector<1x16xf32> to vector<16xf32>
      %parallel_loop3A_687 = vector.shape_cast %parallel_loop3A_682 : vector<16xf32> to vector<1x16xf32>
      tpu.vector_store %arg8[%parallel_loop3A_683, %parallel_loop3A_684], %parallel_loop3A_687 {add = true, strides = array<i32>} : memref<256x128xf32, #tpu.memory_space<vmem>>, vector<1x16xf32>,
      %parallel_loop3A_688 = arith.index_cast %parallel_loop3A_678 : i32 to index
      %parallel_loop3A_689 = arith.constant 16 : index
      %parallel_loop3A_690 = tpu.vector_load %arg7[%parallel_loop3A_688, %parallel_loop3A_689] {strides = array<i32>} : memref<128x128xf32, #tpu.memory_space<vmem>>, vector<1x16xf32>,
      %parallel_loop3A_691 = vector.shape_cast %parallel_loop3A_690 : vector<1x16xf32> to vector<16xf32>
      %parallel_loop3A_692 = arith.index_cast %parallel_loop3A_674 : i32 to index
      %parallel_loop3A_693 = arith.constant 16 : index
      %parallel_loop3A_694 = tpu.vector_load %arg8[%parallel_loop3A_692, %parallel_loop3A_693] {strides = array<i32>} : memref<256x128xf32, #tpu.memory_space<vmem>>, vector<1x16xf32>,
      %parallel_loop3A_695 = vector.shape_cast %parallel_loop3A_694 : vector<1x16xf32> to vector<16xf32>
      %parallel_loop3A_696 = vector.shape_cast %parallel_loop3A_691 : vector<16xf32> to vector<1x16xf32>
      tpu.vector_store %arg8[%parallel_loop3A_692, %parallel_loop3A_693], %parallel_loop3A_696 {add = true, strides = array<i32>} : memref<256x128xf32, #tpu.memory_space<vmem>>, vector<1x16xf32>,
      %parallel_loop3A_697 = arith.index_cast %parallel_loop3A_678 : i32 to index
      %parallel_loop3A_698 = arith.constant 32 : index
      %parallel_loop3A_699 = tpu.vector_load %arg7[%parallel_loop3A_697, %parallel_loop3A_698] {strides = array<i32>} : memref<128x128xf32, #tpu.memory_space<vmem>>, vector<1x16xf32>,
      %parallel_loop3A_700 = vector.shape_cast %parallel_loop3A_699 : vector<1x16xf32> to vector<16xf32>
      %parallel_loop3A_701 = arith.index_cast %parallel_loop3A_674 : i32 to index
      %parallel_loop3A_702 = arith.constant 32 : index
      %parallel_loop3A_703 = tpu.vector_load %arg8[%parallel_loop3A_701, %parallel_loop3A_702] {strides = array<i32>} : memref<256x128xf32, #tpu.memory_space<vmem>>, vector<1x16xf32>,
      %parallel_loop3A_704 = vector.shape_cast %parallel_loop3A_703 : vector<1x16xf32> to vector<16xf32>
      %parallel_loop3A_705 = vector.shape_cast %parallel_loop3A_700 : vector<16xf32> to vector<1x16xf32>
      tpu.vector_store %arg8[%parallel_loop3A_701, %parallel_loop3A_702], %parallel_loop3A_705 {add = true, strides = array<i32>} : memref<256x128xf32, #tpu.memory_space<vmem>>, vector<1x16xf32>,
      %parallel_loop3A_706 = arith.index_cast %parallel_loop3A_678 : i32 to index
      %parallel_loop3A_707 = arith.constant 48 : index
      %parallel_loop3A_708 = tpu.vector_load %arg7[%parallel_loop3A_706, %parallel_loop3A_707] {strides = array<i32>} : memref<128x128xf32, #tpu.memory_space<vmem>>, vector<1x16xf32>,
      %parallel_loop3A_709 = vector.shape_cast %parallel_loop3A_708 : vector<1x16xf32> to vector<16xf32>
      %parallel_loop3A_710 = arith.index_cast %parallel_loop3A_674 : i32 to index
      %parallel_loop3A_711 = arith.constant 48 : index
      %parallel_loop3A_712 = tpu.vector_load %arg8[%parallel_loop3A_710, %parallel_loop3A_711] {strides = array<i32>} : memref<256x128xf32, #tpu.memory_space<vmem>>, vector<1x16xf32>,
      %parallel_loop3A_713 = vector.shape_cast %parallel_loop3A_712 : vector<1x16xf32> to vector<16xf32>
      %parallel_loop3A_714 = vector.shape_cast %parallel_loop3A_709 : vector<16xf32> to vector<1x16xf32>
      tpu.vector_store %arg8[%parallel_loop3A_710, %parallel_loop3A_711], %parallel_loop3A_714 {add = true, strides = array<i32>} : memref<256x128xf32, #tpu.memory_space<vmem>>, vector<1x16xf32>,
      %parallel_loop3A_715 = arith.index_cast %parallel_loop3A_678 : i32 to index
      %parallel_loop3A_716 = arith.constant 64 : index
      %parallel_loop3A_717 = tpu.vector_load %arg7[%parallel_loop3A_715, %parallel_loop3A_716] {strides = array<i32>} : memref<128x128xf32, #tpu.memory_space<vmem>>, vector<1x16xf32>,
      %parallel_loop3A_718 = vector.shape_cast %parallel_loop3A_717 : vector<1x16xf32> to vector<16xf32>
      %parallel_loop3A_719 = arith.index_cast %parallel_loop3A_674 : i32 to index
      %parallel_loop3A_720 = arith.constant 64 : index
      %parallel_loop3A_721 = tpu.vector_load %arg8[%parallel_loop3A_719, %parallel_loop3A_720] {strides = array<i32>} : memref<256x128xf32, #tpu.memory_space<vmem>>, vector<1x16xf32>,
      %parallel_loop3A_722 = vector.shape_cast %parallel_loop3A_721 : vector<1x16xf32> to vector<16xf32>
      %parallel_loop3A_723 = vector.shape_cast %parallel_loop3A_718 : vector<16xf32> to vector<1x16xf32>
      tpu.vector_store %arg8[%parallel_loop3A_719, %parallel_loop3A_720], %parallel_loop3A_723 {add = true, strides = array<i32>} : memref<256x128xf32, #tpu.memory_space<vmem>>, vector<1x16xf32>,
      %parallel_loop3A_724 = arith.index_cast %parallel_loop3A_678 : i32 to index
      %parallel_loop3A_725 = arith.constant 80 : index
      %parallel_loop3A_726 = tpu.vector_load %arg7[%parallel_loop3A_724, %parallel_loop3A_725] {strides = array<i32>} : memref<128x128xf32, #tpu.memory_space<vmem>>, vector<1x16xf32>,
      %parallel_loop3A_727 = vector.shape_cast %parallel_loop3A_726 : vector<1x16xf32> to vector<16xf32>
      %parallel_loop3A_728 = arith.index_cast %parallel_loop3A_674 : i32 to index
      %parallel_loop3A_729 = arith.constant 80 : index
      %parallel_loop3A_730 = tpu.vector_load %arg8[%parallel_loop3A_728, %parallel_loop3A_729] {strides = array<i32>} : memref<256x128xf32, #tpu.memory_space<vmem>>, vector<1x16xf32>,
      %parallel_loop3A_731 = vector.shape_cast %parallel_loop3A_730 : vector<1x16xf32> to vector<16xf32>
      %parallel_loop3A_732 = vector.shape_cast %parallel_loop3A_727 : vector<16xf32> to vector<1x16xf32>
      tpu.vector_store %arg8[%parallel_loop3A_728, %parallel_loop3A_729], %parallel_loop3A_732 {add = true, strides = array<i32>} : memref<256x128xf32, #tpu.memory_space<vmem>>, vector<1x16xf32>,
      %parallel_loop3A_733 = arith.index_cast %parallel_loop3A_678 : i32 to index
      %parallel_loop3A_734 = arith.constant 96 : index
      %parallel_loop3A_735 = tpu.vector_load %arg7[%parallel_loop3A_733, %parallel_loop3A_734] {strides = array<i32>} : memref<128x128xf32, #tpu.memory_space<vmem>>, vector<1x16xf32>,
      %parallel_loop3A_736 = vector.shape_cast %parallel_loop3A_735 : vector<1x16xf32> to vector<16xf32>
      %parallel_loop3A_737 = arith.index_cast %parallel_loop3A_674 : i32 to index
      %parallel_loop3A_738 = arith.constant 96 : index
      %parallel_loop3A_739 = tpu.vector_load %arg8[%parallel_loop3A_737, %parallel_loop3A_738] {strides = array<i32>} : memref<256x128xf32, #tpu.memory_space<vmem>>, vector<1x16xf32>,
      %parallel_loop3A_740 = vector.shape_cast %parallel_loop3A_739 : vector<1x16xf32> to vector<16xf32>
      %parallel_loop3A_741 = vector.shape_cast %parallel_loop3A_736 : vector<16xf32> to vector<1x16xf32>
      tpu.vector_store %arg8[%parallel_loop3A_737, %parallel_loop3A_738], %parallel_loop3A_741 {add = true, strides = array<i32>} : memref<256x128xf32, #tpu.memory_space<vmem>>, vector<1x16xf32>,
      %parallel_loop3A_742 = arith.index_cast %parallel_loop3A_678 : i32 to index
      %parallel_loop3A_743 = arith.constant 112 : index
      %parallel_loop3A_744 = tpu.vector_load %arg7[%parallel_loop3A_742, %parallel_loop3A_743] {strides = array<i32>} : memref<128x128xf32, #tpu.memory_space<vmem>>, vector<1x16xf32>,
      %parallel_loop3A_745 = vector.shape_cast %parallel_loop3A_744 : vector<1x16xf32> to vector<16xf32>
      %parallel_loop3A_746 = arith.index_cast %parallel_loop3A_674 : i32 to index
      %parallel_loop3A_747 = arith.constant 112 : index
      %parallel_loop3A_748 = tpu.vector_load %arg8[%parallel_loop3A_746, %parallel_loop3A_747] {strides = array<i32>} : memref<256x128xf32, #tpu.memory_space<vmem>>, vector<1x16xf32>,
      %parallel_loop3A_749 = vector.shape_cast %parallel_loop3A_748 : vector<1x16xf32> to vector<16xf32>
      %parallel_loop3A_750 = vector.shape_cast %parallel_loop3A_745 : vector<16xf32> to vector<1x16xf32>
      tpu.vector_store %arg8[%parallel_loop3A_746, %parallel_loop3A_747], %parallel_loop3A_750 {add = true, strides = array<i32>} : memref<256x128xf32, #tpu.memory_space<vmem>>, vector<1x16xf32>,
      %parallel_loop3A_751 = vector.extract_strided_slice %parallel_loop3A_48 {offsets = [9], sizes = [1], strides = [1]} : vector<16xi32> to vector<1xi32>
      %parallel_loop3A_752 = vector.extract %parallel_loop3A_751[0] : i32 from vector<1xi32>
      %parallel_loop3A_753 = arith.constant 16 : i32
      %parallel_loop3A_754 = arith.muli %parallel_loop3A_43, %parallel_loop3A_753 : i32
      %parallel_loop3A_755 = arith.constant 9 : i32
      %parallel_loop3A_756 = arith.addi %parallel_loop3A_754, %parallel_loop3A_755 : i32
      %parallel_loop3A_757 = arith.index_cast %parallel_loop3A_756 : i32 to index
      %parallel_loop3A_758 = arith.constant 0 : index
      %parallel_loop3A_759 = tpu.vector_load %arg7[%parallel_loop3A_757, %parallel_loop3A_758] {strides = array<i32>} : memref<128x128xf32, #tpu.memory_space<vmem>>, vector<1x16xf32>,
      %parallel_loop3A_760 = vector.shape_cast %parallel_loop3A_759 : vector<1x16xf32> to vector<16xf32>
      %parallel_loop3A_761 = arith.index_cast %parallel_loop3A_752 : i32 to index
      %parallel_loop3A_762 = arith.constant 0 : index
      %parallel_loop3A_763 = tpu.vector_load %arg8[%parallel_loop3A_761, %parallel_loop3A_762] {strides = array<i32>} : memref<256x128xf32, #tpu.memory_space<vmem>>, vector<1x16xf32>,
      %parallel_loop3A_764 = vector.shape_cast %parallel_loop3A_763 : vector<1x16xf32> to vector<16xf32>
      %parallel_loop3A_765 = vector.shape_cast %parallel_loop3A_760 : vector<16xf32> to vector<1x16xf32>
      tpu.vector_store %arg8[%parallel_loop3A_761, %parallel_loop3A_762], %parallel_loop3A_765 {add = true, strides = array<i32>} : memref<256x128xf32, #tpu.memory_space<vmem>>, vector<1x16xf32>,
      %parallel_loop3A_766 = arith.index_cast %parallel_loop3A_756 : i32 to index
      %parallel_loop3A_767 = arith.constant 16 : index
      %parallel_loop3A_768 = tpu.vector_load %arg7[%parallel_loop3A_766, %parallel_loop3A_767] {strides = array<i32>} : memref<128x128xf32, #tpu.memory_space<vmem>>, vector<1x16xf32>,
      %parallel_loop3A_769 = vector.shape_cast %parallel_loop3A_768 : vector<1x16xf32> to vector<16xf32>
      %parallel_loop3A_770 = arith.index_cast %parallel_loop3A_752 : i32 to index
      %parallel_loop3A_771 = arith.constant 16 : index
      %parallel_loop3A_772 = tpu.vector_load %arg8[%parallel_loop3A_770, %parallel_loop3A_771] {strides = array<i32>} : memref<256x128xf32, #tpu.memory_space<vmem>>, vector<1x16xf32>,
      %parallel_loop3A_773 = vector.shape_cast %parallel_loop3A_772 : vector<1x16xf32> to vector<16xf32>
      %parallel_loop3A_774 = vector.shape_cast %parallel_loop3A_769 : vector<16xf32> to vector<1x16xf32>
      tpu.vector_store %arg8[%parallel_loop3A_770, %parallel_loop3A_771], %parallel_loop3A_774 {add = true, strides = array<i32>} : memref<256x128xf32, #tpu.memory_space<vmem>>, vector<1x16xf32>,
      %parallel_loop3A_775 = arith.index_cast %parallel_loop3A_756 : i32 to index
      %parallel_loop3A_776 = arith.constant 32 : index
      %parallel_loop3A_777 = tpu.vector_load %arg7[%parallel_loop3A_775, %parallel_loop3A_776] {strides = array<i32>} : memref<128x128xf32, #tpu.memory_space<vmem>>, vector<1x16xf32>,
      %parallel_loop3A_778 = vector.shape_cast %parallel_loop3A_777 : vector<1x16xf32> to vector<16xf32>
      %parallel_loop3A_779 = arith.index_cast %parallel_loop3A_752 : i32 to index
      %parallel_loop3A_780 = arith.constant 32 : index
      %parallel_loop3A_781 = tpu.vector_load %arg8[%parallel_loop3A_779, %parallel_loop3A_780] {strides = array<i32>} : memref<256x128xf32, #tpu.memory_space<vmem>>, vector<1x16xf32>,
      %parallel_loop3A_782 = vector.shape_cast %parallel_loop3A_781 : vector<1x16xf32> to vector<16xf32>
      %parallel_loop3A_783 = vector.shape_cast %parallel_loop3A_778 : vector<16xf32> to vector<1x16xf32>
      tpu.vector_store %arg8[%parallel_loop3A_779, %parallel_loop3A_780], %parallel_loop3A_783 {add = true, strides = array<i32>} : memref<256x128xf32, #tpu.memory_space<vmem>>, vector<1x16xf32>,
      %parallel_loop3A_784 = arith.index_cast %parallel_loop3A_756 : i32 to index
      %parallel_loop3A_785 = arith.constant 48 : index
      %parallel_loop3A_786 = tpu.vector_load %arg7[%parallel_loop3A_784, %parallel_loop3A_785] {strides = array<i32>} : memref<128x128xf32, #tpu.memory_space<vmem>>, vector<1x16xf32>,
      %parallel_loop3A_787 = vector.shape_cast %parallel_loop3A_786 : vector<1x16xf32> to vector<16xf32>
      %parallel_loop3A_788 = arith.index_cast %parallel_loop3A_752 : i32 to index
      %parallel_loop3A_789 = arith.constant 48 : index
      %parallel_loop3A_790 = tpu.vector_load %arg8[%parallel_loop3A_788, %parallel_loop3A_789] {strides = array<i32>} : memref<256x128xf32, #tpu.memory_space<vmem>>, vector<1x16xf32>,
      %parallel_loop3A_791 = vector.shape_cast %parallel_loop3A_790 : vector<1x16xf32> to vector<16xf32>
      %parallel_loop3A_792 = vector.shape_cast %parallel_loop3A_787 : vector<16xf32> to vector<1x16xf32>
      tpu.vector_store %arg8[%parallel_loop3A_788, %parallel_loop3A_789], %parallel_loop3A_792 {add = true, strides = array<i32>} : memref<256x128xf32, #tpu.memory_space<vmem>>, vector<1x16xf32>,
      %parallel_loop3A_793 = arith.index_cast %parallel_loop3A_756 : i32 to index
      %parallel_loop3A_794 = arith.constant 64 : index
      %parallel_loop3A_795 = tpu.vector_load %arg7[%parallel_loop3A_793, %parallel_loop3A_794] {strides = array<i32>} : memref<128x128xf32, #tpu.memory_space<vmem>>, vector<1x16xf32>,
      %parallel_loop3A_796 = vector.shape_cast %parallel_loop3A_795 : vector<1x16xf32> to vector<16xf32>
      %parallel_loop3A_797 = arith.index_cast %parallel_loop3A_752 : i32 to index
      %parallel_loop3A_798 = arith.constant 64 : index
      %parallel_loop3A_799 = tpu.vector_load %arg8[%parallel_loop3A_797, %parallel_loop3A_798] {strides = array<i32>} : memref<256x128xf32, #tpu.memory_space<vmem>>, vector<1x16xf32>,
      %parallel_loop3A_800 = vector.shape_cast %parallel_loop3A_799 : vector<1x16xf32> to vector<16xf32>
      %parallel_loop3A_801 = vector.shape_cast %parallel_loop3A_796 : vector<16xf32> to vector<1x16xf32>
      tpu.vector_store %arg8[%parallel_loop3A_797, %parallel_loop3A_798], %parallel_loop3A_801 {add = true, strides = array<i32>} : memref<256x128xf32, #tpu.memory_space<vmem>>, vector<1x16xf32>,
      %parallel_loop3A_802 = arith.index_cast %parallel_loop3A_756 : i32 to index
      %parallel_loop3A_803 = arith.constant 80 : index
      %parallel_loop3A_804 = tpu.vector_load %arg7[%parallel_loop3A_802, %parallel_loop3A_803] {strides = array<i32>} : memref<128x128xf32, #tpu.memory_space<vmem>>, vector<1x16xf32>,
      %parallel_loop3A_805 = vector.shape_cast %parallel_loop3A_804 : vector<1x16xf32> to vector<16xf32>
      %parallel_loop3A_806 = arith.index_cast %parallel_loop3A_752 : i32 to index
      %parallel_loop3A_807 = arith.constant 80 : index
      %parallel_loop3A_808 = tpu.vector_load %arg8[%parallel_loop3A_806, %parallel_loop3A_807] {strides = array<i32>} : memref<256x128xf32, #tpu.memory_space<vmem>>, vector<1x16xf32>,
      %parallel_loop3A_809 = vector.shape_cast %parallel_loop3A_808 : vector<1x16xf32> to vector<16xf32>
      %parallel_loop3A_810 = vector.shape_cast %parallel_loop3A_805 : vector<16xf32> to vector<1x16xf32>
      tpu.vector_store %arg8[%parallel_loop3A_806, %parallel_loop3A_807], %parallel_loop3A_810 {add = true, strides = array<i32>} : memref<256x128xf32, #tpu.memory_space<vmem>>, vector<1x16xf32>,
      %parallel_loop3A_811 = arith.index_cast %parallel_loop3A_756 : i32 to index
      %parallel_loop3A_812 = arith.constant 96 : index
      %parallel_loop3A_813 = tpu.vector_load %arg7[%parallel_loop3A_811, %parallel_loop3A_812] {strides = array<i32>} : memref<128x128xf32, #tpu.memory_space<vmem>>, vector<1x16xf32>,
      %parallel_loop3A_814 = vector.shape_cast %parallel_loop3A_813 : vector<1x16xf32> to vector<16xf32>
      %parallel_loop3A_815 = arith.index_cast %parallel_loop3A_752 : i32 to index
      %parallel_loop3A_816 = arith.constant 96 : index
      %parallel_loop3A_817 = tpu.vector_load %arg8[%parallel_loop3A_815, %parallel_loop3A_816] {strides = array<i32>} : memref<256x128xf32, #tpu.memory_space<vmem>>, vector<1x16xf32>,
      %parallel_loop3A_818 = vector.shape_cast %parallel_loop3A_817 : vector<1x16xf32> to vector<16xf32>
      %parallel_loop3A_819 = vector.shape_cast %parallel_loop3A_814 : vector<16xf32> to vector<1x16xf32>
      tpu.vector_store %arg8[%parallel_loop3A_815, %parallel_loop3A_816], %parallel_loop3A_819 {add = true, strides = array<i32>} : memref<256x128xf32, #tpu.memory_space<vmem>>, vector<1x16xf32>,
      %parallel_loop3A_820 = arith.index_cast %parallel_loop3A_756 : i32 to index
      %parallel_loop3A_821 = arith.constant 112 : index
      %parallel_loop3A_822 = tpu.vector_load %arg7[%parallel_loop3A_820, %parallel_loop3A_821] {strides = array<i32>} : memref<128x128xf32, #tpu.memory_space<vmem>>, vector<1x16xf32>,
      %parallel_loop3A_823 = vector.shape_cast %parallel_loop3A_822 : vector<1x16xf32> to vector<16xf32>
      %parallel_loop3A_824 = arith.index_cast %parallel_loop3A_752 : i32 to index
      %parallel_loop3A_825 = arith.constant 112 : index
      %parallel_loop3A_826 = tpu.vector_load %arg8[%parallel_loop3A_824, %parallel_loop3A_825] {strides = array<i32>} : memref<256x128xf32, #tpu.memory_space<vmem>>, vector<1x16xf32>,
      %parallel_loop3A_827 = vector.shape_cast %parallel_loop3A_826 : vector<1x16xf32> to vector<16xf32>
      %parallel_loop3A_828 = vector.shape_cast %parallel_loop3A_823 : vector<16xf32> to vector<1x16xf32>
      tpu.vector_store %arg8[%parallel_loop3A_824, %parallel_loop3A_825], %parallel_loop3A_828 {add = true, strides = array<i32>} : memref<256x128xf32, #tpu.memory_space<vmem>>, vector<1x16xf32>,
      %parallel_loop3A_829 = vector.extract_strided_slice %parallel_loop3A_48 {offsets = [10], sizes = [1], strides = [1]} : vector<16xi32> to vector<1xi32>
      %parallel_loop3A_830 = vector.extract %parallel_loop3A_829[0] : i32 from vector<1xi32>
      %parallel_loop3A_831 = arith.constant 16 : i32
      %parallel_loop3A_832 = arith.muli %parallel_loop3A_43, %parallel_loop3A_831 : i32
      %parallel_loop3A_833 = arith.constant 10 : i32
      %parallel_loop3A_834 = arith.addi %parallel_loop3A_832, %parallel_loop3A_833 : i32
      %parallel_loop3A_835 = arith.index_cast %parallel_loop3A_834 : i32 to index
      %parallel_loop3A_836 = arith.constant 0 : index
      %parallel_loop3A_837 = tpu.vector_load %arg7[%parallel_loop3A_835, %parallel_loop3A_836] {strides = array<i32>} : memref<128x128xf32, #tpu.memory_space<vmem>>, vector<1x16xf32>,
      %parallel_loop3A_838 = vector.shape_cast %parallel_loop3A_837 : vector<1x16xf32> to vector<16xf32>
      %parallel_loop3A_839 = arith.index_cast %parallel_loop3A_830 : i32 to index
      %parallel_loop3A_840 = arith.constant 0 : index
      %parallel_loop3A_841 = tpu.vector_load %arg8[%parallel_loop3A_839, %parallel_loop3A_840] {strides = array<i32>} : memref<256x128xf32, #tpu.memory_space<vmem>>, vector<1x16xf32>,
      %parallel_loop3A_842 = vector.shape_cast %parallel_loop3A_841 : vector<1x16xf32> to vector<16xf32>
      %parallel_loop3A_843 = vector.shape_cast %parallel_loop3A_838 : vector<16xf32> to vector<1x16xf32>
      tpu.vector_store %arg8[%parallel_loop3A_839, %parallel_loop3A_840], %parallel_loop3A_843 {add = true, strides = array<i32>} : memref<256x128xf32, #tpu.memory_space<vmem>>, vector<1x16xf32>,
      %parallel_loop3A_844 = arith.index_cast %parallel_loop3A_834 : i32 to index
      %parallel_loop3A_845 = arith.constant 16 : index
      %parallel_loop3A_846 = tpu.vector_load %arg7[%parallel_loop3A_844, %parallel_loop3A_845] {strides = array<i32>} : memref<128x128xf32, #tpu.memory_space<vmem>>, vector<1x16xf32>,
      %parallel_loop3A_847 = vector.shape_cast %parallel_loop3A_846 : vector<1x16xf32> to vector<16xf32>
      %parallel_loop3A_848 = arith.index_cast %parallel_loop3A_830 : i32 to index
      %parallel_loop3A_849 = arith.constant 16 : index
      %parallel_loop3A_850 = tpu.vector_load %arg8[%parallel_loop3A_848, %parallel_loop3A_849] {strides = array<i32>} : memref<256x128xf32, #tpu.memory_space<vmem>>, vector<1x16xf32>,
      %parallel_loop3A_851 = vector.shape_cast %parallel_loop3A_850 : vector<1x16xf32> to vector<16xf32>
      %parallel_loop3A_852 = vector.shape_cast %parallel_loop3A_847 : vector<16xf32> to vector<1x16xf32>
      tpu.vector_store %arg8[%parallel_loop3A_848, %parallel_loop3A_849], %parallel_loop3A_852 {add = true, strides = array<i32>} : memref<256x128xf32, #tpu.memory_space<vmem>>, vector<1x16xf32>,
      %parallel_loop3A_853 = arith.index_cast %parallel_loop3A_834 : i32 to index
      %parallel_loop3A_854 = arith.constant 32 : index
      %parallel_loop3A_855 = tpu.vector_load %arg7[%parallel_loop3A_853, %parallel_loop3A_854] {strides = array<i32>} : memref<128x128xf32, #tpu.memory_space<vmem>>, vector<1x16xf32>,
      %parallel_loop3A_856 = vector.shape_cast %parallel_loop3A_855 : vector<1x16xf32> to vector<16xf32>
      %parallel_loop3A_857 = arith.index_cast %parallel_loop3A_830 : i32 to index
      %parallel_loop3A_858 = arith.constant 32 : index
      %parallel_loop3A_859 = tpu.vector_load %arg8[%parallel_loop3A_857, %parallel_loop3A_858] {strides = array<i32>} : memref<256x128xf32, #tpu.memory_space<vmem>>, vector<1x16xf32>,
      %parallel_loop3A_860 = vector.shape_cast %parallel_loop3A_859 : vector<1x16xf32> to vector<16xf32>
      %parallel_loop3A_861 = vector.shape_cast %parallel_loop3A_856 : vector<16xf32> to vector<1x16xf32>
      tpu.vector_store %arg8[%parallel_loop3A_857, %parallel_loop3A_858], %parallel_loop3A_861 {add = true, strides = array<i32>} : memref<256x128xf32, #tpu.memory_space<vmem>>, vector<1x16xf32>,
      %parallel_loop3A_862 = arith.index_cast %parallel_loop3A_834 : i32 to index
      %parallel_loop3A_863 = arith.constant 48 : index
      %parallel_loop3A_864 = tpu.vector_load %arg7[%parallel_loop3A_862, %parallel_loop3A_863] {strides = array<i32>} : memref<128x128xf32, #tpu.memory_space<vmem>>, vector<1x16xf32>,
      %parallel_loop3A_865 = vector.shape_cast %parallel_loop3A_864 : vector<1x16xf32> to vector<16xf32>
      %parallel_loop3A_866 = arith.index_cast %parallel_loop3A_830 : i32 to index
      %parallel_loop3A_867 = arith.constant 48 : index
      %parallel_loop3A_868 = tpu.vector_load %arg8[%parallel_loop3A_866, %parallel_loop3A_867] {strides = array<i32>} : memref<256x128xf32, #tpu.memory_space<vmem>>, vector<1x16xf32>,
      %parallel_loop3A_869 = vector.shape_cast %parallel_loop3A_868 : vector<1x16xf32> to vector<16xf32>
      %parallel_loop3A_870 = vector.shape_cast %parallel_loop3A_865 : vector<16xf32> to vector<1x16xf32>
      tpu.vector_store %arg8[%parallel_loop3A_866, %parallel_loop3A_867], %parallel_loop3A_870 {add = true, strides = array<i32>} : memref<256x128xf32, #tpu.memory_space<vmem>>, vector<1x16xf32>,
      %parallel_loop3A_871 = arith.index_cast %parallel_loop3A_834 : i32 to index
      %parallel_loop3A_872 = arith.constant 64 : index
      %parallel_loop3A_873 = tpu.vector_load %arg7[%parallel_loop3A_871, %parallel_loop3A_872] {strides = array<i32>} : memref<128x128xf32, #tpu.memory_space<vmem>>, vector<1x16xf32>,
      %parallel_loop3A_874 = vector.shape_cast %parallel_loop3A_873 : vector<1x16xf32> to vector<16xf32>
      %parallel_loop3A_875 = arith.index_cast %parallel_loop3A_830 : i32 to index
      %parallel_loop3A_876 = arith.constant 64 : index
      %parallel_loop3A_877 = tpu.vector_load %arg8[%parallel_loop3A_875, %parallel_loop3A_876] {strides = array<i32>} : memref<256x128xf32, #tpu.memory_space<vmem>>, vector<1x16xf32>,
      %parallel_loop3A_878 = vector.shape_cast %parallel_loop3A_877 : vector<1x16xf32> to vector<16xf32>
      %parallel_loop3A_879 = vector.shape_cast %parallel_loop3A_874 : vector<16xf32> to vector<1x16xf32>
      tpu.vector_store %arg8[%parallel_loop3A_875, %parallel_loop3A_876], %parallel_loop3A_879 {add = true, strides = array<i32>} : memref<256x128xf32, #tpu.memory_space<vmem>>, vector<1x16xf32>,
      %parallel_loop3A_880 = arith.index_cast %parallel_loop3A_834 : i32 to index
      %parallel_loop3A_881 = arith.constant 80 : index
      %parallel_loop3A_882 = tpu.vector_load %arg7[%parallel_loop3A_880, %parallel_loop3A_881] {strides = array<i32>} : memref<128x128xf32, #tpu.memory_space<vmem>>, vector<1x16xf32>,
      %parallel_loop3A_883 = vector.shape_cast %parallel_loop3A_882 : vector<1x16xf32> to vector<16xf32>
      %parallel_loop3A_884 = arith.index_cast %parallel_loop3A_830 : i32 to index
      %parallel_loop3A_885 = arith.constant 80 : index
      %parallel_loop3A_886 = tpu.vector_load %arg8[%parallel_loop3A_884, %parallel_loop3A_885] {strides = array<i32>} : memref<256x128xf32, #tpu.memory_space<vmem>>, vector<1x16xf32>,
      %parallel_loop3A_887 = vector.shape_cast %parallel_loop3A_886 : vector<1x16xf32> to vector<16xf32>
      %parallel_loop3A_888 = vector.shape_cast %parallel_loop3A_883 : vector<16xf32> to vector<1x16xf32>
      tpu.vector_store %arg8[%parallel_loop3A_884, %parallel_loop3A_885], %parallel_loop3A_888 {add = true, strides = array<i32>} : memref<256x128xf32, #tpu.memory_space<vmem>>, vector<1x16xf32>,
      %parallel_loop3A_889 = arith.index_cast %parallel_loop3A_834 : i32 to index
      %parallel_loop3A_890 = arith.constant 96 : index
      %parallel_loop3A_891 = tpu.vector_load %arg7[%parallel_loop3A_889, %parallel_loop3A_890] {strides = array<i32>} : memref<128x128xf32, #tpu.memory_space<vmem>>, vector<1x16xf32>,
      %parallel_loop3A_892 = vector.shape_cast %parallel_loop3A_891 : vector<1x16xf32> to vector<16xf32>
      %parallel_loop3A_893 = arith.index_cast %parallel_loop3A_830 : i32 to index
      %parallel_loop3A_894 = arith.constant 96 : index
      %parallel_loop3A_895 = tpu.vector_load %arg8[%parallel_loop3A_893, %parallel_loop3A_894] {strides = array<i32>} : memref<256x128xf32, #tpu.memory_space<vmem>>, vector<1x16xf32>,
      %parallel_loop3A_896 = vector.shape_cast %parallel_loop3A_895 : vector<1x16xf32> to vector<16xf32>
      %parallel_loop3A_897 = vector.shape_cast %parallel_loop3A_892 : vector<16xf32> to vector<1x16xf32>
      tpu.vector_store %arg8[%parallel_loop3A_893, %parallel_loop3A_894], %parallel_loop3A_897 {add = true, strides = array<i32>} : memref<256x128xf32, #tpu.memory_space<vmem>>, vector<1x16xf32>,
      %parallel_loop3A_898 = arith.index_cast %parallel_loop3A_834 : i32 to index
      %parallel_loop3A_899 = arith.constant 112 : index
      %parallel_loop3A_900 = tpu.vector_load %arg7[%parallel_loop3A_898, %parallel_loop3A_899] {strides = array<i32>} : memref<128x128xf32, #tpu.memory_space<vmem>>, vector<1x16xf32>,
      %parallel_loop3A_901 = vector.shape_cast %parallel_loop3A_900 : vector<1x16xf32> to vector<16xf32>
      %parallel_loop3A_902 = arith.index_cast %parallel_loop3A_830 : i32 to index
      %parallel_loop3A_903 = arith.constant 112 : index
      %parallel_loop3A_904 = tpu.vector_load %arg8[%parallel_loop3A_902, %parallel_loop3A_903] {strides = array<i32>} : memref<256x128xf32, #tpu.memory_space<vmem>>, vector<1x16xf32>,
      %parallel_loop3A_905 = vector.shape_cast %parallel_loop3A_904 : vector<1x16xf32> to vector<16xf32>
      %parallel_loop3A_906 = vector.shape_cast %parallel_loop3A_901 : vector<16xf32> to vector<1x16xf32>
      tpu.vector_store %arg8[%parallel_loop3A_902, %parallel_loop3A_903], %parallel_loop3A_906 {add = true, strides = array<i32>} : memref<256x128xf32, #tpu.memory_space<vmem>>, vector<1x16xf32>,
      %parallel_loop3A_907 = vector.extract_strided_slice %parallel_loop3A_48 {offsets = [11], sizes = [1], strides = [1]} : vector<16xi32> to vector<1xi32>
      %parallel_loop3A_908 = vector.extract %parallel_loop3A_907[0] : i32 from vector<1xi32>
      %parallel_loop3A_909 = arith.constant 16 : i32
      %parallel_loop3A_910 = arith.muli %parallel_loop3A_43, %parallel_loop3A_909 : i32
      %parallel_loop3A_911 = arith.constant 11 : i32
      %parallel_loop3A_912 = arith.addi %parallel_loop3A_910, %parallel_loop3A_911 : i32
      %parallel_loop3A_913 = arith.index_cast %parallel_loop3A_912 : i32 to index
      %parallel_loop3A_914 = arith.constant 0 : index
      %parallel_loop3A_915 = tpu.vector_load %arg7[%parallel_loop3A_913, %parallel_loop3A_914] {strides = array<i32>} : memref<128x128xf32, #tpu.memory_space<vmem>>, vector<1x16xf32>,
      %parallel_loop3A_916 = vector.shape_cast %parallel_loop3A_915 : vector<1x16xf32> to vector<16xf32>
      %parallel_loop3A_917 = arith.index_cast %parallel_loop3A_908 : i32 to index
      %parallel_loop3A_918 = arith.constant 0 : index
      %parallel_loop3A_919 = tpu.vector_load %arg8[%parallel_loop3A_917, %parallel_loop3A_918] {strides = array<i32>} : memref<256x128xf32, #tpu.memory_space<vmem>>, vector<1x16xf32>,
      %parallel_loop3A_920 = vector.shape_cast %parallel_loop3A_919 : vector<1x16xf32> to vector<16xf32>
      %parallel_loop3A_921 = vector.shape_cast %parallel_loop3A_916 : vector<16xf32> to vector<1x16xf32>
      tpu.vector_store %arg8[%parallel_loop3A_917, %parallel_loop3A_918], %parallel_loop3A_921 {add = true, strides = array<i32>} : memref<256x128xf32, #tpu.memory_space<vmem>>, vector<1x16xf32>,
      %parallel_loop3A_922 = arith.index_cast %parallel_loop3A_912 : i32 to index
      %parallel_loop3A_923 = arith.constant 16 : index
      %parallel_loop3A_924 = tpu.vector_load %arg7[%parallel_loop3A_922, %parallel_loop3A_923] {strides = array<i32>} : memref<128x128xf32, #tpu.memory_space<vmem>>, vector<1x16xf32>,
      %parallel_loop3A_925 = vector.shape_cast %parallel_loop3A_924 : vector<1x16xf32> to vector<16xf32>
      %parallel_loop3A_926 = arith.index_cast %parallel_loop3A_908 : i32 to index
      %parallel_loop3A_927 = arith.constant 16 : index
      %parallel_loop3A_928 = tpu.vector_load %arg8[%parallel_loop3A_926, %parallel_loop3A_927] {strides = array<i32>} : memref<256x128xf32, #tpu.memory_space<vmem>>, vector<1x16xf32>,
      %parallel_loop3A_929 = vector.shape_cast %parallel_loop3A_928 : vector<1x16xf32> to vector<16xf32>
      %parallel_loop3A_930 = vector.shape_cast %parallel_loop3A_925 : vector<16xf32> to vector<1x16xf32>
      tpu.vector_store %arg8[%parallel_loop3A_926, %parallel_loop3A_927], %parallel_loop3A_930 {add = true, strides = array<i32>} : memref<256x128xf32, #tpu.memory_space<vmem>>, vector<1x16xf32>,
      %parallel_loop3A_931 = arith.index_cast %parallel_loop3A_912 : i32 to index
      %parallel_loop3A_932 = arith.constant 32 : index
      %parallel_loop3A_933 = tpu.vector_load %arg7[%parallel_loop3A_931, %parallel_loop3A_932] {strides = array<i32>} : memref<128x128xf32, #tpu.memory_space<vmem>>, vector<1x16xf32>,
      %parallel_loop3A_934 = vector.shape_cast %parallel_loop3A_933 : vector<1x16xf32> to vector<16xf32>
      %parallel_loop3A_935 = arith.index_cast %parallel_loop3A_908 : i32 to index
      %parallel_loop3A_936 = arith.constant 32 : index
      %parallel_loop3A_937 = tpu.vector_load %arg8[%parallel_loop3A_935, %parallel_loop3A_936] {strides = array<i32>} : memref<256x128xf32, #tpu.memory_space<vmem>>, vector<1x16xf32>,
      %parallel_loop3A_938 = vector.shape_cast %parallel_loop3A_937 : vector<1x16xf32> to vector<16xf32>
      %parallel_loop3A_939 = vector.shape_cast %parallel_loop3A_934 : vector<16xf32> to vector<1x16xf32>
      tpu.vector_store %arg8[%parallel_loop3A_935, %parallel_loop3A_936], %parallel_loop3A_939 {add = true, strides = array<i32>} : memref<256x128xf32, #tpu.memory_space<vmem>>, vector<1x16xf32>,
      %parallel_loop3A_940 = arith.index_cast %parallel_loop3A_912 : i32 to index
      %parallel_loop3A_941 = arith.constant 48 : index
      %parallel_loop3A_942 = tpu.vector_load %arg7[%parallel_loop3A_940, %parallel_loop3A_941] {strides = array<i32>} : memref<128x128xf32, #tpu.memory_space<vmem>>, vector<1x16xf32>,
      %parallel_loop3A_943 = vector.shape_cast %parallel_loop3A_942 : vector<1x16xf32> to vector<16xf32>
      %parallel_loop3A_944 = arith.index_cast %parallel_loop3A_908 : i32 to index
      %parallel_loop3A_945 = arith.constant 48 : index
      %parallel_loop3A_946 = tpu.vector_load %arg8[%parallel_loop3A_944, %parallel_loop3A_945] {strides = array<i32>} : memref<256x128xf32, #tpu.memory_space<vmem>>, vector<1x16xf32>,
      %parallel_loop3A_947 = vector.shape_cast %parallel_loop3A_946 : vector<1x16xf32> to vector<16xf32>
      %parallel_loop3A_948 = vector.shape_cast %parallel_loop3A_943 : vector<16xf32> to vector<1x16xf32>
      tpu.vector_store %arg8[%parallel_loop3A_944, %parallel_loop3A_945], %parallel_loop3A_948 {add = true, strides = array<i32>} : memref<256x128xf32, #tpu.memory_space<vmem>>, vector<1x16xf32>,
      %parallel_loop3A_949 = arith.index_cast %parallel_loop3A_912 : i32 to index
      %parallel_loop3A_950 = arith.constant 64 : index
      %parallel_loop3A_951 = tpu.vector_load %arg7[%parallel_loop3A_949, %parallel_loop3A_950] {strides = array<i32>} : memref<128x128xf32, #tpu.memory_space<vmem>>, vector<1x16xf32>,
      %parallel_loop3A_952 = vector.shape_cast %parallel_loop3A_951 : vector<1x16xf32> to vector<16xf32>
      %parallel_loop3A_953 = arith.index_cast %parallel_loop3A_908 : i32 to index
      %parallel_loop3A_954 = arith.constant 64 : index
      %parallel_loop3A_955 = tpu.vector_load %arg8[%parallel_loop3A_953, %parallel_loop3A_954] {strides = array<i32>} : memref<256x128xf32, #tpu.memory_space<vmem>>, vector<1x16xf32>,
      %parallel_loop3A_956 = vector.shape_cast %parallel_loop3A_955 : vector<1x16xf32> to vector<16xf32>
      %parallel_loop3A_957 = vector.shape_cast %parallel_loop3A_952 : vector<16xf32> to vector<1x16xf32>
      tpu.vector_store %arg8[%parallel_loop3A_953, %parallel_loop3A_954], %parallel_loop3A_957 {add = true, strides = array<i32>} : memref<256x128xf32, #tpu.memory_space<vmem>>, vector<1x16xf32>,
      %parallel_loop3A_958 = arith.index_cast %parallel_loop3A_912 : i32 to index
      %parallel_loop3A_959 = arith.constant 80 : index
      %parallel_loop3A_960 = tpu.vector_load %arg7[%parallel_loop3A_958, %parallel_loop3A_959] {strides = array<i32>} : memref<128x128xf32, #tpu.memory_space<vmem>>, vector<1x16xf32>,
      %parallel_loop3A_961 = vector.shape_cast %parallel_loop3A_960 : vector<1x16xf32> to vector<16xf32>
      %parallel_loop3A_962 = arith.index_cast %parallel_loop3A_908 : i32 to index
      %parallel_loop3A_963 = arith.constant 80 : index
      %parallel_loop3A_964 = tpu.vector_load %arg8[%parallel_loop3A_962, %parallel_loop3A_963] {strides = array<i32>} : memref<256x128xf32, #tpu.memory_space<vmem>>, vector<1x16xf32>,
      %parallel_loop3A_965 = vector.shape_cast %parallel_loop3A_964 : vector<1x16xf32> to vector<16xf32>
      %parallel_loop3A_966 = vector.shape_cast %parallel_loop3A_961 : vector<16xf32> to vector<1x16xf32>
      tpu.vector_store %arg8[%parallel_loop3A_962, %parallel_loop3A_963], %parallel_loop3A_966 {add = true, strides = array<i32>} : memref<256x128xf32, #tpu.memory_space<vmem>>, vector<1x16xf32>,
      %parallel_loop3A_967 = arith.index_cast %parallel_loop3A_912 : i32 to index
      %parallel_loop3A_968 = arith.constant 96 : index
      %parallel_loop3A_969 = tpu.vector_load %arg7[%parallel_loop3A_967, %parallel_loop3A_968] {strides = array<i32>} : memref<128x128xf32, #tpu.memory_space<vmem>>, vector<1x16xf32>,
      %parallel_loop3A_970 = vector.shape_cast %parallel_loop3A_969 : vector<1x16xf32> to vector<16xf32>
      %parallel_loop3A_971 = arith.index_cast %parallel_loop3A_908 : i32 to index
      %parallel_loop3A_972 = arith.constant 96 : index
      %parallel_loop3A_973 = tpu.vector_load %arg8[%parallel_loop3A_971, %parallel_loop3A_972] {strides = array<i32>} : memref<256x128xf32, #tpu.memory_space<vmem>>, vector<1x16xf32>,
      %parallel_loop3A_974 = vector.shape_cast %parallel_loop3A_973 : vector<1x16xf32> to vector<16xf32>
      %parallel_loop3A_975 = vector.shape_cast %parallel_loop3A_970 : vector<16xf32> to vector<1x16xf32>
      tpu.vector_store %arg8[%parallel_loop3A_971, %parallel_loop3A_972], %parallel_loop3A_975 {add = true, strides = array<i32>} : memref<256x128xf32, #tpu.memory_space<vmem>>, vector<1x16xf32>,
      %parallel_loop3A_976 = arith.index_cast %parallel_loop3A_912 : i32 to index
      %parallel_loop3A_977 = arith.constant 112 : index
      %parallel_loop3A_978 = tpu.vector_load %arg7[%parallel_loop3A_976, %parallel_loop3A_977] {strides = array<i32>} : memref<128x128xf32, #tpu.memory_space<vmem>>, vector<1x16xf32>,
      %parallel_loop3A_979 = vector.shape_cast %parallel_loop3A_978 : vector<1x16xf32> to vector<16xf32>
      %parallel_loop3A_980 = arith.index_cast %parallel_loop3A_908 : i32 to index
      %parallel_loop3A_981 = arith.constant 112 : index
      %parallel_loop3A_982 = tpu.vector_load %arg8[%parallel_loop3A_980, %parallel_loop3A_981] {strides = array<i32>} : memref<256x128xf32, #tpu.memory_space<vmem>>, vector<1x16xf32>,
      %parallel_loop3A_983 = vector.shape_cast %parallel_loop3A_982 : vector<1x16xf32> to vector<16xf32>
      %parallel_loop3A_984 = vector.shape_cast %parallel_loop3A_979 : vector<16xf32> to vector<1x16xf32>
      tpu.vector_store %arg8[%parallel_loop3A_980, %parallel_loop3A_981], %parallel_loop3A_984 {add = true, strides = array<i32>} : memref<256x128xf32, #tpu.memory_space<vmem>>, vector<1x16xf32>,
      %parallel_loop3A_985 = vector.extract_strided_slice %parallel_loop3A_48 {offsets = [12], sizes = [1], strides = [1]} : vector<16xi32> to vector<1xi32>
      %parallel_loop3A_986 = vector.extract %parallel_loop3A_985[0] : i32 from vector<1xi32>
      %parallel_loop3A_987 = arith.constant 16 : i32
      %parallel_loop3A_988 = arith.muli %parallel_loop3A_43, %parallel_loop3A_987 : i32
      %parallel_loop3A_989 = arith.constant 12 : i32
      %parallel_loop3A_990 = arith.addi %parallel_loop3A_988, %parallel_loop3A_989 : i32
      %parallel_loop3A_991 = arith.index_cast %parallel_loop3A_990 : i32 to index
      %parallel_loop3A_992 = arith.constant 0 : index
      %parallel_loop3A_993 = tpu.vector_load %arg7[%parallel_loop3A_991, %parallel_loop3A_992] {strides = array<i32>} : memref<128x128xf32, #tpu.memory_space<vmem>>, vector<1x16xf32>,
      %parallel_loop3A_994 = vector.shape_cast %parallel_loop3A_993 : vector<1x16xf32> to vector<16xf32>
      %parallel_loop3A_995 = arith.index_cast %parallel_loop3A_986 : i32 to index
      %parallel_loop3A_996 = arith.constant 0 : index
      %parallel_loop3A_997 = tpu.vector_load %arg8[%parallel_loop3A_995, %parallel_loop3A_996] {strides = array<i32>} : memref<256x128xf32, #tpu.memory_space<vmem>>, vector<1x16xf32>,
      %parallel_loop3A_998 = vector.shape_cast %parallel_loop3A_997 : vector<1x16xf32> to vector<16xf32>
      %parallel_loop3A_999 = vector.shape_cast %parallel_loop3A_994 : vector<16xf32> to vector<1x16xf32>
      tpu.vector_store %arg8[%parallel_loop3A_995, %parallel_loop3A_996], %parallel_loop3A_999 {add = true, strides = array<i32>} : memref<256x128xf32, #tpu.memory_space<vmem>>, vector<1x16xf32>,
      %parallel_loop3A_1000 = arith.index_cast %parallel_loop3A_990 : i32 to index
      %parallel_loop3A_1001 = arith.constant 16 : index
      %parallel_loop3A_1002 = tpu.vector_load %arg7[%parallel_loop3A_1000, %parallel_loop3A_1001] {strides = array<i32>} : memref<128x128xf32, #tpu.memory_space<vmem>>, vector<1x16xf32>,
      %parallel_loop3A_1003 = vector.shape_cast %parallel_loop3A_1002 : vector<1x16xf32> to vector<16xf32>
      %parallel_loop3A_1004 = arith.index_cast %parallel_loop3A_986 : i32 to index
      %parallel_loop3A_1005 = arith.constant 16 : index
      %parallel_loop3A_1006 = tpu.vector_load %arg8[%parallel_loop3A_1004, %parallel_loop3A_1005] {strides = array<i32>} : memref<256x128xf32, #tpu.memory_space<vmem>>, vector<1x16xf32>,
      %parallel_loop3A_1007 = vector.shape_cast %parallel_loop3A_1006 : vector<1x16xf32> to vector<16xf32>
      %parallel_loop3A_1008 = vector.shape_cast %parallel_loop3A_1003 : vector<16xf32> to vector<1x16xf32>
      tpu.vector_store %arg8[%parallel_loop3A_1004, %parallel_loop3A_1005], %parallel_loop3A_1008 {add = true, strides = array<i32>} : memref<256x128xf32, #tpu.memory_space<vmem>>, vector<1x16xf32>,
      %parallel_loop3A_1009 = arith.index_cast %parallel_loop3A_990 : i32 to index
      %parallel_loop3A_1010 = arith.constant 32 : index
      %parallel_loop3A_1011 = tpu.vector_load %arg7[%parallel_loop3A_1009, %parallel_loop3A_1010] {strides = array<i32>} : memref<128x128xf32, #tpu.memory_space<vmem>>, vector<1x16xf32>,
      %parallel_loop3A_1012 = vector.shape_cast %parallel_loop3A_1011 : vector<1x16xf32> to vector<16xf32>
      %parallel_loop3A_1013 = arith.index_cast %parallel_loop3A_986 : i32 to index
      %parallel_loop3A_1014 = arith.constant 32 : index
      %parallel_loop3A_1015 = tpu.vector_load %arg8[%parallel_loop3A_1013, %parallel_loop3A_1014] {strides = array<i32>} : memref<256x128xf32, #tpu.memory_space<vmem>>, vector<1x16xf32>,
      %parallel_loop3A_1016 = vector.shape_cast %parallel_loop3A_1015 : vector<1x16xf32> to vector<16xf32>
      %parallel_loop3A_1017 = vector.shape_cast %parallel_loop3A_1012 : vector<16xf32> to vector<1x16xf32>
      tpu.vector_store %arg8[%parallel_loop3A_1013, %parallel_loop3A_1014], %parallel_loop3A_1017 {add = true, strides = array<i32>} : memref<256x128xf32, #tpu.memory_space<vmem>>, vector<1x16xf32>,
      %parallel_loop3A_1018 = arith.index_cast %parallel_loop3A_990 : i32 to index
      %parallel_loop3A_1019 = arith.constant 48 : index
      %parallel_loop3A_1020 = tpu.vector_load %arg7[%parallel_loop3A_1018, %parallel_loop3A_1019] {strides = array<i32>} : memref<128x128xf32, #tpu.memory_space<vmem>>, vector<1x16xf32>,
      %parallel_loop3A_1021 = vector.shape_cast %parallel_loop3A_1020 : vector<1x16xf32> to vector<16xf32>
      %parallel_loop3A_1022 = arith.index_cast %parallel_loop3A_986 : i32 to index
      %parallel_loop3A_1023 = arith.constant 48 : index
      %parallel_loop3A_1024 = tpu.vector_load %arg8[%parallel_loop3A_1022, %parallel_loop3A_1023] {strides = array<i32>} : memref<256x128xf32, #tpu.memory_space<vmem>>, vector<1x16xf32>,
      %parallel_loop3A_1025 = vector.shape_cast %parallel_loop3A_1024 : vector<1x16xf32> to vector<16xf32>
      %parallel_loop3A_1026 = vector.shape_cast %parallel_loop3A_1021 : vector<16xf32> to vector<1x16xf32>
      tpu.vector_store %arg8[%parallel_loop3A_1022, %parallel_loop3A_1023], %parallel_loop3A_1026 {add = true, strides = array<i32>} : memref<256x128xf32, #tpu.memory_space<vmem>>, vector<1x16xf32>,
      %parallel_loop3A_1027 = arith.index_cast %parallel_loop3A_990 : i32 to index
      %parallel_loop3A_1028 = arith.constant 64 : index
      %parallel_loop3A_1029 = tpu.vector_load %arg7[%parallel_loop3A_1027, %parallel_loop3A_1028] {strides = array<i32>} : memref<128x128xf32, #tpu.memory_space<vmem>>, vector<1x16xf32>,
      %parallel_loop3A_1030 = vector.shape_cast %parallel_loop3A_1029 : vector<1x16xf32> to vector<16xf32>
      %parallel_loop3A_1031 = arith.index_cast %parallel_loop3A_986 : i32 to index
      %parallel_loop3A_1032 = arith.constant 64 : index
      %parallel_loop3A_1033 = tpu.vector_load %arg8[%parallel_loop3A_1031, %parallel_loop3A_1032] {strides = array<i32>} : memref<256x128xf32, #tpu.memory_space<vmem>>, vector<1x16xf32>,
      %parallel_loop3A_1034 = vector.shape_cast %parallel_loop3A_1033 : vector<1x16xf32> to vector<16xf32>
      %parallel_loop3A_1035 = vector.shape_cast %parallel_loop3A_1030 : vector<16xf32> to vector<1x16xf32>
      tpu.vector_store %arg8[%parallel_loop3A_1031, %parallel_loop3A_1032], %parallel_loop3A_1035 {add = true, strides = array<i32>} : memref<256x128xf32, #tpu.memory_space<vmem>>, vector<1x16xf32>,
      %parallel_loop3A_1036 = arith.index_cast %parallel_loop3A_990 : i32 to index
      %parallel_loop3A_1037 = arith.constant 80 : index
      %parallel_loop3A_1038 = tpu.vector_load %arg7[%parallel_loop3A_1036, %parallel_loop3A_1037] {strides = array<i32>} : memref<128x128xf32, #tpu.memory_space<vmem>>, vector<1x16xf32>,
      %parallel_loop3A_1039 = vector.shape_cast %parallel_loop3A_1038 : vector<1x16xf32> to vector<16xf32>
      %parallel_loop3A_1040 = arith.index_cast %parallel_loop3A_986 : i32 to index
      %parallel_loop3A_1041 = arith.constant 80 : index
      %parallel_loop3A_1042 = tpu.vector_load %arg8[%parallel_loop3A_1040, %parallel_loop3A_1041] {strides = array<i32>} : memref<256x128xf32, #tpu.memory_space<vmem>>, vector<1x16xf32>,
      %parallel_loop3A_1043 = vector.shape_cast %parallel_loop3A_1042 : vector<1x16xf32> to vector<16xf32>
      %parallel_loop3A_1044 = vector.shape_cast %parallel_loop3A_1039 : vector<16xf32> to vector<1x16xf32>
      tpu.vector_store %arg8[%parallel_loop3A_1040, %parallel_loop3A_1041], %parallel_loop3A_1044 {add = true, strides = array<i32>} : memref<256x128xf32, #tpu.memory_space<vmem>>, vector<1x16xf32>,
      %parallel_loop3A_1045 = arith.index_cast %parallel_loop3A_990 : i32 to index
      %parallel_loop3A_1046 = arith.constant 96 : index
      %parallel_loop3A_1047 = tpu.vector_load %arg7[%parallel_loop3A_1045, %parallel_loop3A_1046] {strides = array<i32>} : memref<128x128xf32, #tpu.memory_space<vmem>>, vector<1x16xf32>,
      %parallel_loop3A_1048 = vector.shape_cast %parallel_loop3A_1047 : vector<1x16xf32> to vector<16xf32>
      %parallel_loop3A_1049 = arith.index_cast %parallel_loop3A_986 : i32 to index
      %parallel_loop3A_1050 = arith.constant 96 : index
      %parallel_loop3A_1051 = tpu.vector_load %arg8[%parallel_loop3A_1049, %parallel_loop3A_1050] {strides = array<i32>} : memref<256x128xf32, #tpu.memory_space<vmem>>, vector<1x16xf32>,
      %parallel_loop3A_1052 = vector.shape_cast %parallel_loop3A_1051 : vector<1x16xf32> to vector<16xf32>
      %parallel_loop3A_1053 = vector.shape_cast %parallel_loop3A_1048 : vector<16xf32> to vector<1x16xf32>
      tpu.vector_store %arg8[%parallel_loop3A_1049, %parallel_loop3A_1050], %parallel_loop3A_1053 {add = true, strides = array<i32>} : memref<256x128xf32, #tpu.memory_space<vmem>>, vector<1x16xf32>,
      %parallel_loop3A_1054 = arith.index_cast %parallel_loop3A_990 : i32 to index
      %parallel_loop3A_1055 = arith.constant 112 : index
      %parallel_loop3A_1056 = tpu.vector_load %arg7[%parallel_loop3A_1054, %parallel_loop3A_1055] {strides = array<i32>} : memref<128x128xf32, #tpu.memory_space<vmem>>, vector<1x16xf32>,
      %parallel_loop3A_1057 = vector.shape_cast %parallel_loop3A_1056 : vector<1x16xf32> to vector<16xf32>
      %parallel_loop3A_1058 = arith.index_cast %parallel_loop3A_986 : i32 to index
      %parallel_loop3A_1059 = arith.constant 112 : index
      %parallel_loop3A_1060 = tpu.vector_load %arg8[%parallel_loop3A_1058, %parallel_loop3A_1059] {strides = array<i32>} : memref<256x128xf32, #tpu.memory_space<vmem>>, vector<1x16xf32>,
      %parallel_loop3A_1061 = vector.shape_cast %parallel_loop3A_1060 : vector<1x16xf32> to vector<16xf32>
      %parallel_loop3A_1062 = vector.shape_cast %parallel_loop3A_1057 : vector<16xf32> to vector<1x16xf32>
      tpu.vector_store %arg8[%parallel_loop3A_1058, %parallel_loop3A_1059], %parallel_loop3A_1062 {add = true, strides = array<i32>} : memref<256x128xf32, #tpu.memory_space<vmem>>, vector<1x16xf32>,
      %parallel_loop3A_1063 = vector.extract_strided_slice %parallel_loop3A_48 {offsets = [13], sizes = [1], strides = [1]} : vector<16xi32> to vector<1xi32>
      %parallel_loop3A_1064 = vector.extract %parallel_loop3A_1063[0] : i32 from vector<1xi32>
      %parallel_loop3A_1065 = arith.constant 16 : i32
      %parallel_loop3A_1066 = arith.muli %parallel_loop3A_43, %parallel_loop3A_1065 : i32
      %parallel_loop3A_1067 = arith.constant 13 : i32
      %parallel_loop3A_1068 = arith.addi %parallel_loop3A_1066, %parallel_loop3A_1067 : i32
      %parallel_loop3A_1069 = arith.index_cast %parallel_loop3A_1068 : i32 to index
      %parallel_loop3A_1070 = arith.constant 0 : index
      %parallel_loop3A_1071 = tpu.vector_load %arg7[%parallel_loop3A_1069, %parallel_loop3A_1070] {strides = array<i32>} : memref<128x128xf32, #tpu.memory_space<vmem>>, vector<1x16xf32>,
      %parallel_loop3A_1072 = vector.shape_cast %parallel_loop3A_1071 : vector<1x16xf32> to vector<16xf32>
      %parallel_loop3A_1073 = arith.index_cast %parallel_loop3A_1064 : i32 to index
      %parallel_loop3A_1074 = arith.constant 0 : index
      %parallel_loop3A_1075 = tpu.vector_load %arg8[%parallel_loop3A_1073, %parallel_loop3A_1074] {strides = array<i32>} : memref<256x128xf32, #tpu.memory_space<vmem>>, vector<1x16xf32>,
      %parallel_loop3A_1076 = vector.shape_cast %parallel_loop3A_1075 : vector<1x16xf32> to vector<16xf32>
      %parallel_loop3A_1077 = vector.shape_cast %parallel_loop3A_1072 : vector<16xf32> to vector<1x16xf32>
      tpu.vector_store %arg8[%parallel_loop3A_1073, %parallel_loop3A_1074], %parallel_loop3A_1077 {add = true, strides = array<i32>} : memref<256x128xf32, #tpu.memory_space<vmem>>, vector<1x16xf32>,
      %parallel_loop3A_1078 = arith.index_cast %parallel_loop3A_1068 : i32 to index
      %parallel_loop3A_1079 = arith.constant 16 : index
      %parallel_loop3A_1080 = tpu.vector_load %arg7[%parallel_loop3A_1078, %parallel_loop3A_1079] {strides = array<i32>} : memref<128x128xf32, #tpu.memory_space<vmem>>, vector<1x16xf32>,
      %parallel_loop3A_1081 = vector.shape_cast %parallel_loop3A_1080 : vector<1x16xf32> to vector<16xf32>
      %parallel_loop3A_1082 = arith.index_cast %parallel_loop3A_1064 : i32 to index
      %parallel_loop3A_1083 = arith.constant 16 : index
      %parallel_loop3A_1084 = tpu.vector_load %arg8[%parallel_loop3A_1082, %parallel_loop3A_1083] {strides = array<i32>} : memref<256x128xf32, #tpu.memory_space<vmem>>, vector<1x16xf32>,
      %parallel_loop3A_1085 = vector.shape_cast %parallel_loop3A_1084 : vector<1x16xf32> to vector<16xf32>
      %parallel_loop3A_1086 = vector.shape_cast %parallel_loop3A_1081 : vector<16xf32> to vector<1x16xf32>
      tpu.vector_store %arg8[%parallel_loop3A_1082, %parallel_loop3A_1083], %parallel_loop3A_1086 {add = true, strides = array<i32>} : memref<256x128xf32, #tpu.memory_space<vmem>>, vector<1x16xf32>,
      %parallel_loop3A_1087 = arith.index_cast %parallel_loop3A_1068 : i32 to index
      %parallel_loop3A_1088 = arith.constant 32 : index
      %parallel_loop3A_1089 = tpu.vector_load %arg7[%parallel_loop3A_1087, %parallel_loop3A_1088] {strides = array<i32>} : memref<128x128xf32, #tpu.memory_space<vmem>>, vector<1x16xf32>,
      %parallel_loop3A_1090 = vector.shape_cast %parallel_loop3A_1089 : vector<1x16xf32> to vector<16xf32>
      %parallel_loop3A_1091 = arith.index_cast %parallel_loop3A_1064 : i32 to index
      %parallel_loop3A_1092 = arith.constant 32 : index
      %parallel_loop3A_1093 = tpu.vector_load %arg8[%parallel_loop3A_1091, %parallel_loop3A_1092] {strides = array<i32>} : memref<256x128xf32, #tpu.memory_space<vmem>>, vector<1x16xf32>,
      %parallel_loop3A_1094 = vector.shape_cast %parallel_loop3A_1093 : vector<1x16xf32> to vector<16xf32>
      %parallel_loop3A_1095 = vector.shape_cast %parallel_loop3A_1090 : vector<16xf32> to vector<1x16xf32>
      tpu.vector_store %arg8[%parallel_loop3A_1091, %parallel_loop3A_1092], %parallel_loop3A_1095 {add = true, strides = array<i32>} : memref<256x128xf32, #tpu.memory_space<vmem>>, vector<1x16xf32>,
      %parallel_loop3A_1096 = arith.index_cast %parallel_loop3A_1068 : i32 to index
      %parallel_loop3A_1097 = arith.constant 48 : index
      %parallel_loop3A_1098 = tpu.vector_load %arg7[%parallel_loop3A_1096, %parallel_loop3A_1097] {strides = array<i32>} : memref<128x128xf32, #tpu.memory_space<vmem>>, vector<1x16xf32>,
      %parallel_loop3A_1099 = vector.shape_cast %parallel_loop3A_1098 : vector<1x16xf32> to vector<16xf32>
      %parallel_loop3A_1100 = arith.index_cast %parallel_loop3A_1064 : i32 to index
      %parallel_loop3A_1101 = arith.constant 48 : index
      %parallel_loop3A_1102 = tpu.vector_load %arg8[%parallel_loop3A_1100, %parallel_loop3A_1101] {strides = array<i32>} : memref<256x128xf32, #tpu.memory_space<vmem>>, vector<1x16xf32>,
      %parallel_loop3A_1103 = vector.shape_cast %parallel_loop3A_1102 : vector<1x16xf32> to vector<16xf32>
      %parallel_loop3A_1104 = vector.shape_cast %parallel_loop3A_1099 : vector<16xf32> to vector<1x16xf32>
      tpu.vector_store %arg8[%parallel_loop3A_1100, %parallel_loop3A_1101], %parallel_loop3A_1104 {add = true, strides = array<i32>} : memref<256x128xf32, #tpu.memory_space<vmem>>, vector<1x16xf32>,
      %parallel_loop3A_1105 = arith.index_cast %parallel_loop3A_1068 : i32 to index
      %parallel_loop3A_1106 = arith.constant 64 : index
      %parallel_loop3A_1107 = tpu.vector_load %arg7[%parallel_loop3A_1105, %parallel_loop3A_1106] {strides = array<i32>} : memref<128x128xf32, #tpu.memory_space<vmem>>, vector<1x16xf32>,
      %parallel_loop3A_1108 = vector.shape_cast %parallel_loop3A_1107 : vector<1x16xf32> to vector<16xf32>
      %parallel_loop3A_1109 = arith.index_cast %parallel_loop3A_1064 : i32 to index
      %parallel_loop3A_1110 = arith.constant 64 : index
      %parallel_loop3A_1111 = tpu.vector_load %arg8[%parallel_loop3A_1109, %parallel_loop3A_1110] {strides = array<i32>} : memref<256x128xf32, #tpu.memory_space<vmem>>, vector<1x16xf32>,
      %parallel_loop3A_1112 = vector.shape_cast %parallel_loop3A_1111 : vector<1x16xf32> to vector<16xf32>
      %parallel_loop3A_1113 = vector.shape_cast %parallel_loop3A_1108 : vector<16xf32> to vector<1x16xf32>
      tpu.vector_store %arg8[%parallel_loop3A_1109, %parallel_loop3A_1110], %parallel_loop3A_1113 {add = true, strides = array<i32>} : memref<256x128xf32, #tpu.memory_space<vmem>>, vector<1x16xf32>,
      %parallel_loop3A_1114 = arith.index_cast %parallel_loop3A_1068 : i32 to index
      %parallel_loop3A_1115 = arith.constant 80 : index
      %parallel_loop3A_1116 = tpu.vector_load %arg7[%parallel_loop3A_1114, %parallel_loop3A_1115] {strides = array<i32>} : memref<128x128xf32, #tpu.memory_space<vmem>>, vector<1x16xf32>,
      %parallel_loop3A_1117 = vector.shape_cast %parallel_loop3A_1116 : vector<1x16xf32> to vector<16xf32>
      %parallel_loop3A_1118 = arith.index_cast %parallel_loop3A_1064 : i32 to index
      %parallel_loop3A_1119 = arith.constant 80 : index
      %parallel_loop3A_1120 = tpu.vector_load %arg8[%parallel_loop3A_1118, %parallel_loop3A_1119] {strides = array<i32>} : memref<256x128xf32, #tpu.memory_space<vmem>>, vector<1x16xf32>,
      %parallel_loop3A_1121 = vector.shape_cast %parallel_loop3A_1120 : vector<1x16xf32> to vector<16xf32>
      %parallel_loop3A_1122 = vector.shape_cast %parallel_loop3A_1117 : vector<16xf32> to vector<1x16xf32>
      tpu.vector_store %arg8[%parallel_loop3A_1118, %parallel_loop3A_1119], %parallel_loop3A_1122 {add = true, strides = array<i32>} : memref<256x128xf32, #tpu.memory_space<vmem>>, vector<1x16xf32>,
      %parallel_loop3A_1123 = arith.index_cast %parallel_loop3A_1068 : i32 to index
      %parallel_loop3A_1124 = arith.constant 96 : index
      %parallel_loop3A_1125 = tpu.vector_load %arg7[%parallel_loop3A_1123, %parallel_loop3A_1124] {strides = array<i32>} : memref<128x128xf32, #tpu.memory_space<vmem>>, vector<1x16xf32>,
      %parallel_loop3A_1126 = vector.shape_cast %parallel_loop3A_1125 : vector<1x16xf32> to vector<16xf32>
      %parallel_loop3A_1127 = arith.index_cast %parallel_loop3A_1064 : i32 to index
      %parallel_loop3A_1128 = arith.constant 96 : index
      %parallel_loop3A_1129 = tpu.vector_load %arg8[%parallel_loop3A_1127, %parallel_loop3A_1128] {strides = array<i32>} : memref<256x128xf32, #tpu.memory_space<vmem>>, vector<1x16xf32>,
      %parallel_loop3A_1130 = vector.shape_cast %parallel_loop3A_1129 : vector<1x16xf32> to vector<16xf32>
      %parallel_loop3A_1131 = vector.shape_cast %parallel_loop3A_1126 : vector<16xf32> to vector<1x16xf32>
      tpu.vector_store %arg8[%parallel_loop3A_1127, %parallel_loop3A_1128], %parallel_loop3A_1131 {add = true, strides = array<i32>} : memref<256x128xf32, #tpu.memory_space<vmem>>, vector<1x16xf32>,
      %parallel_loop3A_1132 = arith.index_cast %parallel_loop3A_1068 : i32 to index
      %parallel_loop3A_1133 = arith.constant 112 : index
      %parallel_loop3A_1134 = tpu.vector_load %arg7[%parallel_loop3A_1132, %parallel_loop3A_1133] {strides = array<i32>} : memref<128x128xf32, #tpu.memory_space<vmem>>, vector<1x16xf32>,
      %parallel_loop3A_1135 = vector.shape_cast %parallel_loop3A_1134 : vector<1x16xf32> to vector<16xf32>
      %parallel_loop3A_1136 = arith.index_cast %parallel_loop3A_1064 : i32 to index
      %parallel_loop3A_1137 = arith.constant 112 : index
      %parallel_loop3A_1138 = tpu.vector_load %arg8[%parallel_loop3A_1136, %parallel_loop3A_1137] {strides = array<i32>} : memref<256x128xf32, #tpu.memory_space<vmem>>, vector<1x16xf32>,
      %parallel_loop3A_1139 = vector.shape_cast %parallel_loop3A_1138 : vector<1x16xf32> to vector<16xf32>
      %parallel_loop3A_1140 = vector.shape_cast %parallel_loop3A_1135 : vector<16xf32> to vector<1x16xf32>
      tpu.vector_store %arg8[%parallel_loop3A_1136, %parallel_loop3A_1137], %parallel_loop3A_1140 {add = true, strides = array<i32>} : memref<256x128xf32, #tpu.memory_space<vmem>>, vector<1x16xf32>,
      %parallel_loop3A_1141 = vector.extract_strided_slice %parallel_loop3A_48 {offsets = [14], sizes = [1], strides = [1]} : vector<16xi32> to vector<1xi32>
      %parallel_loop3A_1142 = vector.extract %parallel_loop3A_1141[0] : i32 from vector<1xi32>
      %parallel_loop3A_1143 = arith.constant 16 : i32
      %parallel_loop3A_1144 = arith.muli %parallel_loop3A_43, %parallel_loop3A_1143 : i32
      %parallel_loop3A_1145 = arith.constant 14 : i32
      %parallel_loop3A_1146 = arith.addi %parallel_loop3A_1144, %parallel_loop3A_1145 : i32
      %parallel_loop3A_1147 = arith.index_cast %parallel_loop3A_1146 : i32 to index
      %parallel_loop3A_1148 = arith.constant 0 : index
      %parallel_loop3A_1149 = tpu.vector_load %arg7[%parallel_loop3A_1147, %parallel_loop3A_1148] {strides = array<i32>} : memref<128x128xf32, #tpu.memory_space<vmem>>, vector<1x16xf32>,
      %parallel_loop3A_1150 = vector.shape_cast %parallel_loop3A_1149 : vector<1x16xf32> to vector<16xf32>
      %parallel_loop3A_1151 = arith.index_cast %parallel_loop3A_1142 : i32 to index
      %parallel_loop3A_1152 = arith.constant 0 : index
      %parallel_loop3A_1153 = tpu.vector_load %arg8[%parallel_loop3A_1151, %parallel_loop3A_1152] {strides = array<i32>} : memref<256x128xf32, #tpu.memory_space<vmem>>, vector<1x16xf32>,
      %parallel_loop3A_1154 = vector.shape_cast %parallel_loop3A_1153 : vector<1x16xf32> to vector<16xf32>
      %parallel_loop3A_1155 = vector.shape_cast %parallel_loop3A_1150 : vector<16xf32> to vector<1x16xf32>
      tpu.vector_store %arg8[%parallel_loop3A_1151, %parallel_loop3A_1152], %parallel_loop3A_1155 {add = true, strides = array<i32>} : memref<256x128xf32, #tpu.memory_space<vmem>>, vector<1x16xf32>,
      %parallel_loop3A_1156 = arith.index_cast %parallel_loop3A_1146 : i32 to index
      %parallel_loop3A_1157 = arith.constant 16 : index
      %parallel_loop3A_1158 = tpu.vector_load %arg7[%parallel_loop3A_1156, %parallel_loop3A_1157] {strides = array<i32>} : memref<128x128xf32, #tpu.memory_space<vmem>>, vector<1x16xf32>,
      %parallel_loop3A_1159 = vector.shape_cast %parallel_loop3A_1158 : vector<1x16xf32> to vector<16xf32>
      %parallel_loop3A_1160 = arith.index_cast %parallel_loop3A_1142 : i32 to index
      %parallel_loop3A_1161 = arith.constant 16 : index
      %parallel_loop3A_1162 = tpu.vector_load %arg8[%parallel_loop3A_1160, %parallel_loop3A_1161] {strides = array<i32>} : memref<256x128xf32, #tpu.memory_space<vmem>>, vector<1x16xf32>,
      %parallel_loop3A_1163 = vector.shape_cast %parallel_loop3A_1162 : vector<1x16xf32> to vector<16xf32>
      %parallel_loop3A_1164 = vector.shape_cast %parallel_loop3A_1159 : vector<16xf32> to vector<1x16xf32>
      tpu.vector_store %arg8[%parallel_loop3A_1160, %parallel_loop3A_1161], %parallel_loop3A_1164 {add = true, strides = array<i32>} : memref<256x128xf32, #tpu.memory_space<vmem>>, vector<1x16xf32>,
      %parallel_loop3A_1165 = arith.index_cast %parallel_loop3A_1146 : i32 to index
      %parallel_loop3A_1166 = arith.constant 32 : index
      %parallel_loop3A_1167 = tpu.vector_load %arg7[%parallel_loop3A_1165, %parallel_loop3A_1166] {strides = array<i32>} : memref<128x128xf32, #tpu.memory_space<vmem>>, vector<1x16xf32>,
      %parallel_loop3A_1168 = vector.shape_cast %parallel_loop3A_1167 : vector<1x16xf32> to vector<16xf32>
      %parallel_loop3A_1169 = arith.index_cast %parallel_loop3A_1142 : i32 to index
      %parallel_loop3A_1170 = arith.constant 32 : index
      %parallel_loop3A_1171 = tpu.vector_load %arg8[%parallel_loop3A_1169, %parallel_loop3A_1170] {strides = array<i32>} : memref<256x128xf32, #tpu.memory_space<vmem>>, vector<1x16xf32>,
      %parallel_loop3A_1172 = vector.shape_cast %parallel_loop3A_1171 : vector<1x16xf32> to vector<16xf32>
      %parallel_loop3A_1173 = vector.shape_cast %parallel_loop3A_1168 : vector<16xf32> to vector<1x16xf32>
      tpu.vector_store %arg8[%parallel_loop3A_1169, %parallel_loop3A_1170], %parallel_loop3A_1173 {add = true, strides = array<i32>} : memref<256x128xf32, #tpu.memory_space<vmem>>, vector<1x16xf32>,
      %parallel_loop3A_1174 = arith.index_cast %parallel_loop3A_1146 : i32 to index
      %parallel_loop3A_1175 = arith.constant 48 : index
      %parallel_loop3A_1176 = tpu.vector_load %arg7[%parallel_loop3A_1174, %parallel_loop3A_1175] {strides = array<i32>} : memref<128x128xf32, #tpu.memory_space<vmem>>, vector<1x16xf32>,
      %parallel_loop3A_1177 = vector.shape_cast %parallel_loop3A_1176 : vector<1x16xf32> to vector<16xf32>
      %parallel_loop3A_1178 = arith.index_cast %parallel_loop3A_1142 : i32 to index
      %parallel_loop3A_1179 = arith.constant 48 : index
      %parallel_loop3A_1180 = tpu.vector_load %arg8[%parallel_loop3A_1178, %parallel_loop3A_1179] {strides = array<i32>} : memref<256x128xf32, #tpu.memory_space<vmem>>, vector<1x16xf32>,
      %parallel_loop3A_1181 = vector.shape_cast %parallel_loop3A_1180 : vector<1x16xf32> to vector<16xf32>
      %parallel_loop3A_1182 = vector.shape_cast %parallel_loop3A_1177 : vector<16xf32> to vector<1x16xf32>
      tpu.vector_store %arg8[%parallel_loop3A_1178, %parallel_loop3A_1179], %parallel_loop3A_1182 {add = true, strides = array<i32>} : memref<256x128xf32, #tpu.memory_space<vmem>>, vector<1x16xf32>,
      %parallel_loop3A_1183 = arith.index_cast %parallel_loop3A_1146 : i32 to index
      %parallel_loop3A_1184 = arith.constant 64 : index
      %parallel_loop3A_1185 = tpu.vector_load %arg7[%parallel_loop3A_1183, %parallel_loop3A_1184] {strides = array<i32>} : memref<128x128xf32, #tpu.memory_space<vmem>>, vector<1x16xf32>,
      %parallel_loop3A_1186 = vector.shape_cast %parallel_loop3A_1185 : vector<1x16xf32> to vector<16xf32>
      %parallel_loop3A_1187 = arith.index_cast %parallel_loop3A_1142 : i32 to index
      %parallel_loop3A_1188 = arith.constant 64 : index
      %parallel_loop3A_1189 = tpu.vector_load %arg8[%parallel_loop3A_1187, %parallel_loop3A_1188] {strides = array<i32>} : memref<256x128xf32, #tpu.memory_space<vmem>>, vector<1x16xf32>,
      %parallel_loop3A_1190 = vector.shape_cast %parallel_loop3A_1189 : vector<1x16xf32> to vector<16xf32>
      %parallel_loop3A_1191 = vector.shape_cast %parallel_loop3A_1186 : vector<16xf32> to vector<1x16xf32>
      tpu.vector_store %arg8[%parallel_loop3A_1187, %parallel_loop3A_1188], %parallel_loop3A_1191 {add = true, strides = array<i32>} : memref<256x128xf32, #tpu.memory_space<vmem>>, vector<1x16xf32>,
      %parallel_loop3A_1192 = arith.index_cast %parallel_loop3A_1146 : i32 to index
      %parallel_loop3A_1193 = arith.constant 80 : index
      %parallel_loop3A_1194 = tpu.vector_load %arg7[%parallel_loop3A_1192, %parallel_loop3A_1193] {strides = array<i32>} : memref<128x128xf32, #tpu.memory_space<vmem>>, vector<1x16xf32>,
      %parallel_loop3A_1195 = vector.shape_cast %parallel_loop3A_1194 : vector<1x16xf32> to vector<16xf32>
      %parallel_loop3A_1196 = arith.index_cast %parallel_loop3A_1142 : i32 to index
      %parallel_loop3A_1197 = arith.constant 80 : index
      %parallel_loop3A_1198 = tpu.vector_load %arg8[%parallel_loop3A_1196, %parallel_loop3A_1197] {strides = array<i32>} : memref<256x128xf32, #tpu.memory_space<vmem>>, vector<1x16xf32>,
      %parallel_loop3A_1199 = vector.shape_cast %parallel_loop3A_1198 : vector<1x16xf32> to vector<16xf32>
      %parallel_loop3A_1200 = vector.shape_cast %parallel_loop3A_1195 : vector<16xf32> to vector<1x16xf32>
      tpu.vector_store %arg8[%parallel_loop3A_1196, %parallel_loop3A_1197], %parallel_loop3A_1200 {add = true, strides = array<i32>} : memref<256x128xf32, #tpu.memory_space<vmem>>, vector<1x16xf32>,
      %parallel_loop3A_1201 = arith.index_cast %parallel_loop3A_1146 : i32 to index
      %parallel_loop3A_1202 = arith.constant 96 : index
      %parallel_loop3A_1203 = tpu.vector_load %arg7[%parallel_loop3A_1201, %parallel_loop3A_1202] {strides = array<i32>} : memref<128x128xf32, #tpu.memory_space<vmem>>, vector<1x16xf32>,
      %parallel_loop3A_1204 = vector.shape_cast %parallel_loop3A_1203 : vector<1x16xf32> to vector<16xf32>
      %parallel_loop3A_1205 = arith.index_cast %parallel_loop3A_1142 : i32 to index
      %parallel_loop3A_1206 = arith.constant 96 : index
      %parallel_loop3A_1207 = tpu.vector_load %arg8[%parallel_loop3A_1205, %parallel_loop3A_1206] {strides = array<i32>} : memref<256x128xf32, #tpu.memory_space<vmem>>, vector<1x16xf32>,
      %parallel_loop3A_1208 = vector.shape_cast %parallel_loop3A_1207 : vector<1x16xf32> to vector<16xf32>
      %parallel_loop3A_1209 = vector.shape_cast %parallel_loop3A_1204 : vector<16xf32> to vector<1x16xf32>
      tpu.vector_store %arg8[%parallel_loop3A_1205, %parallel_loop3A_1206], %parallel_loop3A_1209 {add = true, strides = array<i32>} : memref<256x128xf32, #tpu.memory_space<vmem>>, vector<1x16xf32>,
      %parallel_loop3A_1210 = arith.index_cast %parallel_loop3A_1146 : i32 to index
      %parallel_loop3A_1211 = arith.constant 112 : index
      %parallel_loop3A_1212 = tpu.vector_load %arg7[%parallel_loop3A_1210, %parallel_loop3A_1211] {strides = array<i32>} : memref<128x128xf32, #tpu.memory_space<vmem>>, vector<1x16xf32>,
      %parallel_loop3A_1213 = vector.shape_cast %parallel_loop3A_1212 : vector<1x16xf32> to vector<16xf32>
      %parallel_loop3A_1214 = arith.index_cast %parallel_loop3A_1142 : i32 to index
      %parallel_loop3A_1215 = arith.constant 112 : index
      %parallel_loop3A_1216 = tpu.vector_load %arg8[%parallel_loop3A_1214, %parallel_loop3A_1215] {strides = array<i32>} : memref<256x128xf32, #tpu.memory_space<vmem>>, vector<1x16xf32>,
      %parallel_loop3A_1217 = vector.shape_cast %parallel_loop3A_1216 : vector<1x16xf32> to vector<16xf32>
      %parallel_loop3A_1218 = vector.shape_cast %parallel_loop3A_1213 : vector<16xf32> to vector<1x16xf32>
      tpu.vector_store %arg8[%parallel_loop3A_1214, %parallel_loop3A_1215], %parallel_loop3A_1218 {add = true, strides = array<i32>} : memref<256x128xf32, #tpu.memory_space<vmem>>, vector<1x16xf32>,
      %parallel_loop3A_1219 = vector.extract_strided_slice %parallel_loop3A_48 {offsets = [15], sizes = [1], strides = [1]} : vector<16xi32> to vector<1xi32>
      %parallel_loop3A_1220 = vector.extract %parallel_loop3A_1219[0] : i32 from vector<1xi32>
      %parallel_loop3A_1221 = arith.constant 16 : i32
      %parallel_loop3A_1222 = arith.muli %parallel_loop3A_43, %parallel_loop3A_1221 : i32
      %parallel_loop3A_1223 = arith.constant 15 : i32
      %parallel_loop3A_1224 = arith.addi %parallel_loop3A_1222, %parallel_loop3A_1223 : i32
      %parallel_loop3A_1225 = arith.index_cast %parallel_loop3A_1224 : i32 to index
      %parallel_loop3A_1226 = arith.constant 0 : index
      %parallel_loop3A_1227 = tpu.vector_load %arg7[%parallel_loop3A_1225, %parallel_loop3A_1226] {strides = array<i32>} : memref<128x128xf32, #tpu.memory_space<vmem>>, vector<1x16xf32>,
      %parallel_loop3A_1228 = vector.shape_cast %parallel_loop3A_1227 : vector<1x16xf32> to vector<16xf32>
      %parallel_loop3A_1229 = arith.index_cast %parallel_loop3A_1220 : i32 to index
      %parallel_loop3A_1230 = arith.constant 0 : index
      %parallel_loop3A_1231 = tpu.vector_load %arg8[%parallel_loop3A_1229, %parallel_loop3A_1230] {strides = array<i32>} : memref<256x128xf32, #tpu.memory_space<vmem>>, vector<1x16xf32>,
      %parallel_loop3A_1232 = vector.shape_cast %parallel_loop3A_1231 : vector<1x16xf32> to vector<16xf32>
      %parallel_loop3A_1233 = vector.shape_cast %parallel_loop3A_1228 : vector<16xf32> to vector<1x16xf32>
      tpu.vector_store %arg8[%parallel_loop3A_1229, %parallel_loop3A_1230], %parallel_loop3A_1233 {add = true, strides = array<i32>} : memref<256x128xf32, #tpu.memory_space<vmem>>, vector<1x16xf32>,
      %parallel_loop3A_1234 = arith.index_cast %parallel_loop3A_1224 : i32 to index
      %parallel_loop3A_1235 = arith.constant 16 : index
      %parallel_loop3A_1236 = tpu.vector_load %arg7[%parallel_loop3A_1234, %parallel_loop3A_1235] {strides = array<i32>} : memref<128x128xf32, #tpu.memory_space<vmem>>, vector<1x16xf32>,
      %parallel_loop3A_1237 = vector.shape_cast %parallel_loop3A_1236 : vector<1x16xf32> to vector<16xf32>
      %parallel_loop3A_1238 = arith.index_cast %parallel_loop3A_1220 : i32 to index
      %parallel_loop3A_1239 = arith.constant 16 : index
      %parallel_loop3A_1240 = tpu.vector_load %arg8[%parallel_loop3A_1238, %parallel_loop3A_1239] {strides = array<i32>} : memref<256x128xf32, #tpu.memory_space<vmem>>, vector<1x16xf32>,
      %parallel_loop3A_1241 = vector.shape_cast %parallel_loop3A_1240 : vector<1x16xf32> to vector<16xf32>
      %parallel_loop3A_1242 = vector.shape_cast %parallel_loop3A_1237 : vector<16xf32> to vector<1x16xf32>
      tpu.vector_store %arg8[%parallel_loop3A_1238, %parallel_loop3A_1239], %parallel_loop3A_1242 {add = true, strides = array<i32>} : memref<256x128xf32, #tpu.memory_space<vmem>>, vector<1x16xf32>,
      %parallel_loop3A_1243 = arith.index_cast %parallel_loop3A_1224 : i32 to index
      %parallel_loop3A_1244 = arith.constant 32 : index
      %parallel_loop3A_1245 = tpu.vector_load %arg7[%parallel_loop3A_1243, %parallel_loop3A_1244] {strides = array<i32>} : memref<128x128xf32, #tpu.memory_space<vmem>>, vector<1x16xf32>,
      %parallel_loop3A_1246 = vector.shape_cast %parallel_loop3A_1245 : vector<1x16xf32> to vector<16xf32>
      %parallel_loop3A_1247 = arith.index_cast %parallel_loop3A_1220 : i32 to index
      %parallel_loop3A_1248 = arith.constant 32 : index
      %parallel_loop3A_1249 = tpu.vector_load %arg8[%parallel_loop3A_1247, %parallel_loop3A_1248] {strides = array<i32>} : memref<256x128xf32, #tpu.memory_space<vmem>>, vector<1x16xf32>,
      %parallel_loop3A_1250 = vector.shape_cast %parallel_loop3A_1249 : vector<1x16xf32> to vector<16xf32>
      %parallel_loop3A_1251 = vector.shape_cast %parallel_loop3A_1246 : vector<16xf32> to vector<1x16xf32>
      tpu.vector_store %arg8[%parallel_loop3A_1247, %parallel_loop3A_1248], %parallel_loop3A_1251 {add = true, strides = array<i32>} : memref<256x128xf32, #tpu.memory_space<vmem>>, vector<1x16xf32>,
      %parallel_loop3A_1252 = arith.index_cast %parallel_loop3A_1224 : i32 to index
      %parallel_loop3A_1253 = arith.constant 48 : index
      %parallel_loop3A_1254 = tpu.vector_load %arg7[%parallel_loop3A_1252, %parallel_loop3A_1253] {strides = array<i32>} : memref<128x128xf32, #tpu.memory_space<vmem>>, vector<1x16xf32>,
      %parallel_loop3A_1255 = vector.shape_cast %parallel_loop3A_1254 : vector<1x16xf32> to vector<16xf32>
      %parallel_loop3A_1256 = arith.index_cast %parallel_loop3A_1220 : i32 to index
      %parallel_loop3A_1257 = arith.constant 48 : index
      %parallel_loop3A_1258 = tpu.vector_load %arg8[%parallel_loop3A_1256, %parallel_loop3A_1257] {strides = array<i32>} : memref<256x128xf32, #tpu.memory_space<vmem>>, vector<1x16xf32>,
      %parallel_loop3A_1259 = vector.shape_cast %parallel_loop3A_1258 : vector<1x16xf32> to vector<16xf32>
      %parallel_loop3A_1260 = vector.shape_cast %parallel_loop3A_1255 : vector<16xf32> to vector<1x16xf32>
      tpu.vector_store %arg8[%parallel_loop3A_1256, %parallel_loop3A_1257], %parallel_loop3A_1260 {add = true, strides = array<i32>} : memref<256x128xf32, #tpu.memory_space<vmem>>, vector<1x16xf32>,
      %parallel_loop3A_1261 = arith.index_cast %parallel_loop3A_1224 : i32 to index
      %parallel_loop3A_1262 = arith.constant 64 : index
      %parallel_loop3A_1263 = tpu.vector_load %arg7[%parallel_loop3A_1261, %parallel_loop3A_1262] {strides = array<i32>} : memref<128x128xf32, #tpu.memory_space<vmem>>, vector<1x16xf32>,
      %parallel_loop3A_1264 = vector.shape_cast %parallel_loop3A_1263 : vector<1x16xf32> to vector<16xf32>
      %parallel_loop3A_1265 = arith.index_cast %parallel_loop3A_1220 : i32 to index
      %parallel_loop3A_1266 = arith.constant 64 : index
      %parallel_loop3A_1267 = tpu.vector_load %arg8[%parallel_loop3A_1265, %parallel_loop3A_1266] {strides = array<i32>} : memref<256x128xf32, #tpu.memory_space<vmem>>, vector<1x16xf32>,
      %parallel_loop3A_1268 = vector.shape_cast %parallel_loop3A_1267 : vector<1x16xf32> to vector<16xf32>
      %parallel_loop3A_1269 = vector.shape_cast %parallel_loop3A_1264 : vector<16xf32> to vector<1x16xf32>
      tpu.vector_store %arg8[%parallel_loop3A_1265, %parallel_loop3A_1266], %parallel_loop3A_1269 {add = true, strides = array<i32>} : memref<256x128xf32, #tpu.memory_space<vmem>>, vector<1x16xf32>,
      %parallel_loop3A_1270 = arith.index_cast %parallel_loop3A_1224 : i32 to index
      %parallel_loop3A_1271 = arith.constant 80 : index
      %parallel_loop3A_1272 = tpu.vector_load %arg7[%parallel_loop3A_1270, %parallel_loop3A_1271] {strides = array<i32>} : memref<128x128xf32, #tpu.memory_space<vmem>>, vector<1x16xf32>,
      %parallel_loop3A_1273 = vector.shape_cast %parallel_loop3A_1272 : vector<1x16xf32> to vector<16xf32>
      %parallel_loop3A_1274 = arith.index_cast %parallel_loop3A_1220 : i32 to index
      %parallel_loop3A_1275 = arith.constant 80 : index
      %parallel_loop3A_1276 = tpu.vector_load %arg8[%parallel_loop3A_1274, %parallel_loop3A_1275] {strides = array<i32>} : memref<256x128xf32, #tpu.memory_space<vmem>>, vector<1x16xf32>,
      %parallel_loop3A_1277 = vector.shape_cast %parallel_loop3A_1276 : vector<1x16xf32> to vector<16xf32>
      %parallel_loop3A_1278 = vector.shape_cast %parallel_loop3A_1273 : vector<16xf32> to vector<1x16xf32>
      tpu.vector_store %arg8[%parallel_loop3A_1274, %parallel_loop3A_1275], %parallel_loop3A_1278 {add = true, strides = array<i32>} : memref<256x128xf32, #tpu.memory_space<vmem>>, vector<1x16xf32>,
      %parallel_loop3A_1279 = arith.index_cast %parallel_loop3A_1224 : i32 to index
      %parallel_loop3A_1280 = arith.constant 96 : index
      %parallel_loop3A_1281 = tpu.vector_load %arg7[%parallel_loop3A_1279, %parallel_loop3A_1280] {strides = array<i32>} : memref<128x128xf32, #tpu.memory_space<vmem>>, vector<1x16xf32>,
      %parallel_loop3A_1282 = vector.shape_cast %parallel_loop3A_1281 : vector<1x16xf32> to vector<16xf32>
      %parallel_loop3A_1283 = arith.index_cast %parallel_loop3A_1220 : i32 to index
      %parallel_loop3A_1284 = arith.constant 96 : index
      %parallel_loop3A_1285 = tpu.vector_load %arg8[%parallel_loop3A_1283, %parallel_loop3A_1284] {strides = array<i32>} : memref<256x128xf32, #tpu.memory_space<vmem>>, vector<1x16xf32>,
      %parallel_loop3A_1286 = vector.shape_cast %parallel_loop3A_1285 : vector<1x16xf32> to vector<16xf32>
      %parallel_loop3A_1287 = vector.shape_cast %parallel_loop3A_1282 : vector<16xf32> to vector<1x16xf32>
      tpu.vector_store %arg8[%parallel_loop3A_1283, %parallel_loop3A_1284], %parallel_loop3A_1287 {add = true, strides = array<i32>} : memref<256x128xf32, #tpu.memory_space<vmem>>, vector<1x16xf32>,
      %parallel_loop3A_1288 = arith.index_cast %parallel_loop3A_1224 : i32 to index
      %parallel_loop3A_1289 = arith.constant 112 : index
      %parallel_loop3A_1290 = tpu.vector_load %arg7[%parallel_loop3A_1288, %parallel_loop3A_1289] {strides = array<i32>} : memref<128x128xf32, #tpu.memory_space<vmem>>, vector<1x16xf32>,
      %parallel_loop3A_1291 = vector.shape_cast %parallel_loop3A_1290 : vector<1x16xf32> to vector<16xf32>
      %parallel_loop3A_1292 = arith.index_cast %parallel_loop3A_1220 : i32 to index
      %parallel_loop3A_1293 = arith.constant 112 : index
      %parallel_loop3A_1294 = tpu.vector_load %arg8[%parallel_loop3A_1292, %parallel_loop3A_1293] {strides = array<i32>} : memref<256x128xf32, #tpu.memory_space<vmem>>, vector<1x16xf32>,
      %parallel_loop3A_1295 = vector.shape_cast %parallel_loop3A_1294 : vector<1x16xf32> to vector<16xf32>
      %parallel_loop3A_1296 = vector.shape_cast %parallel_loop3A_1291 : vector<16xf32> to vector<1x16xf32>
      tpu.vector_store %arg8[%parallel_loop3A_1292, %parallel_loop3A_1293], %parallel_loop3A_1296 {add = true, strides = array<i32>} : memref<256x128xf32, #tpu.memory_space<vmem>>, vector<1x16xf32>,
    } {sc.loop_unroll_factor = 4 : i64, sc.parallel_access}
    %mul3A_41 = arith.constant 128 : i32
    %mul3A_42 = arith.muli %select_n3A_30, %mul3A_41 : i32
    "tpu.region"() ({
      %run_scoped3A = tpu.sem_alloc : memref<!tpu.dma_semaphore, #tpu.memory_space<semaphore_mem>>
      %dma_start3A = arith.constant 0 : i32
      %dma_start3A_43 = tpu.memref_slice %arg5[%select_n3A, %dma_start3A, %mul3A_42] : memref<4x256x512xf32, #tpu.memory_space<hbm>> -> memref<1x256x128xf32, #tpu.memory_space<hbm>>
      %dma_start3A_44 = tpu.memref_squeeze %dma_start3A_43 : memref<1x256x128xf32, #tpu.memory_space<hbm>> -> memref<256x128xf32, #tpu.memory_space<hbm>>
      %dma_start3A_45 = arith.constant 0 : i32
      %dma_start3A_46 = tpu.memref_slice %arg5[%select_n3A, %dma_start3A_45, %mul3A_42] : memref<4x256x512xf32, #tpu.memory_space<hbm>> -> memref<1x256x128xf32, #tpu.memory_space<hbm>>
      %dma_start3A_47 = tpu.memref_squeeze %dma_start3A_46 : memref<1x256x128xf32, #tpu.memory_space<hbm>> -> memref<256x128xf32, #tpu.memory_space<hbm>>
      tpu.enqueue_dma source(%arg8 : memref<256x128xf32, #tpu.memory_space<vmem>>) target(%dma_start3A_47 : memref<256x128xf32, #tpu.memory_space<hbm>>) target_semaphore(%run_scoped3A : memref<!tpu.dma_semaphore, #tpu.memory_space<semaphore_mem>>)
      %dma_wait3A = arith.constant 0 : i32
      %dma_wait3A_48 = tpu.memref_slice %arg5[%select_n3A, %dma_wait3A, %mul3A_42] : memref<4x256x512xf32, #tpu.memory_space<hbm>> -> memref<1x256x128xf32, #tpu.memory_space<hbm>>
      %dma_wait3A_49 = tpu.memref_squeeze %dma_wait3A_48 : memref<1x256x128xf32, #tpu.memory_space<hbm>> -> memref<256x128xf32, #tpu.memory_space<hbm>>
      %dma_wait3A_50 = arith.constant 0 : i32
      %dma_wait3A_51 = tpu.memref_slice %arg5[%select_n3A, %dma_wait3A_50, %mul3A_42] : memref<4x256x512xf32, #tpu.memory_space<hbm>> -> memref<1x256x128xf32, #tpu.memory_space<hbm>>
      %dma_wait3A_52 = tpu.memref_squeeze %dma_wait3A_51 : memref<1x256x128xf32, #tpu.memory_space<hbm>> -> memref<256x128xf32, #tpu.memory_space<hbm>>
      tpu.wait_dma2 semaphore(%run_scoped3A : memref<!tpu.dma_semaphore, #tpu.memory_space<semaphore_mem>>) src(%arg8 : memref<256x128xf32, #tpu.memory_space<vmem>>) dst(%dma_wait3A_52 : memref<256x128xf32, #tpu.memory_space<hbm>>)
      tpu.yield
    }) : () -> ()
    return
  }
}

module attributes {stable_mosaic.version = 14 : i64} {
  func.func @_pre_body(%arg0: i32, %arg1: memref<1x512xi32, #tpu.memory_space<vmem>>, %arg2: memref<512x512xf32, #tpu.memory_space<vmem>>, %arg3: memref<256x512xf32, #tpu.memory_space<vmem>>, %arg4: memref<256x1xf32, #tpu.memory_space<vmem>>) attributes {dimension_semantics = [#tpu.dimension_semantics<arbitrary>], iteration_bounds = array<i64: 8>, scalar_prefetch = 0 : i64, scratch_operands = 0 : i64, tpu.core_type = #tpu.core_type<tc>, window_params = [{transform_indices = @transform_0, window_bounds = array<i64: 1, 512>}, {transform_indices = @transform_1, window_bounds = array<i64: 512, 512>}, {pipeline_mode = #tpu.pipeline_mode<synchronous>, transform_indices = @transform_2, window_bounds = array<i64: 256, 512>}, {pipeline_mode = #tpu.pipeline_mode<synchronous>, transform_indices = @transform_3, window_bounds = array<i64: 256, 1>}]} {
    %get3A = arith.constant 0 : index
    %get3A_0 = arith.constant 0 : index
    %get3A_1 = vector.load %arg1[%get3A, %get3A_0] : memref<1x512xi32, #tpu.memory_space<vmem>>, vector<1x512xi32>
    %iota3A = tpu.iota {dimensions = array<i32: 0>} : vector<256x1xi32>
    %eq3A = vector.broadcast %get3A_1 : vector<1x512xi32> to vector<256x512xi32>
    %eq3A_2 = vector.broadcast %iota3A : vector<256x1xi32> to vector<256x512xi32>
    %eq3A_3 = arith.cmpi eq, %eq3A, %eq3A_2 : vector<256x512xi32>
    %convert_element_type3A = arith.extui %eq3A_3 : vector<256x512xi1> to vector<256x512xi32>
    %convert_element_type3A_4 = arith.sitofp %convert_element_type3A : vector<256x512xi32> to vector<256x512xf32>
    %reduce_sum3A = arith.constant dense<0.000000e+00> : vector<256xf32>
    %reduce_sum3A_5 = vector.multi_reduction <add>, %convert_element_type3A_4, %reduce_sum3A [1] : vector<256x512xf32> to vector<256xf32>
    %broadcast_in_dim3A = vector.shape_cast %reduce_sum3A_5 : vector<256xf32> to vector<256x1xf32>
    %eq3A_6 = arith.constant 0 : i32
    %eq3A_7 = arith.cmpi eq, %arg0, %eq3A_6 : i32
    %convert_element_type3A_8 = arith.extui %eq3A_7 : i1 to i32
    %cond3A = arith.constant 0 : i32
    %cond3A_9 = arith.cmpi ne, %convert_element_type3A_8, %cond3A : i32
    scf.if %cond3A_9 {
      %broadcast_in_dim3A_19 = arith.constant 0.000000e+00 : f32
      %broadcast_in_dim3A_20 = vector.broadcast %broadcast_in_dim3A_19 : f32 to vector<256x512xf32>
      %swap3A_21 = arith.constant 0 : index
      %swap3A_22 = arith.constant 0 : index
      %swap3A_23 = vector.load %arg3[%swap3A_21, %swap3A_22] : memref<256x512xf32, #tpu.memory_space<vmem>>, vector<256x512xf32>
      tpu.vector_store %arg3[%swap3A_21, %swap3A_22], %broadcast_in_dim3A_20 {strides = array<i32>} : memref<256x512xf32, #tpu.memory_space<vmem>>, vector<256x512xf32>,
      %broadcast_in_dim3A_24 = arith.constant 0.000000e+00 : f32
      %broadcast_in_dim3A_25 = vector.broadcast %broadcast_in_dim3A_24 : f32 to vector<256x1xf32>
      %swap3A_26 = arith.constant 0 : index
      %swap3A_27 = arith.constant 0 : index
      %swap3A_28 = vector.load %arg4[%swap3A_26, %swap3A_27] : memref<256x1xf32, #tpu.memory_space<vmem>>, vector<256x1xf32>
      tpu.vector_store %arg4[%swap3A_26, %swap3A_27], %broadcast_in_dim3A_25 {strides = array<i32>} : memref<256x1xf32, #tpu.memory_space<vmem>>, vector<256x1xf32>,
    } else {
    }
    %get3A_10 = arith.constant 0 : index
    %get3A_11 = arith.constant 0 : index
    %get3A_12 = vector.load %arg4[%get3A_10, %get3A_11] : memref<256x1xf32, #tpu.memory_space<vmem>>, vector<256x1xf32>
    %add3A = arith.addf %get3A_12, %broadcast_in_dim3A : vector<256x1xf32>
    %swap3A = arith.constant 0 : index
    %swap3A_13 = arith.constant 0 : index
    %swap3A_14 = vector.load %arg4[%swap3A, %swap3A_13] : memref<256x1xf32, #tpu.memory_space<vmem>>, vector<256x1xf32>
    tpu.vector_store %arg4[%swap3A, %swap3A_13], %add3A {strides = array<i32>} : memref<256x1xf32, #tpu.memory_space<vmem>>, vector<256x1xf32>,
    %ge3A = arith.constant 1 : i32
    %ge3A_15 = arith.cmpi sge, %arg0, %ge3A : i32
    %convert_element_type3A_16 = arith.extui %ge3A_15 : i1 to i32
    %cond3A_17 = arith.constant 0 : i32
    %cond3A_18 = arith.cmpi ne, %convert_element_type3A_16, %cond3A_17 : i32
    scf.if %cond3A_18 {
      %get3A_19 = arith.constant 0 : index
      %get3A_20 = arith.constant 0 : index
      %get3A_21 = vector.load %arg3[%get3A_19, %get3A_20] : memref<256x512xf32, #tpu.memory_space<vmem>>, vector<256x512xf32>
      %get3A_22 = arith.constant 0 : index
      %get3A_23 = arith.constant 0 : index
      %get3A_24 = vector.load %arg2[%get3A_22, %get3A_23] : memref<512x512xf32, #tpu.memory_space<vmem>>, vector<512x512xf32>
      %dot_general3A = arith.constant dense<0.000000e+00> : vector<256x512xf32>
      %dot_general3A_25 = tpu.matmul %convert_element_type3A_4, %get3A_24, %dot_general3A {dimension_numbers = #tpu.dot_dimension_numbers<[1], [0], [0], [1], [0, 0, 1, 1], [], []>, precision = #tpu.contract_precision<fp32>, transpose_lhs_hint = false} : vector<256x512xf32>, vector<512x512xf32>, vector<256x512xf32> -> vector<256x512xf32>
      %add3A_26 = arith.addf %get3A_21, %dot_general3A_25 : vector<256x512xf32>
      %swap3A_27 = arith.constant 0 : index
      %swap3A_28 = arith.constant 0 : index
      %swap3A_29 = vector.load %arg3[%swap3A_27, %swap3A_28] : memref<256x512xf32, #tpu.memory_space<vmem>>, vector<256x512xf32>
      tpu.vector_store %arg3[%swap3A_27, %swap3A_28], %add3A_26 {strides = array<i32>} : memref<256x512xf32, #tpu.memory_space<vmem>>, vector<256x512xf32>,
    } else {
    }
    return
  }
  func.func @transform_0(%arg0: i32) -> (i32, i32) {
    %c0_i32 = arith.constant 0 : i32
    %c0_i32_0 = arith.constant 0 : i32
    return %c0_i32, %arg0 : i32, i32
  }
  func.func @transform_1(%arg0: i32) -> (i32, i32) {
    %c0_i32 = arith.constant 0 : i32
    %c0_i32_0 = arith.constant 0 : i32
    return %arg0, %c0_i32 : i32, i32
  }
  func.func @transform_2(%arg0: i32) -> (i32, i32) {
    %c0_i32 = arith.constant 0 : i32
    %c0_i32_0 = arith.constant 0 : i32
    %c0_i32_1 = arith.constant 0 : i32
    return %c0_i32, %c0_i32_0 : i32, i32
  }
  func.func @transform_3(%arg0: i32) -> (i32, i32) {
    %c0_i32 = arith.constant 0 : i32
    %c0_i32_0 = arith.constant 0 : i32
    %c0_i32_1 = arith.constant 0 : i32
    return %c0_i32, %c0_i32_0 : i32, i32
  }
}

module attributes {stable_mosaic.version = 14 : i64} {
  func.func @_loss_block_body(%arg0: i32, %arg1: memref<1024x512xf32, #tpu.memory_space<vmem>>, %arg2: memref<1024x1xi32, #tpu.memory_space<vmem>>, %arg3: memref<4x256x512xf32, #tpu.memory_space<vmem>>, %arg4: memref<256x512xf32, #tpu.memory_space<vmem>>, %arg5: memref<256x1xf32, #tpu.memory_space<vmem>>, %arg6: memref<1x1xf32, #tpu.memory_space<vmem>>, %arg7: memref<256x512xf32, #tpu.memory_space<vmem>>, %arg8: memref<4x256xf32, #tpu.memory_space<vmem>>) attributes {dimension_semantics = [#tpu.dimension_semantics<arbitrary>], iteration_bounds = array<i64: 4>, scalar_prefetch = 0 : i64, scratch_operands = 2 : i64, tpu.core_type = #tpu.core_type<tc>, window_params = [{transform_indices = @transform_0, window_bounds = array<i64: 1024, 512>}, {transform_indices = @transform_1, window_bounds = array<i64: 1024, 1>}, {pipeline_mode = #tpu.pipeline_mode<synchronous>, transform_indices = @transform_2, window_bounds = array<i64: 4, 256, 512>}, {pipeline_mode = #tpu.pipeline_mode<synchronous>, transform_indices = @transform_3, window_bounds = array<i64: 256, 512>}, {pipeline_mode = #tpu.pipeline_mode<synchronous>, transform_indices = @transform_4, window_bounds = array<i64: 256, 1>}, {pipeline_mode = #tpu.pipeline_mode<synchronous>, transform_indices = @transform_5, window_bounds = array<i64: 1, 1>}]} {
    %eq3A = arith.constant 0 : i32
    %eq3A_0 = arith.cmpi eq, %arg0, %eq3A : i32
    %convert_element_type3A = arith.extui %eq3A_0 : i1 to i32
    %cond3A = arith.constant 0 : i32
    %cond3A_1 = arith.cmpi ne, %convert_element_type3A, %cond3A : i32
    scf.if %cond3A_1 {
      %get3A_100 = arith.constant 0 : index
      %get3A_101 = arith.constant 0 : index
      %get3A_102 = vector.load %arg5[%get3A_100, %get3A_101] : memref<256x1xf32, #tpu.memory_space<vmem>>, vector<256x1xf32>
      %get3A_103 = arith.constant 0 : index
      %get3A_104 = arith.constant 0 : index
      %get3A_105 = vector.load %arg4[%get3A_103, %get3A_104] : memref<256x512xf32, #tpu.memory_space<vmem>>, vector<256x512xf32>
      %get3A_106 = arith.constant 0 : index
      %get3A_107 = arith.constant 0 : index
      %get3A_108 = arith.constant 0 : index
      %get3A_109 = vector.load %arg3[%get3A_106, %get3A_107, %get3A_108] : memref<4x256x512xf32, #tpu.memory_space<vmem>>, vector<1x256x512xf32>
      %get3A_110 = vector.shape_cast %get3A_109 : vector<1x256x512xf32> to vector<256x512xf32>
      %add3A_111 = arith.addf %get3A_105, %get3A_110 : vector<256x512xf32>
      %get3A_112 = arith.constant 1 : index
      %get3A_113 = arith.constant 0 : index
      %get3A_114 = arith.constant 0 : index
      %get3A_115 = vector.load %arg3[%get3A_112, %get3A_113, %get3A_114] : memref<4x256x512xf32, #tpu.memory_space<vmem>>, vector<1x256x512xf32>
      %get3A_116 = vector.shape_cast %get3A_115 : vector<1x256x512xf32> to vector<256x512xf32>
      %add3A_117 = arith.addf %add3A_111, %get3A_116 : vector<256x512xf32>
      %get3A_118 = arith.constant 2 : index
      %get3A_119 = arith.constant 0 : index
      %get3A_120 = arith.constant 0 : index
      %get3A_121 = vector.load %arg3[%get3A_118, %get3A_119, %get3A_120] : memref<4x256x512xf32, #tpu.memory_space<vmem>>, vector<1x256x512xf32>
      %get3A_122 = vector.shape_cast %get3A_121 : vector<1x256x512xf32> to vector<256x512xf32>
      %add3A_123 = arith.addf %add3A_117, %get3A_122 : vector<256x512xf32>
      %get3A_124 = arith.constant 3 : index
      %get3A_125 = arith.constant 0 : index
      %get3A_126 = arith.constant 0 : index
      %get3A_127 = vector.load %arg3[%get3A_124, %get3A_125, %get3A_126] : memref<4x256x512xf32, #tpu.memory_space<vmem>>, vector<1x256x512xf32>
      %get3A_128 = vector.shape_cast %get3A_127 : vector<1x256x512xf32> to vector<256x512xf32>
      %add3A_129 = arith.addf %add3A_123, %get3A_128 : vector<256x512xf32>
      %max3A_130 = arith.constant 1.000000e+00 : f32
      %max3A_131 = vector.broadcast %max3A_130 : f32 to vector<256x1xf32>
      %max3A_132 = arith.maximumf %get3A_102, %max3A_131 : vector<256x1xf32>
      %div3A_133 = vector.broadcast %max3A_132 : vector<256x1xf32> to vector<256x512xf32>
      %div3A_134 = arith.divf %add3A_129, %div3A_133 : vector<256x512xf32>
      %gt3A = arith.constant 0.000000e+00 : f32
      %gt3A_135 = vector.broadcast %gt3A : f32 to vector<256x1xf32>
      %gt3A_136 = arith.cmpf ogt, %get3A_102, %gt3A_135 : vector<256x1xf32>
      %convert_element_type3A_137 = arith.extui %gt3A_136 : vector<256x1xi1> to vector<256x1xi32>
      %convert_element_type3A_138 = arith.sitofp %convert_element_type3A_137 : vector<256x1xi32> to vector<256x1xf32>
      %transpose3A = tpu.transpose %convert_element_type3A_138, [1, 0] : vector<256x1xf32> -> vector<1x256xf32>
      %reduce_sum3A_139 = vector.shape_cast %transpose3A : vector<1x256xf32> to vector<1x1x256xf32>
      %reduce_sum3A_140 = arith.constant dense<0.000000e+00> : vector<1xf32>
      %reduce_sum3A_141 = vector.multi_reduction <add>, %reduce_sum3A_139, %reduce_sum3A_140 [1, 2] : vector<1x1x256xf32> to vector<1xf32>
      %reduce_sum3A_142 = vector.shape_cast %reduce_sum3A_141 : vector<1xf32> to vector<1x1x1xf32>
      %reduce_sum3A_143 = vector.extract %reduce_sum3A_142[0, 0, 0] : f32 from vector<1x1x1xf32>
      %reduce_sum3A_144 = arith.constant dense<0.000000e+00> : vector<512xf32>
      %reduce_sum3A_145 = vector.multi_reduction <add>, %div3A_134, %reduce_sum3A_144 [0] : vector<256x512xf32> to vector<512xf32>
      %broadcast_in_dim3A_146 = vector.shape_cast %reduce_sum3A_145 : vector<512xf32> to vector<1x512xf32>
      %mul3A_147 = arith.mulf %div3A_134, %div3A_134 : vector<256x512xf32>
      %reduce_sum3A_148 = arith.constant dense<0.000000e+00> : vector<256xf32>
      %reduce_sum3A_149 = vector.multi_reduction <add>, %mul3A_147, %reduce_sum3A_148 [1] : vector<256x512xf32> to vector<256xf32>
      %broadcast_in_dim3A_150 = vector.shape_cast %reduce_sum3A_149 : vector<256xf32> to vector<256x1xf32>
      %transpose3A_151 = tpu.transpose %broadcast_in_dim3A_150, [1, 0] : vector<256x1xf32> -> vector<1x256xf32>
      %mul3A_152 = vector.broadcast %broadcast_in_dim3A_146 : vector<1x512xf32> to vector<256x512xf32>
      %mul3A_153 = arith.mulf %div3A_134, %mul3A_152 : vector<256x512xf32>
      %reduce_sum3A_154 = arith.constant dense<0.000000e+00> : vector<256xf32>
      %reduce_sum3A_155 = vector.multi_reduction <add>, %mul3A_153, %reduce_sum3A_154 [1] : vector<256x512xf32> to vector<256xf32>
      %broadcast_in_dim3A_156 = vector.shape_cast %reduce_sum3A_155 : vector<256xf32> to vector<256x1xf32>
      %transpose3A_157 = tpu.transpose %broadcast_in_dim3A_156, [1, 0] : vector<256x1xf32> -> vector<1x256xf32>
      %mul3A_158 = arith.mulf %broadcast_in_dim3A_146, %broadcast_in_dim3A_146 : vector<1x512xf32>
      %reduce_sum3A_159 = vector.shape_cast %mul3A_158 : vector<1x512xf32> to vector<1x1x512xf32>
      %reduce_sum3A_160 = arith.constant dense<0.000000e+00> : vector<1xf32>
      %reduce_sum3A_161 = vector.multi_reduction <add>, %reduce_sum3A_159, %reduce_sum3A_160 [1, 2] : vector<1x1x512xf32> to vector<1xf32>
      %reduce_sum3A_162 = vector.shape_cast %reduce_sum3A_161 : vector<1xf32> to vector<1x1x1xf32>
      %reduce_sum3A_163 = vector.extract %reduce_sum3A_162[0, 0, 0] : f32 from vector<1x1x1xf32>
      %sub3A_164 = vector.broadcast %reduce_sum3A_143 : f32 to vector<1x256xf32>
      %sub3A_165 = arith.subf %sub3A_164, %transpose3A : vector<1x256xf32>
      %mul3A_166 = arith.constant 2.000000e+00 : f32
      %mul3A_167 = vector.broadcast %mul3A_166 : f32 to vector<1x256xf32>
      %mul3A_168 = arith.mulf %mul3A_167, %transpose3A_157 : vector<1x256xf32>
      %sub3A_169 = vector.broadcast %reduce_sum3A_163 : f32 to vector<1x256xf32>
      %sub3A_170 = arith.subf %sub3A_169, %mul3A_168 : vector<1x256xf32>
      %add3A_171 = arith.addf %sub3A_170, %transpose3A_151 : vector<1x256xf32>
      %mul3A_172 = arith.mulf %sub3A_165, %sub3A_165 : vector<1x256xf32>
      %div3A_173 = arith.divf %add3A_171, %mul3A_172 : vector<1x256xf32>
      %iota3A_174 = tpu.iota {dimensions = array<i32: 0>} : vector<256x256xi32>
      %iota3A_175 = tpu.iota {dimensions = array<i32: 1>} : vector<256x256xi32>
      %lt3A = arith.cmpi slt, %iota3A_174, %iota3A_175 : vector<256x256xi32>
      %convert_element_type3A_176 = arith.extui %lt3A : vector<256x256xi1> to vector<256x256xi32>
      %convert_element_type3A_177 = arith.sitofp %convert_element_type3A_176 : vector<256x256xi32> to vector<256x256xf32>
      %dot_general3A_178 = arith.constant dense<0.000000e+00> : vector<1x256xf32>
      %dot_general3A_179 = tpu.matmul %transpose3A, %convert_element_type3A_177, %dot_general3A_178 {dimension_numbers = #tpu.dot_dimension_numbers<[1], [0], [0], [1], [0, 0, 1, 1], [], []>, precision = #tpu.contract_precision<fp32>, transpose_lhs_hint = false} : vector<1x256xf32>, vector<256x256xf32>, vector<1x256xf32> -> vector<1x256xf32>
      %swap3A_180 = arith.constant 0 : index
      %swap3A_181 = arith.constant 0 : index
      %swap3A_182 = vector.load %arg7[%swap3A_180, %swap3A_181] : memref<256x512xf32, #tpu.memory_space<vmem>>, vector<256x512xf32>
      tpu.vector_store %arg7[%swap3A_180, %swap3A_181], %div3A_134 {strides = array<i32>} : memref<256x512xf32, #tpu.memory_space<vmem>>, vector<256x512xf32>,
      %concatenate3A = tpu.concatenate %transpose3A_151, %dot_general3A_179, %sub3A_165, %div3A_173 in 0 : vector<1x256xf32>, vector<1x256xf32>, vector<1x256xf32>, vector<1x256xf32> -> vector<4x256xf32>
      %swap3A_183 = arith.constant 0 : index
      %swap3A_184 = arith.constant 0 : index
      %swap3A_185 = vector.load %arg8[%swap3A_183, %swap3A_184] : memref<4x256xf32, #tpu.memory_space<vmem>>, vector<4x256xf32>
      tpu.vector_store %arg8[%swap3A_183, %swap3A_184], %concatenate3A {strides = array<i32>} : memref<4x256xf32, #tpu.memory_space<vmem>>, vector<4x256xf32>,
      %broadcast_in_dim3A_186 = arith.constant 0.000000e+00 : f32
      %broadcast_in_dim3A_187 = vector.broadcast %broadcast_in_dim3A_186 : f32 to vector<1x1xf32>
      %swap3A_188 = arith.constant 0 : index
      %swap3A_189 = arith.constant 0 : index
      %swap3A_190 = vector.load %arg6[%swap3A_188, %swap3A_189] : memref<1x1xf32, #tpu.memory_space<vmem>>, vector<1x1xf32>
      tpu.vector_store %arg6[%swap3A_188, %swap3A_189], %broadcast_in_dim3A_187 {strides = array<i32>} : memref<1x1xf32, #tpu.memory_space<vmem>>, vector<1x1xf32>,
    } else {
    }
    %get3A = arith.constant 0 : index
    %get3A_2 = arith.constant 0 : index
    %get3A_3 = vector.load %arg1[%get3A, %get3A_2] : memref<1024x512xf32, #tpu.memory_space<vmem>>, vector<1024x512xf32>
    %get3A_4 = arith.constant 0 : index
    %get3A_5 = arith.constant 0 : index
    %get3A_6 = vector.load %arg2[%get3A_4, %get3A_5] : memref<1024x1xi32, #tpu.memory_space<vmem>>, vector<1024x1xi32>
    %get3A_7 = arith.constant 0 : index
    %get3A_8 = arith.constant 0 : index
    %get3A_9 = vector.load %arg7[%get3A_7, %get3A_8] : memref<256x512xf32, #tpu.memory_space<vmem>>, vector<256x512xf32>
    %iota3A = tpu.iota {dimensions = array<i32: 1>} : vector<1x256xi32>
    %eq3A_10 = vector.broadcast %get3A_6 : vector<1024x1xi32> to vector<1024x256xi32>
    %eq3A_11 = vector.broadcast %iota3A : vector<1x256xi32> to vector<1024x256xi32>
    %eq3A_12 = arith.cmpi eq, %eq3A_10, %eq3A_11 : vector<1024x256xi32>
    %convert_element_type3A_13 = arith.extui %eq3A_12 : vector<1024x256xi1> to vector<1024x256xi32>
    %convert_element_type3A_14 = arith.sitofp %convert_element_type3A_13 : vector<1024x256xi32> to vector<1024x256xf32>
    %get3A_15 = arith.constant 0 : index
    %get3A_16 = arith.constant 0 : index
    %get3A_17 = vector.load %arg8[%get3A_15, %get3A_16] : memref<4x256xf32, #tpu.memory_space<vmem>>, vector<1x256xf32>
    %get3A_18 = arith.constant 1 : index
    %get3A_19 = arith.constant 0 : index
    %get3A_20 = vector.load %arg8[%get3A_18, %get3A_19] : memref<4x256xf32, #tpu.memory_space<vmem>>, vector<1x256xf32>
    %get3A_21 = arith.constant 2 : index
    %get3A_22 = arith.constant 0 : index
    %get3A_23 = vector.load %arg8[%get3A_21, %get3A_22] : memref<4x256xf32, #tpu.memory_space<vmem>>, vector<1x256xf32>
    %get3A_24 = arith.constant 3 : index
    %get3A_25 = arith.constant 0 : index
    %get3A_26 = vector.load %arg8[%get3A_24, %get3A_25] : memref<4x256xf32, #tpu.memory_space<vmem>>, vector<1x256xf32>
    %dot_general3A = arith.constant dense<0.000000e+00> : vector<1024x256xf32>
    %dot_general3A_27 = tpu.matmul %get3A_3, %get3A_9, %dot_general3A {dimension_numbers = #tpu.dot_dimension_numbers<[1], [1], [0], [0], [0, 0, 1, 0], [], []>, precision = #tpu.contract_precision<fp32>, transpose_lhs_hint = false} : vector<1024x512xf32>, vector<256x512xf32>, vector<1024x256xf32> -> vector<1024x256xf32>
    %mul3A = arith.mulf %get3A_3, %get3A_3 : vector<1024x512xf32>
    %reduce_sum3A = arith.constant dense<0.000000e+00> : vector<1024xf32>
    %reduce_sum3A_28 = vector.multi_reduction <add>, %mul3A, %reduce_sum3A [1] : vector<1024x512xf32> to vector<1024xf32>
    %broadcast_in_dim3A = vector.shape_cast %reduce_sum3A_28 : vector<1024xf32> to vector<1024x1xf32>
    %reduce_sum3A_29 = arith.constant dense<0.000000e+00> : vector<1024xf32>
    %reduce_sum3A_30 = vector.multi_reduction <add>, %dot_general3A_27, %reduce_sum3A_29 [1] : vector<1024x256xf32> to vector<1024xf32>
    %broadcast_in_dim3A_31 = vector.shape_cast %reduce_sum3A_30 : vector<1024xf32> to vector<1024x1xf32>
    %mul3A_32 = arith.mulf %dot_general3A_27, %convert_element_type3A_14 : vector<1024x256xf32>
    %reduce_sum3A_33 = arith.constant dense<0.000000e+00> : vector<1024xf32>
    %reduce_sum3A_34 = vector.multi_reduction <add>, %mul3A_32, %reduce_sum3A_33 [1] : vector<1024x256xf32> to vector<1024xf32>
    %broadcast_in_dim3A_35 = vector.shape_cast %reduce_sum3A_34 : vector<1024xf32> to vector<1024x1xf32>
    %mul3A_36 = vector.broadcast %get3A_17 : vector<1x256xf32> to vector<1024x256xf32>
    %mul3A_37 = arith.mulf %convert_element_type3A_14, %mul3A_36 : vector<1024x256xf32>
    %reduce_sum3A_38 = arith.constant dense<0.000000e+00> : vector<1024xf32>
    %reduce_sum3A_39 = vector.multi_reduction <add>, %mul3A_37, %reduce_sum3A_38 [1] : vector<1024x256xf32> to vector<1024xf32>
    %broadcast_in_dim3A_40 = vector.shape_cast %reduce_sum3A_39 : vector<1024xf32> to vector<1024x1xf32>
    %mul3A_41 = vector.broadcast %get3A_20 : vector<1x256xf32> to vector<1024x256xf32>
    %mul3A_42 = arith.mulf %convert_element_type3A_14, %mul3A_41 : vector<1024x256xf32>
    %reduce_sum3A_43 = arith.constant dense<0.000000e+00> : vector<1024xf32>
    %reduce_sum3A_44 = vector.multi_reduction <add>, %mul3A_42, %reduce_sum3A_43 [1] : vector<1024x256xf32> to vector<1024xf32>
    %broadcast_in_dim3A_45 = vector.shape_cast %reduce_sum3A_44 : vector<1024xf32> to vector<1024x1xf32>
    %convert_element_type3A_46 = arith.sitofp %iota3A : vector<1x256xi32> to vector<1x256xf32>
    %eq3A_47 = vector.broadcast %broadcast_in_dim3A_45 : vector<1024x1xf32> to vector<1024x256xf32>
    %eq3A_48 = vector.broadcast %convert_element_type3A_46 : vector<1x256xf32> to vector<1024x256xf32>
    %eq3A_49 = arith.cmpf oeq, %eq3A_47, %eq3A_48 : vector<1024x256xf32>
    %convert_element_type3A_50 = arith.extui %eq3A_49 : vector<1024x256xi1> to vector<1024x256xi32>
    %convert_element_type3A_51 = arith.sitofp %convert_element_type3A_50 : vector<1024x256xi32> to vector<1024x256xf32>
    %mul3A_52 = arith.mulf %dot_general3A_27, %convert_element_type3A_51 : vector<1024x256xf32>
    %reduce_sum3A_53 = arith.constant dense<0.000000e+00> : vector<1024xf32>
    %reduce_sum3A_54 = vector.multi_reduction <add>, %mul3A_52, %reduce_sum3A_53 [1] : vector<1024x256xf32> to vector<1024xf32>
    %broadcast_in_dim3A_55 = vector.shape_cast %reduce_sum3A_54 : vector<1024xf32> to vector<1024x1xf32>
    %mul3A_56 = vector.broadcast %get3A_23 : vector<1x256xf32> to vector<1024x256xf32>
    %mul3A_57 = arith.mulf %convert_element_type3A_51, %mul3A_56 : vector<1024x256xf32>
    %reduce_sum3A_58 = arith.constant dense<0.000000e+00> : vector<1024xf32>
    %reduce_sum3A_59 = vector.multi_reduction <add>, %mul3A_57, %reduce_sum3A_58 [1] : vector<1024x256xf32> to vector<1024xf32>
    %broadcast_in_dim3A_60 = vector.shape_cast %reduce_sum3A_59 : vector<1024xf32> to vector<1024x1xf32>
    %mul3A_61 = vector.broadcast %get3A_26 : vector<1x256xf32> to vector<1024x256xf32>
    %mul3A_62 = arith.mulf %convert_element_type3A_51, %mul3A_61 : vector<1024x256xf32>
    %reduce_sum3A_63 = arith.constant dense<0.000000e+00> : vector<1024xf32>
    %reduce_sum3A_64 = vector.multi_reduction <add>, %mul3A_62, %reduce_sum3A_63 [1] : vector<1024x256xf32> to vector<1024xf32>
    %broadcast_in_dim3A_65 = vector.shape_cast %reduce_sum3A_64 : vector<1024xf32> to vector<1024x1xf32>
    %mul3A_66 = arith.constant 2.000000e+00 : f32
    %mul3A_67 = vector.broadcast %mul3A_66 : f32 to vector<1024x1xf32>
    %mul3A_68 = arith.mulf %mul3A_67, %broadcast_in_dim3A_35 : vector<1024x1xf32>
    %sub3A = arith.subf %broadcast_in_dim3A, %mul3A_68 : vector<1024x1xf32>
    %add3A = arith.addf %sub3A, %broadcast_in_dim3A_40 : vector<1024x1xf32>
    %max3A = arith.constant 0.000000e+00 : f32
    %max3A_69 = vector.broadcast %max3A : f32 to vector<1024x1xf32>
    %max3A_70 = arith.maximumf %add3A, %max3A_69 : vector<1024x1xf32>
    %sqrt3A = math.sqrt %max3A_70 : vector<1024x1xf32>
    %sub3A_71 = arith.subf %broadcast_in_dim3A_31, %broadcast_in_dim3A_55 : vector<1024x1xf32>
    %mul3A_72 = arith.constant 2.000000e+00 : f32
    %mul3A_73 = vector.broadcast %mul3A_72 : f32 to vector<1024x1xf32>
    %mul3A_74 = arith.mulf %mul3A_73, %sub3A_71 : vector<1024x1xf32>
    %div3A = arith.divf %mul3A_74, %broadcast_in_dim3A_60 : vector<1024x1xf32>
    %sub3A_75 = arith.subf %broadcast_in_dim3A, %div3A : vector<1024x1xf32>
    %add3A_76 = arith.addf %sub3A_75, %broadcast_in_dim3A_65 : vector<1024x1xf32>
    %max3A_77 = arith.constant 0.000000e+00 : f32
    %max3A_78 = vector.broadcast %max3A_77 : f32 to vector<1024x1xf32>
    %max3A_79 = arith.maximumf %add3A_76, %max3A_78 : vector<1024x1xf32>
    %sqrt3A_80 = math.sqrt %max3A_79 : vector<1024x1xf32>
    %sub3A_81 = arith.subf %sqrt3A, %sqrt3A_80 : vector<1024x1xf32>
    %add3A_82 = arith.constant 3.000000e-01 : f32
    %add3A_83 = vector.broadcast %add3A_82 : f32 to vector<1024x1xf32>
    %add3A_84 = arith.addf %sub3A_81, %add3A_83 : vector<1024x1xf32>
    %max3A_85 = arith.constant 0.000000e+00 : f32
    %max3A_86 = vector.broadcast %max3A_85 : f32 to vector<1024x1xf32>
    %max3A_87 = arith.maximumf %max3A_86, %add3A_84 : vector<1024x1xf32>
    %reduce_sum3A_88 = arith.constant dense<0.000000e+00> : vector<1xf32>
    %reduce_sum3A_89 = vector.multi_reduction <add>, %max3A_87, %reduce_sum3A_88 [0] : vector<1024x1xf32> to vector<1xf32>
    %broadcast_in_dim3A_90 = vector.shape_cast %reduce_sum3A_89 : vector<1xf32> to vector<1x1xf32>
    %mul3A_91 = arith.constant 2.44140625E-4 : f32
    %mul3A_92 = vector.broadcast %mul3A_91 : f32 to vector<1x1xf32>
    %mul3A_93 = arith.mulf %broadcast_in_dim3A_90, %mul3A_92 : vector<1x1xf32>
    %get3A_94 = arith.constant 0 : index
    %get3A_95 = arith.constant 0 : index
    %get3A_96 = vector.load %arg6[%get3A_94, %get3A_95] : memref<1x1xf32, #tpu.memory_space<vmem>>, vector<1x1xf32>
    %add3A_97 = arith.addf %get3A_96, %mul3A_93 : vector<1x1xf32>
    %swap3A = arith.constant 0 : index
    %swap3A_98 = arith.constant 0 : index
    %swap3A_99 = vector.load %arg6[%swap3A, %swap3A_98] : memref<1x1xf32, #tpu.memory_space<vmem>>, vector<1x1xf32>
    tpu.vector_store %arg6[%swap3A, %swap3A_98], %add3A_97 {strides = array<i32>} : memref<1x1xf32, #tpu.memory_space<vmem>>, vector<1x1xf32>,
    return
  }
  func.func @transform_0(%arg0: i32) -> (i32, i32) {
    %c0_i32 = arith.constant 0 : i32
    %c0_i32_0 = arith.constant 0 : i32
    return %arg0, %c0_i32 : i32, i32
  }
  func.func @transform_1(%arg0: i32) -> (i32, i32) {
    %c0_i32 = arith.constant 0 : i32
    %c0_i32_0 = arith.constant 0 : i32
    return %arg0, %c0_i32 : i32, i32
  }
  func.func @transform_2(%arg0: i32) -> (i32, i32, i32) {
    %c0_i32 = arith.constant 0 : i32
    %c0_i32_0 = arith.constant 0 : i32
    %c0_i32_1 = arith.constant 0 : i32
    %c0_i32_2 = arith.constant 0 : i32
    return %c0_i32, %c0_i32_0, %c0_i32_1 : i32, i32, i32
  }
  func.func @transform_3(%arg0: i32) -> (i32, i32) {
    %c0_i32 = arith.constant 0 : i32
    %c0_i32_0 = arith.constant 0 : i32
    %c0_i32_1 = arith.constant 0 : i32
    return %c0_i32, %c0_i32_0 : i32, i32
  }
  func.func @transform_4(%arg0: i32) -> (i32, i32) {
    %c0_i32 = arith.constant 0 : i32
    %c0_i32_0 = arith.constant 0 : i32
    %c0_i32_1 = arith.constant 0 : i32
    return %c0_i32, %c0_i32_0 : i32, i32
  }
  func.func @transform_5(%arg0: i32) -> (i32, i32) {
    %c0_i32 = arith.constant 0 : i32
    %c0_i32_0 = arith.constant 0 : i32
    %c0_i32_1 = arith.constant 0 : i32
    return %c0_i32, %c0_i32_0 : i32, i32
  }
}

</mosaic_0001>

<sc_bundles>
// kernel: kernel.5.cloned.1.call-start
scs
__scs_entry_jumppad:
0x0: {  	(pc) =	sbr.rel $0x88, $3  }
0x1: {  	(tag) =	ssettag $0x0;
	lr =	simm.s32 $0x1  }
0x2: {  	[smem:$0x3F9F] =	sst lr;
	_ =	strace $0xD0000000  }
0x3: {  	_ = 	snop  }
0x4: {  	_ = 	snop  }
0x5: {  	_ = 	snop  }
0x6: {  	_ = 	snop  }
0x7: {  	_ = 	snop  }
__scs_overlays_trampoline_lowered:
0x8: {  	[smem:$0x3FAE] =	sst s0  }
0x9: {  	[smem:$0x3FAF] =	sst s1  }
0xa: {  	[smem:$0x3FB0] =	sst s2  }
0xb: {  	[smem:$0x3FB1] =	sst s3  }
0xc: {  	[smem:$0x3FB2] =	sst s4  }
0xd: {  	[smem:$0x3FB3] =	sst s5  }
0xe: {  	[smem:$0x3FB4] =	sst s6  }
0xf: {  	[smem:$0x3FB5] =	sst s7  }
0x10: {  	[smem:$0x3FB6] =	sst s8  }
0x11: {  	[smem:$0x3FB7] =	sst s9;
	s0 =	simm.s32 @!p0 $0x0  }
0x12: {  	s1 =	sld [smem:$0x3F9D];
	s0 =	simm.s32 @p0 $0x1  }
0x13: {  	[smem:$0x3FB8] =	sst s0;
	s0 =	simm.s32 @!p1 $0x0  }
0x14: {  	s2 =	sld [smem:$0x3F9C];
	s0 =	simm.s32 @p1 $0x1  }
0x15: {  	[smem:$0x3FB9] =	sst s0;
	s0 =	simm.s32 @!p2 $0x0  }
0x16: {  	s3 =	sld [smem:$0x3FDB];
	s0 =	simm.s32 @p2 $0x1  }
0x17: {  	s4 =	simm.s32 $0x1BF5;
	[smem:$0x3FBB] =	sst s0  }
0x18: {  	s0 =	sld [smem:$0x3F9E];
	_ =	swait.ge [sflag:s4], $0x0  }
0x19: {  	s7 =	sld [smem:$0x3F9F]  }
0x1a: {  	s8 =	sadd.s32 $0xFFFFE003, lr  }
0x1b: {  	s9 =	sadd.s32 $0xFFFFFEF7, lr;
	s5 =	simm.s32 $0xFFFFFFFF;
	p2 =	slt.u32 s8, $0xFFFFF086  }
0x1c: {  	p1 =	slt.u32 s9, $0xF7A;
	s5 =	simm.s32 @!p2 $0x0  }
0x1d: {  	s5 =	simm.s32 @p1 $0x1;
	p0 =	seq.s32 s7, s2  }
0x1e: {  	s7 =	smul.u32 @!p0 $0xF7A, s2;
	p2 =	seq.s32 @!p0 s5, $0x0  }
0x1f: {  	s9 =	smul.u32 $0xF7A, s1;
	s8 =	simm.s32 @!p0 $0x1BF5;
	p2 =	por !p2, p0  }
0x20: {  	[sflag:s8] =	ssyncset.s32 @!p0 $0xFFFFF086;
	s6 =	sadd.s32 @!p0 s3, s7;
	s7 =	simm.s32 @!p0 $0x108  }
0x21: {  	s3 =	sadd.s32 s3, s9;
	s6 =	sadd.s32 @!p0 $0x88, s6;
	s7 =	simm.s32 @p2 $0x1082  }
0x22: {  	[simem:s7], [sflag:s8] =	dma.local @!p0 [hbm:s6], $0xF7A  }
0x23: {  	s9 =	sor.u32 $0xD0000000, s2;
	s6 =	simm.s32 $0x108;
	_ =	swait.ge @!p0 [sflag:s8], $0x0  }
0x24: {  	s3 =	sadd.s32 $0x88, s3;
	s6 =	simm.s32 @!p1 $0x1082;
	[sflag:s4] =	ssyncset.s32 $0xFFFFF086  }
0x25: {  	[simem:s6], [sflag:s4] =	dma.local [hbm:s3], $0xF7A  }
0x26: {  	[smem:$0x3F9F] =	sst s1;
	(tag) =	ssettag s2;
	_ =	strace s9  }
0x27: {  	s1 =	sld [smem:$0x3FAF]  }
0x28: {  	s2 =	sld [smem:$0x3FB0]  }
0x29: {  	s4 =	sld [smem:$0x3FB2]  }
0x2a: {  	p0 =	seq.s32 s5, $0x0;
	s5 =	sld [smem:$0x3FB3]  }
0x2b: {  	s6 =	sld [smem:$0x3FB4]  }
0x2c: {  	s7 =	sld [smem:$0x3FB5]  }
0x2d: {  	s3 =	simm.s32 $0x108;
	s8 =	sld [smem:$0x3FB6]  }
0x2e: {  	s3 =	simm.s32 @!p0 $0x1082;
	s9 =	sld [smem:$0x3FB7]  }
0x2f: {  	lr =	sadd.s32 s0, s3;
	s0 =	sld [smem:$0x3FAE]  }
0x30: {  	s3 =	sld [smem:$0x3FB1]  }
0x31: {  	[smem:$0x3FBA] =	sst s10  }
0x32: {  	s10 =	sld [smem:$0x3FB8];
	_ =	sdelay $0x3  }
0x33: {  	p0 =	seq.s32 s10, $0x1;
	s10 =	sld [smem:$0x3FBA];
	_ =	sdelay $0x3  }
0x34: {  	[smem:$0x3FBA] =	sst s10  }
0x35: {  	s10 =	sld [smem:$0x3FB9];
	_ =	sdelay $0x3  }
0x36: {  	p1 =	seq.s32 s10, $0x1;
	s10 =	sld [smem:$0x3FBA];
	_ =	sdelay $0x3  }
0x37: {  	[smem:$0x3FBA] =	sst s10  }
0x38: {  	s10 =	sld [smem:$0x3FBB]  }
0x39: {  	_ = 	snop;
	(pc) =	sbr.ind lr, $3  }
0x3a: {  	_ = 	snop  }
0x3b: {  	_ = 	snop  }
0x3c: {  	p2 =	seq.s32 s10, $0x1;
	s10 =	sld [smem:$0x3FBA]  }
0x3d: {  	_ =	shalt  }
0x3e: {  	_ =	shalt  }
0x3f: {  	_ =	shalt  }
0x40: {  	_ =	shalt  }
0x41: {  	_ =	shalt  }
0x42: {  	_ =	shalt  }
0x43: {  	_ =	shalt  }
0x44: {  	_ =	shalt  }
0x45: {  	_ =	shalt  }
0x46: {  	_ =	shalt  }
0x47: {  	_ =	shalt  }
0x48: {  	_ =	shalt  }
0x49: {  	_ =	shalt  }
0x4a: {  	_ =	shalt  }
0x4b: {  	_ =	shalt  }
0x4c: {  	_ =	shalt  }
0x4d: {  	_ =	shalt  }
0x4e: {  	_ =	shalt  }
0x4f: {  	_ =	shalt  }
0x50: {  	_ =	shalt  }
0x51: {  	_ =	shalt  }
0x52: {  	_ =	shalt  }
0x53: {  	_ =	shalt  }
0x54: {  	_ =	shalt  }
0x55: {  	_ =	shalt  }
0x56: {  	_ =	shalt  }
0x57: {  	_ =	shalt  }
0x58: {  	_ =	shalt  }
0x59: {  	_ =	shalt  }
0x5a: {  	_ =	shalt  }
0x5b: {  	_ =	shalt  }
0x5c: {  	_ =	shalt  }
0x5d: {  	_ =	shalt  }
0x5e: {  	_ =	shalt  }
0x5f: {  	_ =	shalt  }
0x60: {  	_ =	shalt  }
0x61: {  	_ =	shalt  }
0x62: {  	_ =	shalt  }
0x63: {  	_ =	shalt  }
0x64: {  	_ =	shalt  }
0x65: {  	_ =	shalt  }
0x66: {  	_ =	shalt  }
0x67: {  	_ =	shalt  }
0x68: {  	_ =	shalt  }
0x69: {  	_ =	shalt  }
0x6a: {  	_ =	shalt  }
0x6b: {  	_ =	shalt  }
0x6c: {  	_ =	shalt  }
0x6d: {  	_ =	shalt  }
0x6e: {  	_ =	shalt  }
0x6f: {  	_ =	shalt  }
0x70: {  	_ =	shalt  }
0x71: {  	_ =	shalt  }
0x72: {  	_ =	shalt  }
0x73: {  	_ =	shalt  }
0x74: {  	_ =	shalt  }
0x75: {  	_ =	shalt  }
0x76: {  	_ =	shalt  }
0x77: {  	_ =	shalt  }
0x78: {  	_ =	shalt  }
0x79: {  	_ =	shalt  }
0x7a: {  	_ =	shalt  }
0x7b: {  	_ =	shalt  }
0x7c: {  	_ =	shalt  }
0x7d: {  	_ =	shalt  }
0x7e: {  	_ =	shalt  }
0x7f: {  	_ =	shalt  }
0x80: {  	_ =	shalt  }
0x81: {  	_ =	shalt  }
0x82: {  	_ =	shalt  }
0x83: {  	_ =	shalt  }
0x84: {  	_ =	shalt  }
0x85: {  	_ =	shalt  }
0x86: {  	_ =	shalt  }
0x87: {  	_ =	shalt  }
.Lfunc_end0:
.L_simem_size_0:
called_computation_lowered:
.L_overlay_start_0:
0x88: {  	s0 =	sld [smem:$0x3FD9]  }
0x89: {  	s1 =	sld [smem:$0x3FFE];
	_ =	sdelay $0x3  }
0x8a: {  	s0 =	sadd.s32 s1, s0  }
0x8b: {  	[smem:$0x3FC6] =	sst s0  }
0x8c: {  	_ = 	snop  }
0x8d: {  	s0 =	sld [smem:$0x3FC9]  }
0x8e: {  	s16 =	sld [smem:$0x3FC8];
	(tm) =	ssettm $0x1  }
0x8f: {  	s2 =	sld [smem:$0x3FFB];
	_ =	sdelay $0x3  }
0x90: {  	_ =	strace s2  }
0x91: {  	s2 =	sld [smem:$0x3FFC];
	_ =	sdelay $0x3  }
0x92: {  	_ =	strace s2  }
0x93: {  	s2 =	sld [smem:$0x3FFD];
	_ =	sdelay $0x3  }
0x94: {  	_ =	strace s2  }
0x95: {  	_ =	strace $0x8FFFFFFF  }
0x96: {  	s17 =	sld [smem:$0x3FDB];
	_ =	sdelay $0x1  }
0x97: {  	s3 =	simm.s32 $_scs_section_size  }
0x98: {  	s4 =	simm.s32 $_size__tile_overlayer_lowered;
	s5 =	simm.s32 $_tile_overlayer_lowered  }
0x99: {  	s20 =	simm.s32 $0x1BFF;
	s19 =	sshll.u32 s5, $0x1;
	s2 =	sadd.s32 s3, s17  }
0x9a: {  	s6 =	simm.s32 $0x0;
	s18 =	sshll.u32 s4, $0x1;
	s4 =	sadd.s32 s19, s2  }
0x9b: {  	[timem:s6], [sflag:s20] =	dma.local [hbm:s4], s18  }
0x9c: {  	_ =	swait.ge [sflag:s20], s18  }
0x9d: {  	s3 =	ssub.s32 $0x0, s18;
	[sflag:s20] =	ssyncset.done $0x0  }
0x9e: {  	[sflag:s20] =	ssyncadd.s32 s3;
	_ =	sdelay $0x1  }
0x9f: {  	s21 =	simm.s32 $0x1B8B  }
0xa0: {  	_ =	swait.ge [sflag:s21], $0x1  }
0xa1: {  	[sflag:s21] =	ssyncset.done $0x0  }
0xa2: {  	s23 =	simm.s32 $0x1B8E;
	s22 =	sld [smem:$0x3FFE];
	[sflag:s21] =	ssyncadd.s32 $0xFFFFFFFF  }
0xa3: {  	s24 =	simm.s32 $execute0_lowered;
	[smem:$0x3FD2] =	sst s23  }
0xa4: {  	s4 =	sshll.u32 s24, $0x1;
	_ =	strace $0x80000046;
	[dreg:$0x1] =	wrdreg $0xFFFFFFFF  }
0xa5: {  	s25 =	simm.s32 $_size_execute0_lowered;
	s2 =	sadd.s32 s2, s4;
	[dreg:$0x0] =	wrdreg $0x0  }
0xa6: {  	s4 =	sshll.u32 s25, $0x1;
	[dreg:$0x2] =	wrdreg s2  }
0xa7: {  	[dreg:$0x3] =	wrdreg s4  }
0xa8: {  	[dreg:$0x4] =	wrdreg $0xC0  }
0xa9: {  	_ =	task [dreg:s6], $0x5FFFF  }
0xaa: {  	[dreg:$0x1] =	wrdreg $0xFFFFFFFF  }
0xab: {  	[dreg:$0x0] =	wrdreg $0x60  }
0xac: {  	[dreg:$0x2] =	wrdreg s0  }
0xad: {  	[dreg:$0x3] =	wrdreg s16  }
0xae: {  	[dreg:$0x4] =	wrdreg s22  }
0xaf: {  	[dreg:$0x5] =	wrdreg $0x9  }
0xb0: {  	_ =	task.clear_ibuf [dreg:s6], $0x6FFFF;
	_ =	strace $0x90000046  }
0xb1: {  	s26 =	simm.s32 $0x9;
	_ =	strace $0x80000048  }
0xb2: {  	_ =	swait.ge [sflag:s26], $0x1  }
0xb3: {  	[sflag:s26] =	ssyncadd.s32 $0xFFFFFFFF  }
0xb4: {  	_ =	strace $0x90000048  }
0xb5: {  	_ =	sfence  }
0xb6: {  	s28 =	sld [smem:$0x0];
	_ =	sdelay $0x1  }
0xb7: {  	s29 =	srdreg.scid  }
0xb8: {  	s30 =	sshll.u32 s29, $0xD;
	s31 =	sshrl.u32 s29, $0x2  }
0xb9: {  	s1 =	sand.u32 $0x1, s29;
	s2 =	sand.u32 $0x4000, s30;
	s0 =	sadd.s32 s31, s28  }
0xba: {  	s1 =	sor.u32 s2, s1;
	s0 =	sshll.u32 s0, $0x11  }
0xbb: {  	s0 =	sor.u32 s0, s1  }
0xbc: {  	s0 =	sadd.s32 $0x8F2B, s0  }
0xbd: {  	[sflag:s0] =	ssyncadd.remote.s32 $0x1  }
0xbe: {  	_ =	sfence.sel $0xFFFF  }
0xbf: {  	[dreg:$0x0] =	wrdreg $0xFFFFFFFF;
	(pc) =	sbr.abs _section_cstart, $3  }
0xc0: {  	[dreg:$0x1] =	wrdreg $0xFFFFFFFF  }
0xc1: {  	_ =	task.clear_ibuf [dreg:s6], $0x2FFFF;
	_ =	strace $0x9FFFFFFF  }
0xc2: {  	(tm) =	ssettm $0x7FFFFFFF  }
0xc3: {  	_ =	shalt  }
tec
execute0_lowered:
.L_overlay_start_1:
0x0: {  	(tag) =	ssettag $0x1  }
0x1: {  	s4 =	rddreg [dreg:$0x0]  }
0x2: {  	s3 =	rddreg [dreg:$0x1]  }
0x3: {  	s6 =	rddreg [dreg:$0x2];
	s1 =	stileid.u32  }
0x4: {  	s0 =	rddreg [dreg:$0x3];
	s5 =	simm.s32 $0x0;
	s2 =	sshrl.u32 s1, $0x2  }
0x5: {  	[smem:$0x7FF] =	sst s5;
	s7 =	sshll.u32 s2, $0x4  }
0x6: {  	s8 =	sand.u32 $0x3, s1;
	_ =	strace $0x80000047;
	s3 =	sadd.s32 s3, s7  }
0x7: {  	[tilespmem:s5], [sflag:$0x1] =	stream.linear.gather [hbm4b:s3+s5], $0x80, $0x38;
	[tilespmem:$0xC080] =	vst v63  }
0x8: {  	s9 =	simm.s32 $0x1;
	s28 =	sshll.u32 s2, $0x10;
	s3 =	sshll.u32 s8, $0xA  }
0x9: {  	s29 =	simm.s32 $0x400;
	s7 =	sor.u32 s3, s28;
	_ =	swait.ge [sflag:s9], $0x80  }
0xa: {  	s10 =	simm.s32 $0x1000;
	s7 =	sshrl.u32 s7, $0x3;
	[sflag:s9] =	ssyncset.done $0x0  }
0xb: {  	s11 =	simm.s32 $0x80;
	s4 =	sadd.s32 s4, s7;
	[sflag:s9] =	ssyncadd.s32 $0xFFFFFF80  }
0xc: {  	[tilespmem:s11], [sflag:$0x1] =	stream.strided.gather [hbm4b:s4+s29], $0x4000, s10, s29, $0x38;
	[tilespmem:$0xC080] =	vst v63  }
0xd: {  	s30 =	sshll.u32 s8, $0x7;
	_ =	swait.ge [sflag:s9], $0x4000  }
0xe: {  	s4 =	sadd.s32 s30, s6;
	[sflag:s9] =	ssyncset.done $0x0  }
0xf: {  	s31 =	simm.s32 $0x4080;
	s4 =	sadd.s32 $0x1200, s4;
	[sflag:s9] =	ssyncadd.s32 $0xFFFFC000  }
0x10: {  	[tilespmem:s31], [sflag:$0x1] =	stream.strided.gather [hbm4b:s4+s29], $0x8000, s10, s29, $0x38;
	[tilespmem:$0xC080] =	vst v63  }
0x11: {  	_ =	swait.ge [sflag:s9], $0x8000  }
0x12: {  	[sflag:s9] =	ssyncset.done $0x0  }
0x13: {  	p0 =	por $0x1, $0x1;
	s4 =	sadd.s32 $0x5200, s6;
	[sflag:s9] =	ssyncadd.s32 $0xFFFF8000  }
.LBB2_1:
0x14: {  	s6 =	sshll.u32 s5, $0x4  }
0x15: {  	s7 =	sand.u32 $0x3FFFFFF0, s6  }
0x16: {  	v0 =	vld [tilespmem:s7+$0x0];
	_ =	sdelay $0x4  }
0x17: {  	v0 =	vshll.u32 v0, $0x9  }
0x18: {  	v0 =	vshra.s32 v0, $0x2  }
0x19: {  	(v2sf) =	vpush v0, $0x0;
	_ =	sdelay $0x8  }
0x1a: {  	s20 =	sshll.u32 s5, $0xB  }
0x1b: {  	s5 =	sand.u32 $0x3FFFF800, s20  }
0x1c: {  	v1 =	vld [tilespmem:s5+$0x80];
	_ =	sdelay $0x3  }
0x1d: {  	s21 =	spop (v2sf)  }
0x1e: {  	[tilespmem:s21+$0x4080] =	vst.add.f32.msk $0xffff, v1  }
0x1f: {  	v1 =	vld [tilespmem:s5+$0x90];
	_ =	sdelay $0x4  }
0x20: {  	[tilespmem:s21+$0x4090] =	vst.add.f32.msk $0xffff, v1  }
0x21: {  	v1 =	vld [tilespmem:s5+$0xA0];
	_ =	sdelay $0x4  }
0x22: {  	[tilespmem:s21+$0x40A0] =	vst.add.f32.msk $0xffff, v1  }
0x23: {  	v1 =	vld [tilespmem:s5+$0xB0];
	_ =	sdelay $0x4  }
0x24: {  	[tilespmem:s21+$0x40B0] =	vst.add.f32.msk $0xffff, v1  }
0x25: {  	v1 =	vld [tilespmem:s5+$0xC0];
	_ =	sdelay $0x4  }
0x26: {  	[tilespmem:s21+$0x40C0] =	vst.add.f32.msk $0xffff, v1  }
0x27: {  	v1 =	vld [tilespmem:s5+$0xD0];
	_ =	sdelay $0x4  }
0x28: {  	[tilespmem:s21+$0x40D0] =	vst.add.f32.msk $0xffff, v1  }
0x29: {  	v1 =	vld [tilespmem:s5+$0xE0]  }
0x2a: {  	(v2sf) =	vpush v0, $0x1;
	_ =	sdelay $0x3  }
0x2b: {  	[tilespmem:s21+$0x40E0] =	vst.add.f32.msk $0xffff, v1  }
0x2c: {  	v1 =	vld [tilespmem:s5+$0xF0];
	_ =	sdelay $0x4  }
0x2d: {  	[tilespmem:s21+$0x40F0] =	vst.add.f32.msk $0xffff, v1  }
0x2e: {  	v1 =	vld [tilespmem:s5+$0x100];
	_ =	sdelay $0x3  }
0x2f: {  	s22 =	spop (v2sf)  }
0x30: {  	[tilespmem:s22+$0x4080] =	vst.add.f32.msk $0xffff, v1  }
0x31: {  	v1 =	vld [tilespmem:s5+$0x110];
	_ =	sdelay $0x4  }
0x32: {  	[tilespmem:s22+$0x4090] =	vst.add.f32.msk $0xffff, v1  }
0x33: {  	v1 =	vld [tilespmem:s5+$0x120];
	_ =	sdelay $0x4  }
0x34: {  	[tilespmem:s22+$0x40A0] =	vst.add.f32.msk $0xffff, v1  }
0x35: {  	v1 =	vld [tilespmem:s5+$0x130];
	_ =	sdelay $0x4  }
0x36: {  	[tilespmem:s22+$0x40B0] =	vst.add.f32.msk $0xffff, v1  }
0x37: {  	v1 =	vld [tilespmem:s5+$0x140];
	_ =	sdelay $0x4  }
0x38: {  	[tilespmem:s22+$0x40C0] =	vst.add.f32.msk $0xffff, v1  }
0x39: {  	v1 =	vld [tilespmem:s5+$0x150];
	_ =	sdelay $0x4  }
0x3a: {  	[tilespmem:s22+$0x40D0] =	vst.add.f32.msk $0xffff, v1  }
0x3b: {  	v1 =	vld [tilespmem:s5+$0x160]  }
0x3c: {  	(v2sf) =	vpush v0, $0x2;
	_ =	sdelay $0x3  }
0x3d: {  	[tilespmem:s22+$0x40E0] =	vst.add.f32.msk $0xffff, v1  }
0x3e: {  	v1 =	vld [tilespmem:s5+$0x170];
	_ =	sdelay $0x4  }
0x3f: {  	[tilespmem:s22+$0x40F0] =	vst.add.f32.msk $0xffff, v1  }
0x40: {  	v1 =	vld [tilespmem:s5+$0x180];
	_ =	sdelay $0x3  }
0x41: {  	s23 =	spop (v2sf)  }
0x42: {  	[tilespmem:s23+$0x4080] =	vst.add.f32.msk $0xffff, v1  }
0x43: {  	v1 =	vld [tilespmem:s5+$0x190];
	_ =	sdelay $0x4  }
0x44: {  	[tilespmem:s23+$0x4090] =	vst.add.f32.msk $0xffff, v1  }
0x45: {  	v1 =	vld [tilespmem:s5+$0x1A0];
	_ =	sdelay $0x4  }
0x46: {  	[tilespmem:s23+$0x40A0] =	vst.add.f32.msk $0xffff, v1  }
0x47: {  	v1 =	vld [tilespmem:s5+$0x1B0];
	_ =	sdelay $0x4  }
0x48: {  	[tilespmem:s23+$0x40B0] =	vst.add.f32.msk $0xffff, v1  }
0x49: {  	v1 =	vld [tilespmem:s5+$0x1C0];
	_ =	sdelay $0x4  }
0x4a: {  	[tilespmem:s23+$0x40C0] =	vst.add.f32.msk $0xffff, v1  }
0x4b: {  	v1 =	vld [tilespmem:s5+$0x1D0];
	_ =	sdelay $0x4  }
0x4c: {  	[tilespmem:s23+$0x40D0] =	vst.add.f32.msk $0xffff, v1  }
0x4d: {  	v1 =	vld [tilespmem:s5+$0x1E0]  }
0x4e: {  	(v2sf) =	vpush v0, $0x3;
	_ =	sdelay $0x3  }
0x4f: {  	[tilespmem:s23+$0x40E0] =	vst.add.f32.msk $0xffff, v1  }
0x50: {  	v1 =	vld [tilespmem:s5+$0x1F0];
	_ =	sdelay $0x4  }
0x51: {  	[tilespmem:s23+$0x40F0] =	vst.add.f32.msk $0xffff, v1  }
0x52: {  	v1 =	vld [tilespmem:s5+$0x200];
	_ =	sdelay $0x3  }
0x53: {  	s24 =	spop (v2sf)  }
0x54: {  	[tilespmem:s24+$0x4080] =	vst.add.f32.msk $0xffff, v1  }
0x55: {  	v1 =	vld [tilespmem:s5+$0x210];
	_ =	sdelay $0x4  }
0x56: {  	[tilespmem:s24+$0x4090] =	vst.add.f32.msk $0xffff, v1  }
0x57: {  	v1 =	vld [tilespmem:s5+$0x220];
	_ =	sdelay $0x4  }
0x58: {  	[tilespmem:s24+$0x40A0] =	vst.add.f32.msk $0xffff, v1  }
0x59: {  	v1 =	vld [tilespmem:s5+$0x230];
	_ =	sdelay $0x4  }
0x5a: {  	[tilespmem:s24+$0x40B0] =	vst.add.f32.msk $0xffff, v1  }
0x5b: {  	v1 =	vld [tilespmem:s5+$0x240];
	_ =	sdelay $0x4  }
0x5c: {  	[tilespmem:s24+$0x40C0] =	vst.add.f32.msk $0xffff, v1  }
0x5d: {  	v1 =	vld [tilespmem:s5+$0x250];
	_ =	sdelay $0x4  }
0x5e: {  	[tilespmem:s24+$0x40D0] =	vst.add.f32.msk $0xffff, v1  }
0x5f: {  	v1 =	vld [tilespmem:s5+$0x260]  }
0x60: {  	(v2sf) =	vpush v0, $0x4;
	_ =	sdelay $0x3  }
0x61: {  	[tilespmem:s24+$0x40E0] =	vst.add.f32.msk $0xffff, v1  }
0x62: {  	v1 =	vld [tilespmem:s5+$0x270];
	_ =	sdelay $0x4  }
0x63: {  	[tilespmem:s24+$0x40F0] =	vst.add.f32.msk $0xffff, v1  }
0x64: {  	v1 =	vld [tilespmem:s5+$0x280];
	_ =	sdelay $0x3  }
0x65: {  	s25 =	spop (v2sf)  }
0x66: {  	[tilespmem:s25+$0x4080] =	vst.add.f32.msk $0xffff, v1  }
0x67: {  	v1 =	vld [tilespmem:s5+$0x290];
	_ =	sdelay $0x4  }
0x68: {  	[tilespmem:s25+$0x4090] =	vst.add.f32.msk $0xffff, v1  }
0x69: {  	v1 =	vld [tilespmem:s5+$0x2A0];
	_ =	sdelay $0x4  }
0x6a: {  	[tilespmem:s25+$0x40A0] =	vst.add.f32.msk $0xffff, v1  }
0x6b: {  	v1 =	vld [tilespmem:s5+$0x2B0];
	_ =	sdelay $0x4  }
0x6c: {  	[tilespmem:s25+$0x40B0] =	vst.add.f32.msk $0xffff, v1  }
0x6d: {  	v1 =	vld [tilespmem:s5+$0x2C0];
	_ =	sdelay $0x4  }
0x6e: {  	[tilespmem:s25+$0x40C0] =	vst.add.f32.msk $0xffff, v1  }
0x6f: {  	v1 =	vld [tilespmem:s5+$0x2D0];
	_ =	sdelay $0x4  }
0x70: {  	[tilespmem:s25+$0x40D0] =	vst.add.f32.msk $0xffff, v1  }
0x71: {  	v1 =	vld [tilespmem:s5+$0x2E0]  }
0x72: {  	(v2sf) =	vpush v0, $0x5;
	_ =	sdelay $0x3  }
0x73: {  	[tilespmem:s25+$0x40E0] =	vst.add.f32.msk $0xffff, v1  }
0x74: {  	v1 =	vld [tilespmem:s5+$0x2F0];
	_ =	sdelay $0x4  }
0x75: {  	[tilespmem:s25+$0x40F0] =	vst.add.f32.msk $0xffff, v1  }
0x76: {  	v1 =	vld [tilespmem:s5+$0x300];
	_ =	sdelay $0x3  }
0x77: {  	s26 =	spop (v2sf)  }
0x78: {  	[tilespmem:s26+$0x4080] =	vst.add.f32.msk $0xffff, v1  }
0x79: {  	v1 =	vld [tilespmem:s5+$0x310];
	_ =	sdelay $0x4  }
0x7a: {  	[tilespmem:s26+$0x4090] =	vst.add.f32.msk $0xffff, v1  }
0x7b: {  	v1 =	vld [tilespmem:s5+$0x320];
	_ =	sdelay $0x4  }
0x7c: {  	[tilespmem:s26+$0x40A0] =	vst.add.f32.msk $0xffff, v1  }
0x7d: {  	v1 =	vld [tilespmem:s5+$0x330];
	_ =	sdelay $0x4  }
0x7e: {  	[tilespmem:s26+$0x40B0] =	vst.add.f32.msk $0xffff, v1  }
0x7f: {  	v1 =	vld [tilespmem:s5+$0x340];
	_ =	sdelay $0x4  }
0x80: {  	[tilespmem:s26+$0x40C0] =	vst.add.f32.msk $0xffff, v1  }
0x81: {  	v1 =	vld [tilespmem:s5+$0x350];
	_ =	sdelay $0x4  }
0x82: {  	[tilespmem:s26+$0x40D0] =	vst.add.f32.msk $0xffff, v1  }
0x83: {  	v1 =	vld [tilespmem:s5+$0x360]  }
0x84: {  	(v2sf) =	vpush v0, $0x6;
	_ =	sdelay $0x3  }
0x85: {  	[tilespmem:s26+$0x40E0] =	vst.add.f32.msk $0xffff, v1  }
0x86: {  	v1 =	vld [tilespmem:s5+$0x370];
	_ =	sdelay $0x4  }
0x87: {  	[tilespmem:s26+$0x40F0] =	vst.add.f32.msk $0xffff, v1  }
0x88: {  	v1 =	vld [tilespmem:s5+$0x380];
	_ =	sdelay $0x3  }
0x89: {  	s28 =	spop (v2sf)  }
0x8a: {  	[tilespmem:s28+$0x4080] =	vst.add.f32.msk $0xffff, v1  }
0x8b: {  	v1 =	vld [tilespmem:s5+$0x390];
	_ =	sdelay $0x4  }
0x8c: {  	[tilespmem:s28+$0x4090] =	vst.add.f32.msk $0xffff, v1  }
0x8d: {  	v1 =	vld [tilespmem:s5+$0x3A0];
	_ =	sdelay $0x4  }
0x8e: {  	[tilespmem:s28+$0x40A0] =	vst.add.f32.msk $0xffff, v1  }
0x8f: {  	v1 =	vld [tilespmem:s5+$0x3B0];
	_ =	sdelay $0x4  }
0x90: {  	[tilespmem:s28+$0x40B0] =	vst.add.f32.msk $0xffff, v1  }
0x91: {  	v1 =	vld [tilespmem:s5+$0x3C0];
	_ =	sdelay $0x4  }
0x92: {  	[tilespmem:s28+$0x40C0] =	vst.add.f32.msk $0xffff, v1  }
0x93: {  	v1 =	vld [tilespmem:s5+$0x3D0];
	_ =	sdelay $0x4  }
0x94: {  	[tilespmem:s28+$0x40D0] =	vst.add.f32.msk $0xffff, v1  }
0x95: {  	v1 =	vld [tilespmem:s5+$0x3E0]  }
0x96: {  	(v2sf) =	vpush v0, $0x7;
	_ =	sdelay $0x3  }
0x97: {  	[tilespmem:s28+$0x40E0] =	vst.add.f32.msk $0xffff, v1  }
0x98: {  	v1 =	vld [tilespmem:s5+$0x3F0];
	_ =	sdelay $0x4  }
0x99: {  	[tilespmem:s28+$0x40F0] =	vst.add.f32.msk $0xffff, v1  }
0x9a: {  	v1 =	vld [tilespmem:s5+$0x400];
	_ =	sdelay $0x3  }
0x9b: {  	s29 =	spop (v2sf)  }
0x9c: {  	[tilespmem:s29+$0x4080] =	vst.add.f32.msk $0xffff, v1  }
0x9d: {  	v1 =	vld [tilespmem:s5+$0x410];
	_ =	sdelay $0x4  }
0x9e: {  	[tilespmem:s29+$0x4090] =	vst.add.f32.msk $0xffff, v1  }
0x9f: {  	v1 =	vld [tilespmem:s5+$0x420];
	_ =	sdelay $0x4  }
0xa0: {  	[tilespmem:s29+$0x40A0] =	vst.add.f32.msk $0xffff, v1  }
0xa1: {  	v1 =	vld [tilespmem:s5+$0x430];
	_ =	sdelay $0x4  }
0xa2: {  	[tilespmem:s29+$0x40B0] =	vst.add.f32.msk $0xffff, v1  }
0xa3: {  	v1 =	vld [tilespmem:s5+$0x440];
	_ =	sdelay $0x4  }
0xa4: {  	[tilespmem:s29+$0x40C0] =	vst.add.f32.msk $0xffff, v1  }
0xa5: {  	v1 =	vld [tilespmem:s5+$0x450];
	_ =	sdelay $0x4  }
0xa6: {  	[tilespmem:s29+$0x40D0] =	vst.add.f32.msk $0xffff, v1  }
0xa7: {  	v1 =	vld [tilespmem:s5+$0x460]  }
0xa8: {  	(v2sf) =	vpush v0, $0x8;
	_ =	sdelay $0x3  }
0xa9: {  	[tilespmem:s29+$0x40E0] =	vst.add.f32.msk $0xffff, v1  }
0xaa: {  	v1 =	vld [tilespmem:s5+$0x470];
	_ =	sdelay $0x4  }
0xab: {  	[tilespmem:s29+$0x40F0] =	vst.add.f32.msk $0xffff, v1  }
0xac: {  	v1 =	vld [tilespmem:s5+$0x480];
	_ =	sdelay $0x3  }
0xad: {  	s14 =	spop (v2sf)  }
0xae: {  	[tilespmem:s14+$0x4080] =	vst.add.f32.msk $0xffff, v1  }
0xaf: {  	v1 =	vld [tilespmem:s5+$0x490];
	_ =	sdelay $0x4  }
0xb0: {  	[tilespmem:s14+$0x4090] =	vst.add.f32.msk $0xffff, v1  }
0xb1: {  	v1 =	vld [tilespmem:s5+$0x4A0];
	_ =	sdelay $0x4  }
0xb2: {  	[tilespmem:s14+$0x40A0] =	vst.add.f32.msk $0xffff, v1  }
0xb3: {  	v1 =	vld [tilespmem:s5+$0x4B0];
	_ =	sdelay $0x4  }
0xb4: {  	[tilespmem:s14+$0x40B0] =	vst.add.f32.msk $0xffff, v1  }
0xb5: {  	v1 =	vld [tilespmem:s5+$0x4C0];
	_ =	sdelay $0x4  }
0xb6: {  	s30 =	sor.u32 $0x10, s6;
	[tilespmem:s14+$0x40C0] =	vst.add.f32.msk $0xffff, v1  }
0xb7: {  	(v2sf) =	vpush v0, $0x9;
	v1 =	vld [tilespmem:s30+$0x0]  }
0xb8: {  	(v2sf) =	vpush v0, $0xA  }
0xb9: {  	(v2sf) =	vpush v0, $0xB  }
0xba: {  	(v2sf) =	vpush v0, $0xC  }
0xbb: {  	(v2sf) =	vpush v0, $0xD  }
0xbc: {  	(v2sf) =	vpush v0, $0xE;
	v1 =	vshll.u32 v1, $0x9  }
0xbd: {  	(v2sf) =	vpush v0, $0xF;
	v55 =	vshra.s32 v1, $0x2  }
0xbe: {  	(v2sf) =	vpush v55, $0x0;
	_ =	sdelay $0x7  }
0xbf: {  	s13 =	spop (v2sf)  }
0xc0: {  	s7 =	sshll.u32 s30, $0x7;
	s12 =	spop (v2sf)  }
0xc1: {  	s15 =	sand.u32 $0x3FFFF800, s7;
	s11 =	spop (v2sf)  }
0xc2: {  	v56 =	vld [tilespmem:s15+$0x80];
	s10 =	spop (v2sf)  }
0xc3: {  	s9 =	spop (v2sf)  }
0xc4: {  	s8 =	spop (v2sf)  }
0xc5: {  	s7 =	spop (v2sf)  }
0xc6: {  	s16 =	spop (v2sf)  }
0xc7: {  	[tilespmem:s16+$0x4080] =	vst.add.f32.msk $0xffff, v56  }
0xc8: {  	v1 =	vld [tilespmem:s15+$0x90];
	_ =	sdelay $0x4  }
0xc9: {  	[tilespmem:s16+$0x4090] =	vst.add.f32.msk $0xffff, v1  }
0xca: {  	v1 =	vld [tilespmem:s15+$0xA0];
	_ =	sdelay $0x4  }
0xcb: {  	[tilespmem:s16+$0x40A0] =	vst.add.f32.msk $0xffff, v1  }
0xcc: {  	v1 =	vld [tilespmem:s15+$0xB0];
	_ =	sdelay $0x4  }
0xcd: {  	[tilespmem:s16+$0x40B0] =	vst.add.f32.msk $0xffff, v1  }
0xce: {  	v1 =	vld [tilespmem:s15+$0xC0];
	_ =	sdelay $0x4  }
0xcf: {  	[tilespmem:s16+$0x40C0] =	vst.add.f32.msk $0xffff, v1  }
0xd0: {  	v1 =	vld [tilespmem:s15+$0xD0];
	_ =	sdelay $0x4  }
0xd1: {  	[tilespmem:s16+$0x40D0] =	vst.add.f32.msk $0xffff, v1  }
0xd2: {  	v1 =	vld [tilespmem:s15+$0xE0]  }
0xd3: {  	(v2sf) =	vpush v55, $0x1;
	_ =	sdelay $0x3  }
0xd4: {  	[tilespmem:s16+$0x40E0] =	vst.add.f32.msk $0xffff, v1  }
0xd5: {  	v1 =	vld [tilespmem:s15+$0xF0];
	_ =	sdelay $0x4  }
0xd6: {  	[tilespmem:s16+$0x40F0] =	vst.add.f32.msk $0xffff, v1  }
0xd7: {  	v1 =	vld [tilespmem:s5+$0x900];
	_ =	sdelay $0x3  }
0xd8: {  	s31 =	spop (v2sf)  }
0xd9: {  	[tilespmem:s31+$0x4080] =	vst.add.f32.msk $0xffff, v1  }
0xda: {  	v1 =	vld [tilespmem:s5+$0x910];
	_ =	sdelay $0x4  }
0xdb: {  	[tilespmem:s31+$0x4090] =	vst.add.f32.msk $0xffff, v1  }
0xdc: {  	v1 =	vld [tilespmem:s5+$0x920];
	_ =	sdelay $0x4  }
0xdd: {  	[tilespmem:s31+$0x40A0] =	vst.add.f32.msk $0xffff, v1  }
0xde: {  	v1 =	vld [tilespmem:s5+$0x930];
	_ =	sdelay $0x4  }
0xdf: {  	[tilespmem:s31+$0x40B0] =	vst.add.f32.msk $0xffff, v1  }
0xe0: {  	v1 =	vld [tilespmem:s5+$0x940];
	_ =	sdelay $0x4  }
0xe1: {  	[tilespmem:s31+$0x40C0] =	vst.add.f32.msk $0xffff, v1  }
0xe2: {  	v1 =	vld [tilespmem:s5+$0x950];
	_ =	sdelay $0x4  }
0xe3: {  	[tilespmem:s31+$0x40D0] =	vst.add.f32.msk $0xffff, v1  }
0xe4: {  	v1 =	vld [tilespmem:s5+$0x960]  }
0xe5: {  	(v2sf) =	vpush v55, $0x2;
	_ =	sdelay $0x3  }
0xe6: {  	[tilespmem:s31+$0x40E0] =	vst.add.f32.msk $0xffff, v1  }
0xe7: {  	v1 =	vld [tilespmem:s5+$0x970];
	_ =	sdelay $0x4  }
0xe8: {  	[tilespmem:s31+$0x40F0] =	vst.add.f32.msk $0xffff, v1  }
0xe9: {  	v1 =	vld [tilespmem:s5+$0x980];
	_ =	sdelay $0x3  }
0xea: {  	s16 =	spop (v2sf)  }
0xeb: {  	[tilespmem:s16+$0x4080] =	vst.add.f32.msk $0xffff, v1  }
0xec: {  	v1 =	vld [tilespmem:s5+$0x990];
	_ =	sdelay $0x4  }
0xed: {  	[tilespmem:s16+$0x4090] =	vst.add.f32.msk $0xffff, v1  }
0xee: {  	v1 =	vld [tilespmem:s5+$0x9A0];
	_ =	sdelay $0x4  }
0xef: {  	[tilespmem:s16+$0x40A0] =	vst.add.f32.msk $0xffff, v1  }
0xf0: {  	v1 =	vld [tilespmem:s5+$0x9B0];
	_ =	sdelay $0x4  }
0xf1: {  	[tilespmem:s16+$0x40B0] =	vst.add.f32.msk $0xffff, v1  }
0xf2: {  	v1 =	vld [tilespmem:s5+$0x9C0];
	_ =	sdelay $0x4  }
0xf3: {  	[tilespmem:s16+$0x40C0] =	vst.add.f32.msk $0xffff, v1  }
0xf4: {  	v1 =	vld [tilespmem:s5+$0x9D0];
	_ =	sdelay $0x4  }
0xf5: {  	[tilespmem:s16+$0x40D0] =	vst.add.f32.msk $0xffff, v1  }
0xf6: {  	v1 =	vld [tilespmem:s5+$0x9E0]  }
0xf7: {  	(v2sf) =	vpush v55, $0x3;
	_ =	sdelay $0x3  }
0xf8: {  	[tilespmem:s16+$0x40E0] =	vst.add.f32.msk $0xffff, v1  }
0xf9: {  	v1 =	vld [tilespmem:s5+$0x9F0];
	_ =	sdelay $0x4  }
0xfa: {  	[tilespmem:s16+$0x40F0] =	vst.add.f32.msk $0xffff, v1  }
0xfb: {  	v1 =	vld [tilespmem:s5+$0xA00];
	_ =	sdelay $0x3  }
0xfc: {  	s17 =	spop (v2sf)  }
0xfd: {  	[tilespmem:s17+$0x4080] =	vst.add.f32.msk $0xffff, v1  }
0xfe: {  	v1 =	vld [tilespmem:s5+$0xA10];
	_ =	sdelay $0x4  }
0xff: {  	[tilespmem:s17+$0x4090] =	vst.add.f32.msk $0xffff, v1  }
0x100: {  	v1 =	vld [tilespmem:s5+$0xA20];
	_ =	sdelay $0x4  }
0x101: {  	[tilespmem:s17+$0x40A0] =	vst.add.f32.msk $0xffff, v1  }
0x102: {  	v1 =	vld [tilespmem:s5+$0xA30];
	_ =	sdelay $0x4  }
0x103: {  	[tilespmem:s17+$0x40B0] =	vst.add.f32.msk $0xffff, v1  }
0x104: {  	v1 =	vld [tilespmem:s5+$0xA40];
	_ =	sdelay $0x4  }
0x105: {  	[tilespmem:s17+$0x40C0] =	vst.add.f32.msk $0xffff, v1  }
0x106: {  	v1 =	vld [tilespmem:s5+$0xA50];
	_ =	sdelay $0x4  }
0x107: {  	[tilespmem:s17+$0x40D0] =	vst.add.f32.msk $0xffff, v1  }
0x108: {  	v1 =	vld [tilespmem:s5+$0xA60]  }
0x109: {  	(v2sf) =	vpush v55, $0x4;
	_ =	sdelay $0x3  }
0x10a: {  	[tilespmem:s17+$0x40E0] =	vst.add.f32.msk $0xffff, v1  }
0x10b: {  	v1 =	vld [tilespmem:s5+$0xA70];
	_ =	sdelay $0x4  }
0x10c: {  	[tilespmem:s17+$0x40F0] =	vst.add.f32.msk $0xffff, v1  }
0x10d: {  	v1 =	vld [tilespmem:s5+$0xA80];
	_ =	sdelay $0x3  }
0x10e: {  	s18 =	spop (v2sf)  }
0x10f: {  	[tilespmem:s18+$0x4080] =	vst.add.f32.msk $0xffff, v1  }
0x110: {  	v1 =	vld [tilespmem:s5+$0xA90];
	_ =	sdelay $0x4  }
0x111: {  	[tilespmem:s18+$0x4090] =	vst.add.f32.msk $0xffff, v1  }
0x112: {  	v1 =	vld [tilespmem:s5+$0xAA0];
	_ =	sdelay $0x4  }
0x113: {  	[tilespmem:s18+$0x40A0] =	vst.add.f32.msk $0xffff, v1  }
0x114: {  	v1 =	vld [tilespmem:s5+$0xAB0];
	_ =	sdelay $0x4  }
0x115: {  	[tilespmem:s18+$0x40B0] =	vst.add.f32.msk $0xffff, v1  }
0x116: {  	v1 =	vld [tilespmem:s5+$0xAC0];
	_ =	sdelay $0x4  }
0x117: {  	[tilespmem:s18+$0x40C0] =	vst.add.f32.msk $0xffff, v1  }
0x118: {  	v1 =	vld [tilespmem:s5+$0xAD0];
	_ =	sdelay $0x4  }
0x119: {  	[tilespmem:s18+$0x40D0] =	vst.add.f32.msk $0xffff, v1  }
0x11a: {  	v1 =	vld [tilespmem:s5+$0xAE0]  }
0x11b: {  	(v2sf) =	vpush v55, $0x5;
	_ =	sdelay $0x3  }
0x11c: {  	[tilespmem:s18+$0x40E0] =	vst.add.f32.msk $0xffff, v1  }
0x11d: {  	v1 =	vld [tilespmem:s5+$0xAF0];
	_ =	sdelay $0x4  }
0x11e: {  	[tilespmem:s18+$0x40F0] =	vst.add.f32.msk $0xffff, v1  }
0x11f: {  	v1 =	vld [tilespmem:s5+$0xB00];
	_ =	sdelay $0x3  }
0x120: {  	s19 =	spop (v2sf)  }
0x121: {  	[tilespmem:s19+$0x4080] =	vst.add.f32.msk $0xffff, v1  }
0x122: {  	v1 =	vld [tilespmem:s5+$0xB10];
	_ =	sdelay $0x4  }
0x123: {  	[tilespmem:s19+$0x4090] =	vst.add.f32.msk $0xffff, v1  }
0x124: {  	v1 =	vld [tilespmem:s5+$0xB20];
	_ =	sdelay $0x4  }
0x125: {  	[tilespmem:s19+$0x40A0] =	vst.add.f32.msk $0xffff, v1  }
0x126: {  	v1 =	vld [tilespmem:s5+$0xB30];
	_ =	sdelay $0x4  }
0x127: {  	[tilespmem:s19+$0x40B0] =	vst.add.f32.msk $0xffff, v1  }
0x128: {  	v1 =	vld [tilespmem:s5+$0xB40];
	_ =	sdelay $0x4  }
0x129: {  	[tilespmem:s19+$0x40C0] =	vst.add.f32.msk $0xffff, v1  }
0x12a: {  	v1 =	vld [tilespmem:s5+$0xB50];
	_ =	sdelay $0x4  }
0x12b: {  	[tilespmem:s19+$0x40D0] =	vst.add.f32.msk $0xffff, v1  }
0x12c: {  	v1 =	vld [tilespmem:s5+$0xB60]  }
0x12d: {  	(v2sf) =	vpush v55, $0x6;
	_ =	sdelay $0x3  }
0x12e: {  	[tilespmem:s19+$0x40E0] =	vst.add.f32.msk $0xffff, v1  }
0x12f: {  	v1 =	vld [tilespmem:s5+$0xB70];
	_ =	sdelay $0x4  }
0x130: {  	[tilespmem:s19+$0x40F0] =	vst.add.f32.msk $0xffff, v1  }
0x131: {  	v1 =	vld [tilespmem:s5+$0xB80];
	_ =	sdelay $0x3  }
0x132: {  	s20 =	spop (v2sf)  }
0x133: {  	[tilespmem:s20+$0x4080] =	vst.add.f32.msk $0xffff, v1  }
0x134: {  	v1 =	vld [tilespmem:s5+$0xB90];
	_ =	sdelay $0x4  }
0x135: {  	[tilespmem:s20+$0x4090] =	vst.add.f32.msk $0xffff, v1  }
0x136: {  	v1 =	vld [tilespmem:s5+$0xBA0];
	_ =	sdelay $0x4  }
0x137: {  	[tilespmem:s20+$0x40A0] =	vst.add.f32.msk $0xffff, v1  }
0x138: {  	v1 =	vld [tilespmem:s5+$0xBB0];
	_ =	sdelay $0x4  }
0x139: {  	[tilespmem:s20+$0x40B0] =	vst.add.f32.msk $0xffff, v1  }
0x13a: {  	v1 =	vld [tilespmem:s5+$0xBC0];
	_ =	sdelay $0x4  }
0x13b: {  	[tilespmem:s20+$0x40C0] =	vst.add.f32.msk $0xffff, v1  }
0x13c: {  	v1 =	vld [tilespmem:s5+$0xBD0];
	_ =	sdelay $0x4  }
0x13d: {  	[tilespmem:s20+$0x40D0] =	vst.add.f32.msk $0xffff, v1  }
0x13e: {  	v1 =	vld [tilespmem:s5+$0xBE0]  }
0x13f: {  	(v2sf) =	vpush v55, $0x7;
	_ =	sdelay $0x3  }
0x140: {  	[tilespmem:s20+$0x40E0] =	vst.add.f32.msk $0xffff, v1  }
0x141: {  	v1 =	vld [tilespmem:s5+$0xBF0];
	_ =	sdelay $0x4  }
0x142: {  	[tilespmem:s20+$0x40F0] =	vst.add.f32.msk $0xffff, v1  }
0x143: {  	v1 =	vld [tilespmem:s5+$0xC00];
	_ =	sdelay $0x3  }
0x144: {  	s21 =	spop (v2sf)  }
0x145: {  	[tilespmem:s21+$0x4080] =	vst.add.f32.msk $0xffff, v1  }
0x146: {  	v1 =	vld [tilespmem:s5+$0xC10];
	_ =	sdelay $0x4  }
0x147: {  	[tilespmem:s21+$0x4090] =	vst.add.f32.msk $0xffff, v1  }
0x148: {  	v1 =	vld [tilespmem:s5+$0xC20];
	_ =	sdelay $0x4  }
0x149: {  	[tilespmem:s21+$0x40A0] =	vst.add.f32.msk $0xffff, v1  }
0x14a: {  	v1 =	vld [tilespmem:s5+$0xC30];
	_ =	sdelay $0x4  }
0x14b: {  	[tilespmem:s21+$0x40B0] =	vst.add.f32.msk $0xffff, v1  }
0x14c: {  	v1 =	vld [tilespmem:s5+$0xC40];
	_ =	sdelay $0x4  }
0x14d: {  	[tilespmem:s21+$0x40C0] =	vst.add.f32.msk $0xffff, v1  }
0x14e: {  	v1 =	vld [tilespmem:s5+$0xC50];
	_ =	sdelay $0x4  }
0x14f: {  	[tilespmem:s21+$0x40D0] =	vst.add.f32.msk $0xffff, v1  }
0x150: {  	v1 =	vld [tilespmem:s5+$0xC60]  }
0x151: {  	(v2sf) =	vpush v55, $0x8;
	_ =	sdelay $0x3  }
0x152: {  	[tilespmem:s21+$0x40E0] =	vst.add.f32.msk $0xffff, v1  }
0x153: {  	v1 =	vld [tilespmem:s5+$0xC70];
	_ =	sdelay $0x4  }
0x154: {  	[tilespmem:s21+$0x40F0] =	vst.add.f32.msk $0xffff, v1  }
0x155: {  	v1 =	vld [tilespmem:s5+$0xC80];
	_ =	sdelay $0x3  }
0x156: {  	s22 =	spop (v2sf)  }
0x157: {  	[tilespmem:s22+$0x4080] =	vst.add.f32.msk $0xffff, v1  }
0x158: {  	v1 =	vld [tilespmem:s5+$0xC90];
	_ =	sdelay $0x4  }
0x159: {  	[tilespmem:s22+$0x4090] =	vst.add.f32.msk $0xffff, v1  }
0x15a: {  	v1 =	vld [tilespmem:s5+$0xCA0];
	_ =	sdelay $0x4  }
0x15b: {  	[tilespmem:s22+$0x40A0] =	vst.add.f32.msk $0xffff, v1  }
0x15c: {  	v1 =	vld [tilespmem:s5+$0xCB0];
	_ =	sdelay $0x4  }
0x15d: {  	[tilespmem:s22+$0x40B0] =	vst.add.f32.msk $0xffff, v1  }
0x15e: {  	v1 =	vld [tilespmem:s5+$0xCC0];
	_ =	sdelay $0x1  }
0x15f: {  	v2 =	vld [tilespmem:s5+$0x4D0];
	_ =	sdelay $0x2  }
0x160: {  	[tilespmem:s22+$0x40C0] =	vst.add.f32.msk $0xffff, v1  }
0x161: {  	v1 =	vld [tilespmem:s5+$0xCD0]  }
0x162: {  	[tilespmem:s14+$0x40D0] =	vst.add.f32.msk $0xffff, v2  }
0x163: {  	v2 =	vld [tilespmem:s5+$0x4E0];
	_ =	sdelay $0x2  }
0x164: {  	[tilespmem:s22+$0x40D0] =	vst.add.f32.msk $0xffff, v1  }
0x165: {  	v1 =	vld [tilespmem:s5+$0xCE0]  }
0x166: {  	[tilespmem:s14+$0x40E0] =	vst.add.f32.msk $0xffff, v2;
	(v2sf) =	vpush v55, $0x9  }
0x167: {  	v2 =	vld [tilespmem:s5+$0x4F0];
	_ =	sdelay $0x2  }
0x168: {  	[tilespmem:s22+$0x40E0] =	vst.add.f32.msk $0xffff, v1  }
0x169: {  	v1 =	vld [tilespmem:s5+$0xCF0]  }
0x16a: {  	[tilespmem:s14+$0x40F0] =	vst.add.f32.msk $0xffff, v2  }
0x16b: {  	v2 =	vld [tilespmem:s5+$0x500];
	_ =	sdelay $0x2  }
0x16c: {  	[tilespmem:s22+$0x40F0] =	vst.add.f32.msk $0xffff, v1  }
0x16d: {  	v1 =	vld [tilespmem:s5+$0xD00]  }
0x16e: {  	[tilespmem:s13+$0x4080] =	vst.add.f32.msk $0xffff, v2  }
0x16f: {  	v2 =	vld [tilespmem:s5+$0x510];
	_ =	sdelay $0x1  }
0x170: {  	s23 =	spop (v2sf)  }
0x171: {  	[tilespmem:s23+$0x4080] =	vst.add.f32.msk $0xffff, v1  }
0x172: {  	v1 =	vld [tilespmem:s5+$0xD10]  }
0x173: {  	[tilespmem:s13+$0x4090] =	vst.add.f32.msk $0xffff, v2  }
0x174: {  	v2 =	vld [tilespmem:s5+$0x520];
	_ =	sdelay $0x2  }
0x175: {  	[tilespmem:s23+$0x4090] =	vst.add.f32.msk $0xffff, v1  }
0x176: {  	v1 =	vld [tilespmem:s5+$0xD20]  }
0x177: {  	[tilespmem:s13+$0x40A0] =	vst.add.f32.msk $0xffff, v2  }
0x178: {  	v2 =	vld [tilespmem:s5+$0x530];
	_ =	sdelay $0x2  }
0x179: {  	[tilespmem:s23+$0x40A0] =	vst.add.f32.msk $0xffff, v1  }
0x17a: {  	v1 =	vld [tilespmem:s5+$0xD30]  }
0x17b: {  	[tilespmem:s13+$0x40B0] =	vst.add.f32.msk $0xffff, v2  }
0x17c: {  	v2 =	vld [tilespmem:s5+$0x540];
	_ =	sdelay $0x2  }
0x17d: {  	[tilespmem:s23+$0x40B0] =	vst.add.f32.msk $0xffff, v1  }
0x17e: {  	v1 =	vld [tilespmem:s5+$0xD40]  }
0x17f: {  	[tilespmem:s13+$0x40C0] =	vst.add.f32.msk $0xffff, v2  }
0x180: {  	v2 =	vld [tilespmem:s5+$0x550];
	_ =	sdelay $0x2  }
0x181: {  	[tilespmem:s23+$0x40C0] =	vst.add.f32.msk $0xffff, v1  }
0x182: {  	v1 =	vld [tilespmem:s5+$0xD50]  }
0x183: {  	[tilespmem:s13+$0x40D0] =	vst.add.f32.msk $0xffff, v2  }
0x184: {  	v2 =	vld [tilespmem:s5+$0x560];
	_ =	sdelay $0x2  }
0x185: {  	[tilespmem:s23+$0x40D0] =	vst.add.f32.msk $0xffff, v1  }
0x186: {  	v1 =	vld [tilespmem:s5+$0xD60]  }
0x187: {  	(v2sf) =	vpush v55, $0xA;
	[tilespmem:s13+$0x40E0] =	vst.add.f32.msk $0xffff, v2  }
0x188: {  	v2 =	vld [tilespmem:s5+$0x570];
	_ =	sdelay $0x2  }
0x189: {  	[tilespmem:s23+$0x40E0] =	vst.add.f32.msk $0xffff, v1  }
0x18a: {  	v1 =	vld [tilespmem:s5+$0xD70]  }
0x18b: {  	[tilespmem:s13+$0x40F0] =	vst.add.f32.msk $0xffff, v2  }
0x18c: {  	v2 =	vld [tilespmem:s5+$0x580];
	_ =	sdelay $0x2  }
0x18d: {  	[tilespmem:s23+$0x40F0] =	vst.add.f32.msk $0xffff, v1  }
0x18e: {  	v1 =	vld [tilespmem:s5+$0xD80]  }
0x18f: {  	[tilespmem:s12+$0x4080] =	vst.add.f32.msk $0xffff, v2  }
0x190: {  	v2 =	vld [tilespmem:s5+$0x590];
	_ =	sdelay $0x1  }
0x191: {  	s24 =	spop (v2sf)  }
0x192: {  	[tilespmem:s24+$0x4080] =	vst.add.f32.msk $0xffff, v1  }
0x193: {  	v1 =	vld [tilespmem:s5+$0xD90]  }
0x194: {  	[tilespmem:s12+$0x4090] =	vst.add.f32.msk $0xffff, v2  }
0x195: {  	v2 =	vld [tilespmem:s5+$0x5A0];
	_ =	sdelay $0x2  }
0x196: {  	[tilespmem:s24+$0x4090] =	vst.add.f32.msk $0xffff, v1  }
0x197: {  	v1 =	vld [tilespmem:s5+$0xDA0]  }
0x198: {  	[tilespmem:s12+$0x40A0] =	vst.add.f32.msk $0xffff, v2  }
0x199: {  	v2 =	vld [tilespmem:s5+$0x5B0];
	_ =	sdelay $0x2  }
0x19a: {  	[tilespmem:s24+$0x40A0] =	vst.add.f32.msk $0xffff, v1  }
0x19b: {  	v1 =	vld [tilespmem:s5+$0xDB0]  }
0x19c: {  	[tilespmem:s12+$0x40B0] =	vst.add.f32.msk $0xffff, v2  }
0x19d: {  	v2 =	vld [tilespmem:s5+$0x5C0];
	_ =	sdelay $0x2  }
0x19e: {  	[tilespmem:s24+$0x40B0] =	vst.add.f32.msk $0xffff, v1  }
0x19f: {  	v1 =	vld [tilespmem:s5+$0xDC0]  }
0x1a0: {  	[tilespmem:s12+$0x40C0] =	vst.add.f32.msk $0xffff, v2  }
0x1a1: {  	v2 =	vld [tilespmem:s5+$0x5D0];
	_ =	sdelay $0x2  }
0x1a2: {  	[tilespmem:s24+$0x40C0] =	vst.add.f32.msk $0xffff, v1  }
0x1a3: {  	v1 =	vld [tilespmem:s5+$0xDD0]  }
0x1a4: {  	[tilespmem:s12+$0x40D0] =	vst.add.f32.msk $0xffff, v2  }
0x1a5: {  	v2 =	vld [tilespmem:s5+$0x5E0];
	_ =	sdelay $0x2  }
0x1a6: {  	[tilespmem:s24+$0x40D0] =	vst.add.f32.msk $0xffff, v1  }
0x1a7: {  	v1 =	vld [tilespmem:s5+$0xDE0]  }
0x1a8: {  	(v2sf) =	vpush v55, $0xB;
	[tilespmem:s12+$0x40E0] =	vst.add.f32.msk $0xffff, v2  }
0x1a9: {  	v2 =	vld [tilespmem:s5+$0x5F0];
	_ =	sdelay $0x2  }
0x1aa: {  	[tilespmem:s24+$0x40E0] =	vst.add.f32.msk $0xffff, v1  }
0x1ab: {  	v1 =	vld [tilespmem:s5+$0xDF0]  }
0x1ac: {  	[tilespmem:s12+$0x40F0] =	vst.add.f32.msk $0xffff, v2  }
0x1ad: {  	v2 =	vld [tilespmem:s5+$0x600];
	_ =	sdelay $0x2  }
0x1ae: {  	[tilespmem:s24+$0x40F0] =	vst.add.f32.msk $0xffff, v1  }
0x1af: {  	v1 =	vld [tilespmem:s5+$0xE00]  }
0x1b0: {  	[tilespmem:s11+$0x4080] =	vst.add.f32.msk $0xffff, v2  }
0x1b1: {  	v2 =	vld [tilespmem:s5+$0x610];
	_ =	sdelay $0x1  }
0x1b2: {  	s25 =	spop (v2sf)  }
0x1b3: {  	[tilespmem:s25+$0x4080] =	vst.add.f32.msk $0xffff, v1  }
0x1b4: {  	v1 =	vld [tilespmem:s5+$0xE10]  }
0x1b5: {  	[tilespmem:s11+$0x4090] =	vst.add.f32.msk $0xffff, v2  }
0x1b6: {  	v2 =	vld [tilespmem:s5+$0x620];
	_ =	sdelay $0x2  }
0x1b7: {  	[tilespmem:s25+$0x4090] =	vst.add.f32.msk $0xffff, v1  }
0x1b8: {  	v1 =	vld [tilespmem:s5+$0xE20]  }
0x1b9: {  	[tilespmem:s11+$0x40A0] =	vst.add.f32.msk $0xffff, v2  }
0x1ba: {  	v2 =	vld [tilespmem:s5+$0x630]  }
0x1bb: {  	s26 =	sor.u32 $0x20, s6  }
0x1bc: {  	v3 =	vld [tilespmem:s26+$0x0]  }
0x1bd: {  	[tilespmem:s25+$0x40A0] =	vst.add.f32.msk $0xffff, v1  }
0x1be: {  	v1 =	vld [tilespmem:s5+$0xE30]  }
0x1bf: {  	(v2sf) =	vpush v55, $0xC;
	[tilespmem:s11+$0x40B0] =	vst.add.f32.msk $0xffff, v2  }
0x1c0: {  	(v2sf) =	vpush v55, $0xD;
	v2 =	vld [tilespmem:s5+$0x640]  }
0x1c1: {  	v3 =	vshll.u32 v3, $0x9;
	(v2sf) =	vpush v55, $0xE  }
0x1c2: {  	v57 =	vshra.s32 v3, $0x2;
	(v2sf) =	vpush v55, $0xF  }
0x1c3: {  	(v2sf) =	vpush v57, $0x0;
	[tilespmem:s25+$0x40B0] =	vst.add.f32.msk $0xffff, v1  }
0x1c4: {  	v1 =	vld [tilespmem:s5+$0xE40]  }
0x1c5: {  	[tilespmem:s11+$0x40C0] =	vst.add.f32.msk $0xffff, v2  }
0x1c6: {  	v2 =	vld [tilespmem:s5+$0x650];
	_ =	sdelay $0x2  }
0x1c7: {  	[tilespmem:s25+$0x40C0] =	vst.add.f32.msk $0xffff, v1  }
0x1c8: {  	v1 =	vld [tilespmem:s5+$0xE50]  }
0x1c9: {  	[tilespmem:s11+$0x40D0] =	vst.add.f32.msk $0xffff, v2  }
0x1ca: {  	s12 =	sshll.u32 s26, $0x7;
	v2 =	vld [tilespmem:s5+$0x660]  }
0x1cb: {  	s17 =	sand.u32 $0x3FFFF800, s12  }
0x1cc: {  	s28 =	spop (v2sf);
	v58 =	vld [tilespmem:s17+$0x80]  }
0x1cd: {  	s29 =	spop (v2sf);
	[tilespmem:s25+$0x40D0] =	vst.add.f32.msk $0xffff, v1  }
0x1ce: {  	s30 =	spop (v2sf);
	v1 =	vld [tilespmem:s5+$0xE60]  }
0x1cf: {  	s31 =	spop (v2sf);
	[tilespmem:s11+$0x40E0] =	vst.add.f32.msk $0xffff, v2  }
0x1d0: {  	v2 =	vld [tilespmem:s5+$0x670];
	s18 =	spop (v2sf)  }
0x1d1: {  	[tilespmem:s18+$0x4080] =	vst.add.f32.msk $0xffff, v58  }
0x1d2: {  	v3 =	vld [tilespmem:s17+$0x90]  }
0x1d3: {  	[tilespmem:s25+$0x40E0] =	vst.add.f32.msk $0xffff, v1  }
0x1d4: {  	v1 =	vld [tilespmem:s5+$0xE70]  }
0x1d5: {  	[tilespmem:s11+$0x40F0] =	vst.add.f32.msk $0xffff, v2  }
0x1d6: {  	v2 =	vld [tilespmem:s5+$0x680]  }
0x1d7: {  	[tilespmem:s18+$0x4090] =	vst.add.f32.msk $0xffff, v3  }
0x1d8: {  	v3 =	vld [tilespmem:s17+$0xA0]  }
0x1d9: {  	[tilespmem:s25+$0x40F0] =	vst.add.f32.msk $0xffff, v1  }
0x1da: {  	v1 =	vld [tilespmem:s5+$0xE80]  }
0x1db: {  	[tilespmem:s10+$0x4080] =	vst.add.f32.msk $0xffff, v2  }
0x1dc: {  	v2 =	vld [tilespmem:s5+$0x690]  }
0x1dd: {  	[tilespmem:s18+$0x40A0] =	vst.add.f32.msk $0xffff, v3  }
0x1de: {  	v3 =	vld [tilespmem:s17+$0xB0]  }
0x1df: {  	[tilespmem:s28+$0x4080] =	vst.add.f32.msk $0xffff, v1  }
0x1e0: {  	v1 =	vld [tilespmem:s5+$0xE90]  }
0x1e1: {  	[tilespmem:s10+$0x4090] =	vst.add.f32.msk $0xffff, v2  }
0x1e2: {  	v2 =	vld [tilespmem:s5+$0x6A0]  }
0x1e3: {  	[tilespmem:s18+$0x40B0] =	vst.add.f32.msk $0xffff, v3  }
0x1e4: {  	v3 =	vld [tilespmem:s17+$0xC0]  }
0x1e5: {  	[tilespmem:s28+$0x4090] =	vst.add.f32.msk $0xffff, v1  }
0x1e6: {  	v1 =	vld [tilespmem:s5+$0xEA0]  }
0x1e7: {  	[tilespmem:s10+$0x40A0] =	vst.add.f32.msk $0xffff, v2  }
0x1e8: {  	v2 =	vld [tilespmem:s5+$0x6B0]  }
0x1e9: {  	[tilespmem:s18+$0x40C0] =	vst.add.f32.msk $0xffff, v3  }
0x1ea: {  	v3 =	vld [tilespmem:s17+$0xD0]  }
0x1eb: {  	[tilespmem:s28+$0x40A0] =	vst.add.f32.msk $0xffff, v1  }
0x1ec: {  	v1 =	vld [tilespmem:s5+$0xEB0]  }
0x1ed: {  	[tilespmem:s10+$0x40B0] =	vst.add.f32.msk $0xffff, v2  }
0x1ee: {  	v2 =	vld [tilespmem:s5+$0x6C0]  }
0x1ef: {  	[tilespmem:s18+$0x40D0] =	vst.add.f32.msk $0xffff, v3  }
0x1f0: {  	v3 =	vld [tilespmem:s17+$0xE0]  }
0x1f1: {  	(v2sf) =	vpush v57, $0x1;
	[tilespmem:s28+$0x40B0] =	vst.add.f32.msk $0xffff, v1  }
0x1f2: {  	v1 =	vld [tilespmem:s5+$0xEC0]  }
0x1f3: {  	[tilespmem:s10+$0x40C0] =	vst.add.f32.msk $0xffff, v2  }
0x1f4: {  	v2 =	vld [tilespmem:s5+$0x6D0]  }
0x1f5: {  	[tilespmem:s18+$0x40E0] =	vst.add.f32.msk $0xffff, v3  }
0x1f6: {  	v3 =	vld [tilespmem:s17+$0xF0]  }
0x1f7: {  	[tilespmem:s28+$0x40C0] =	vst.add.f32.msk $0xffff, v1  }
0x1f8: {  	v1 =	vld [tilespmem:s5+$0xED0]  }
0x1f9: {  	[tilespmem:s10+$0x40D0] =	vst.add.f32.msk $0xffff, v2  }
0x1fa: {  	v2 =	vld [tilespmem:s5+$0x6E0]  }
0x1fb: {  	[tilespmem:s18+$0x40F0] =	vst.add.f32.msk $0xffff, v3  }
0x1fc: {  	v3 =	vld [tilespmem:s5+$0x1100]  }
0x1fd: {  	[tilespmem:s28+$0x40D0] =	vst.add.f32.msk $0xffff, v1  }
0x1fe: {  	v1 =	vld [tilespmem:s5+$0xEE0]  }
0x1ff: {  	[tilespmem:s10+$0x40E0] =	vst.add.f32.msk $0xffff, v2  }
0x200: {  	v2 =	vld [tilespmem:s5+$0x6F0];
	s17 =	spop (v2sf)  }
0x201: {  	[tilespmem:s17+$0x4080] =	vst.add.f32.msk $0xffff, v3  }
0x202: {  	v3 =	vld [tilespmem:s5+$0x1110]  }
0x203: {  	[tilespmem:s28+$0x40E0] =	vst.add.f32.msk $0xffff, v1  }
0x204: {  	v1 =	vld [tilespmem:s5+$0xEF0]  }
0x205: {  	[tilespmem:s10+$0x40F0] =	vst.add.f32.msk $0xffff, v2  }
0x206: {  	v2 =	vld [tilespmem:s5+$0x700]  }
0x207: {  	[tilespmem:s17+$0x4090] =	vst.add.f32.msk $0xffff, v3  }
0x208: {  	v3 =	vld [tilespmem:s5+$0x1120]  }
0x209: {  	[tilespmem:s28+$0x40F0] =	vst.add.f32.msk $0xffff, v1  }
0x20a: {  	v1 =	vld [tilespmem:s5+$0xF00]  }
0x20b: {  	[tilespmem:s9+$0x4080] =	vst.add.f32.msk $0xffff, v2  }
0x20c: {  	v2 =	vld [tilespmem:s5+$0x710]  }
0x20d: {  	[tilespmem:s17+$0x40A0] =	vst.add.f32.msk $0xffff, v3  }
0x20e: {  	v3 =	vld [tilespmem:s5+$0x1130]  }
0x20f: {  	[tilespmem:s29+$0x4080] =	vst.add.f32.msk $0xffff, v1  }
0x210: {  	v1 =	vld [tilespmem:s5+$0xF10]  }
0x211: {  	[tilespmem:s9+$0x4090] =	vst.add.f32.msk $0xffff, v2  }
0x212: {  	v2 =	vld [tilespmem:s5+$0x720]  }
0x213: {  	[tilespmem:s17+$0x40B0] =	vst.add.f32.msk $0xffff, v3  }
0x214: {  	v3 =	vld [tilespmem:s5+$0x1140]  }
0x215: {  	[tilespmem:s29+$0x4090] =	vst.add.f32.msk $0xffff, v1  }
0x216: {  	v1 =	vld [tilespmem:s5+$0xF20]  }
0x217: {  	[tilespmem:s9+$0x40A0] =	vst.add.f32.msk $0xffff, v2  }
0x218: {  	v2 =	vld [tilespmem:s5+$0x730]  }
0x219: {  	[tilespmem:s17+$0x40C0] =	vst.add.f32.msk $0xffff, v3  }
0x21a: {  	v3 =	vld [tilespmem:s5+$0x1150]  }
0x21b: {  	[tilespmem:s29+$0x40A0] =	vst.add.f32.msk $0xffff, v1  }
0x21c: {  	v1 =	vld [tilespmem:s5+$0xF30]  }
0x21d: {  	[tilespmem:s9+$0x40B0] =	vst.add.f32.msk $0xffff, v2  }
0x21e: {  	v2 =	vld [tilespmem:s5+$0x740]  }
0x21f: {  	[tilespmem:s17+$0x40D0] =	vst.add.f32.msk $0xffff, v3  }
0x220: {  	v3 =	vld [tilespmem:s5+$0x1160]  }
0x221: {  	(v2sf) =	vpush v57, $0x2;
	[tilespmem:s29+$0x40B0] =	vst.add.f32.msk $0xffff, v1  }
0x222: {  	v1 =	vld [tilespmem:s5+$0xF40]  }
0x223: {  	[tilespmem:s9+$0x40C0] =	vst.add.f32.msk $0xffff, v2  }
0x224: {  	v2 =	vld [tilespmem:s5+$0x750]  }
0x225: {  	[tilespmem:s17+$0x40E0] =	vst.add.f32.msk $0xffff, v3  }
0x226: {  	v3 =	vld [tilespmem:s5+$0x1170]  }
0x227: {  	[tilespmem:s29+$0x40C0] =	vst.add.f32.msk $0xffff, v1  }
0x228: {  	v1 =	vld [tilespmem:s5+$0xF50]  }
0x229: {  	[tilespmem:s9+$0x40D0] =	vst.add.f32.msk $0xffff, v2  }
0x22a: {  	v2 =	vld [tilespmem:s5+$0x760]  }
0x22b: {  	[tilespmem:s17+$0x40F0] =	vst.add.f32.msk $0xffff, v3  }
0x22c: {  	v3 =	vld [tilespmem:s5+$0x1180]  }
0x22d: {  	[tilespmem:s29+$0x40D0] =	vst.add.f32.msk $0xffff, v1  }
0x22e: {  	v1 =	vld [tilespmem:s5+$0xF60]  }
0x22f: {  	[tilespmem:s9+$0x40E0] =	vst.add.f32.msk $0xffff, v2  }
0x230: {  	v2 =	vld [tilespmem:s5+$0x770];
	s18 =	spop (v2sf)  }
0x231: {  	[tilespmem:s18+$0x4080] =	vst.add.f32.msk $0xffff, v3  }
0x232: {  	v3 =	vld [tilespmem:s5+$0x1190]  }
0x233: {  	[tilespmem:s29+$0x40E0] =	vst.add.f32.msk $0xffff, v1  }
0x234: {  	v1 =	vld [tilespmem:s5+$0xF70]  }
0x235: {  	[tilespmem:s9+$0x40F0] =	vst.add.f32.msk $0xffff, v2  }
0x236: {  	v2 =	vld [tilespmem:s5+$0x780]  }
0x237: {  	[tilespmem:s18+$0x4090] =	vst.add.f32.msk $0xffff, v3  }
0x238: {  	v3 =	vld [tilespmem:s5+$0x11A0]  }
0x239: {  	[tilespmem:s29+$0x40F0] =	vst.add.f32.msk $0xffff, v1  }
0x23a: {  	v1 =	vld [tilespmem:s5+$0xF80]  }
0x23b: {  	[tilespmem:s8+$0x4080] =	vst.add.f32.msk $0xffff, v2  }
0x23c: {  	v2 =	vld [tilespmem:s5+$0x790]  }
0x23d: {  	[tilespmem:s18+$0x40A0] =	vst.add.f32.msk $0xffff, v3  }
0x23e: {  	v3 =	vld [tilespmem:s5+$0x11B0]  }
0x23f: {  	[tilespmem:s30+$0x4080] =	vst.add.f32.msk $0xffff, v1  }
0x240: {  	v1 =	vld [tilespmem:s5+$0xF90]  }
0x241: {  	[tilespmem:s8+$0x4090] =	vst.add.f32.msk $0xffff, v2  }
0x242: {  	v2 =	vld [tilespmem:s5+$0x7A0]  }
0x243: {  	[tilespmem:s18+$0x40B0] =	vst.add.f32.msk $0xffff, v3  }
0x244: {  	v3 =	vld [tilespmem:s5+$0x11C0]  }
0x245: {  	[tilespmem:s30+$0x4090] =	vst.add.f32.msk $0xffff, v1  }
0x246: {  	v1 =	vld [tilespmem:s5+$0xFA0]  }
0x247: {  	[tilespmem:s8+$0x40A0] =	vst.add.f32.msk $0xffff, v2  }
0x248: {  	v2 =	vld [tilespmem:s5+$0x7B0]  }
0x249: {  	[tilespmem:s18+$0x40C0] =	vst.add.f32.msk $0xffff, v3  }
0x24a: {  	v3 =	vld [tilespmem:s5+$0x11D0]  }
0x24b: {  	[tilespmem:s30+$0x40A0] =	vst.add.f32.msk $0xffff, v1  }
0x24c: {  	v1 =	vld [tilespmem:s5+$0xFB0]  }
0x24d: {  	[tilespmem:s8+$0x40B0] =	vst.add.f32.msk $0xffff, v2  }
0x24e: {  	v2 =	vld [tilespmem:s5+$0x7C0]  }
0x24f: {  	[tilespmem:s18+$0x40D0] =	vst.add.f32.msk $0xffff, v3  }
0x250: {  	v3 =	vld [tilespmem:s5+$0x11E0]  }
0x251: {  	(v2sf) =	vpush v57, $0x3;
	[tilespmem:s30+$0x40B0] =	vst.add.f32.msk $0xffff, v1  }
0x252: {  	v1 =	vld [tilespmem:s5+$0xFC0]  }
0x253: {  	[tilespmem:s8+$0x40C0] =	vst.add.f32.msk $0xffff, v2  }
0x254: {  	v2 =	vld [tilespmem:s5+$0x7D0]  }
0x255: {  	[tilespmem:s18+$0x40E0] =	vst.add.f32.msk $0xffff, v3  }
0x256: {  	v3 =	vld [tilespmem:s5+$0x11F0]  }
0x257: {  	[tilespmem:s30+$0x40C0] =	vst.add.f32.msk $0xffff, v1  }
0x258: {  	v1 =	vld [tilespmem:s5+$0xFD0]  }
0x259: {  	[tilespmem:s8+$0x40D0] =	vst.add.f32.msk $0xffff, v2  }
0x25a: {  	v2 =	vld [tilespmem:s5+$0x7E0]  }
0x25b: {  	[tilespmem:s18+$0x40F0] =	vst.add.f32.msk $0xffff, v3  }
0x25c: {  	v3 =	vld [tilespmem:s5+$0x1200]  }
0x25d: {  	[tilespmem:s30+$0x40D0] =	vst.add.f32.msk $0xffff, v1  }
0x25e: {  	v1 =	vld [tilespmem:s5+$0xFE0]  }
0x25f: {  	[tilespmem:s8+$0x40E0] =	vst.add.f32.msk $0xffff, v2  }
0x260: {  	v2 =	vld [tilespmem:s5+$0x7F0];
	s19 =	spop (v2sf)  }
0x261: {  	[tilespmem:s19+$0x4080] =	vst.add.f32.msk $0xffff, v3  }
0x262: {  	v3 =	vld [tilespmem:s5+$0x1210]  }
0x263: {  	[tilespmem:s30+$0x40E0] =	vst.add.f32.msk $0xffff, v1  }
0x264: {  	v1 =	vld [tilespmem:s5+$0xFF0]  }
0x265: {  	[tilespmem:s8+$0x40F0] =	vst.add.f32.msk $0xffff, v2  }
0x266: {  	v2 =	vld [tilespmem:s5+$0x800]  }
0x267: {  	[tilespmem:s19+$0x4090] =	vst.add.f32.msk $0xffff, v3  }
0x268: {  	v3 =	vld [tilespmem:s5+$0x1220]  }
0x269: {  	[tilespmem:s30+$0x40F0] =	vst.add.f32.msk $0xffff, v1  }
0x26a: {  	v1 =	vld [tilespmem:s5+$0x1000]  }
0x26b: {  	[tilespmem:s7+$0x4080] =	vst.add.f32.msk $0xffff, v2  }
0x26c: {  	v2 =	vld [tilespmem:s5+$0x810]  }
0x26d: {  	[tilespmem:s19+$0x40A0] =	vst.add.f32.msk $0xffff, v3  }
0x26e: {  	v3 =	vld [tilespmem:s5+$0x1230]  }
0x26f: {  	[tilespmem:s31+$0x4080] =	vst.add.f32.msk $0xffff, v1  }
0x270: {  	v1 =	vld [tilespmem:s5+$0x1010]  }
0x271: {  	[tilespmem:s7+$0x4090] =	vst.add.f32.msk $0xffff, v2  }
0x272: {  	v2 =	vld [tilespmem:s5+$0x820]  }
0x273: {  	[tilespmem:s19+$0x40B0] =	vst.add.f32.msk $0xffff, v3  }
0x274: {  	v3 =	vld [tilespmem:s5+$0x1240]  }
0x275: {  	[tilespmem:s31+$0x4090] =	vst.add.f32.msk $0xffff, v1  }
0x276: {  	v1 =	vld [tilespmem:s5+$0x1020]  }
0x277: {  	[tilespmem:s7+$0x40A0] =	vst.add.f32.msk $0xffff, v2  }
0x278: {  	v2 =	vld [tilespmem:s5+$0x830]  }
0x279: {  	[tilespmem:s19+$0x40C0] =	vst.add.f32.msk $0xffff, v3  }
0x27a: {  	v3 =	vld [tilespmem:s5+$0x1250]  }
0x27b: {  	[tilespmem:s31+$0x40A0] =	vst.add.f32.msk $0xffff, v1  }
0x27c: {  	v1 =	vld [tilespmem:s5+$0x1030]  }
0x27d: {  	[tilespmem:s7+$0x40B0] =	vst.add.f32.msk $0xffff, v2  }
0x27e: {  	v2 =	vld [tilespmem:s5+$0x840]  }
0x27f: {  	[tilespmem:s19+$0x40D0] =	vst.add.f32.msk $0xffff, v3  }
0x280: {  	v3 =	vld [tilespmem:s5+$0x1260]  }
0x281: {  	[tilespmem:s31+$0x40B0] =	vst.add.f32.msk $0xffff, v1  }
0x282: {  	(v2sf) =	vpush v57, $0x4;
	v1 =	vld [tilespmem:s5+$0x1040]  }
0x283: {  	[tilespmem:s7+$0x40C0] =	vst.add.f32.msk $0xffff, v2  }
0x284: {  	v2 =	vld [tilespmem:s5+$0x850]  }
0x285: {  	[tilespmem:s19+$0x40E0] =	vst.add.f32.msk $0xffff, v3  }
0x286: {  	v3 =	vld [tilespmem:s5+$0x1270]  }
0x287: {  	[tilespmem:s31+$0x40C0] =	vst.add.f32.msk $0xffff, v1  }
0x288: {  	v1 =	vld [tilespmem:s5+$0x1050]  }
0x289: {  	[tilespmem:s7+$0x40D0] =	vst.add.f32.msk $0xffff, v2  }
0x28a: {  	v2 =	vld [tilespmem:s5+$0x860]  }
0x28b: {  	[tilespmem:s19+$0x40F0] =	vst.add.f32.msk $0xffff, v3  }
0x28c: {  	v3 =	vld [tilespmem:s5+$0x1280]  }
0x28d: {  	[tilespmem:s31+$0x40D0] =	vst.add.f32.msk $0xffff, v1  }
0x28e: {  	v1 =	vld [tilespmem:s5+$0x1060];
	_ =	sdelay $0x1  }
0x28f: {  	[tilespmem:s7+$0x40E0] =	vst.add.f32.msk $0xffff, v2  }
0x290: {  	v2 =	vld [tilespmem:s5+$0x870];
	s20 =	spop (v2sf)  }
0x291: {  	[tilespmem:s20+$0x4080] =	vst.add.f32.msk $0xffff, v3  }
0x292: {  	[tilespmem:s31+$0x40E0] =	vst.add.f32.msk $0xffff, v1  }
0x293: {  	v1 =	vld [tilespmem:s5+$0x1070]  }
0x294: {  	v3 =	vld [tilespmem:s5+$0x1290];
	_ =	sdelay $0x2  }
0x295: {  	[tilespmem:s7+$0x40F0] =	vst.add.f32.msk $0xffff, v2  }
0x296: {  	[tilespmem:s31+$0x40F0] =	vst.add.f32.msk $0xffff, v1  }
0x297: {  	[tilespmem:s20+$0x4090] =	vst.add.f32.msk $0xffff, v3  }
0x298: {  	(v2sf) =	vpush v57, $0x5  }
0x299: {  	(v2sf) =	vpush v57, $0x6  }
0x29a: {  	(v2sf) =	vpush v57, $0x7  }
0x29b: {  	s6 =	sor.u32 $0x30, s6;
	(v2sf) =	vpush v57, $0x8  }
0x29c: {  	v59 =	vld [tilespmem:s6+$0x0];
	(v2sf) =	vpush v57, $0x9  }
0x29d: {  	(v2sf) =	vpush v57, $0xA  }
0x29e: {  	(v2sf) =	vpush v57, $0xB  }
0x29f: {  	(v2sf) =	vpush v57, $0xC  }
0x2a0: {  	(v2sf) =	vpush v57, $0xD  }
0x2a1: {  	v1 =	vshll.u32 v59, $0x9;
	(v2sf) =	vpush v57, $0xE  }
0x2a2: {  	v60 =	vshra.s32 v1, $0x2;
	(v2sf) =	vpush v57, $0xF  }
0x2a3: {  	(v2sf) =	vpush v60, $0x0;
	_ =	sdelay $0x3  }
0x2a4: {  	s21 =	spop (v2sf)  }
0x2a5: {  	s22 =	spop (v2sf)  }
0x2a6: {  	s23 =	spop (v2sf)  }
0x2a7: {  	s24 =	spop (v2sf)  }
0x2a8: {  	s25 =	spop (v2sf)  }
0x2a9: {  	s6 =	sshll.u32 s6, $0x7;
	s26 =	spop (v2sf)  }
0x2aa: {  	s28 =	sand.u32 $0x3FFFF800, s6;
	s10 =	spop (v2sf)  }
0x2ab: {  	v61 =	vld [tilespmem:s28+$0x80];
	s9 =	spop (v2sf)  }
0x2ac: {  	s8 =	spop (v2sf)  }
0x2ad: {  	s7 =	spop (v2sf)  }
0x2ae: {  	s6 =	spop (v2sf)  }
0x2af: {  	s19 =	spop (v2sf)  }
0x2b0: {  	[tilespmem:s19+$0x4080] =	vst.add.f32.msk $0xffff, v61  }
0x2b1: {  	v1 =	vld [tilespmem:s28+$0x90];
	_ =	sdelay $0x4  }
0x2b2: {  	[tilespmem:s19+$0x4090] =	vst.add.f32.msk $0xffff, v1  }
0x2b3: {  	v1 =	vld [tilespmem:s28+$0xA0];
	_ =	sdelay $0x4  }
0x2b4: {  	[tilespmem:s19+$0x40A0] =	vst.add.f32.msk $0xffff, v1  }
0x2b5: {  	v1 =	vld [tilespmem:s28+$0xB0];
	_ =	sdelay $0x4  }
0x2b6: {  	[tilespmem:s19+$0x40B0] =	vst.add.f32.msk $0xffff, v1  }
0x2b7: {  	v1 =	vld [tilespmem:s28+$0xC0];
	_ =	sdelay $0x4  }
0x2b8: {  	[tilespmem:s19+$0x40C0] =	vst.add.f32.msk $0xffff, v1  }
0x2b9: {  	v1 =	vld [tilespmem:s28+$0xD0];
	_ =	sdelay $0x4  }
0x2ba: {  	[tilespmem:s19+$0x40D0] =	vst.add.f32.msk $0xffff, v1  }
0x2bb: {  	v1 =	vld [tilespmem:s28+$0xE0]  }
0x2bc: {  	(v2sf) =	vpush v60, $0x1;
	_ =	sdelay $0x3  }
0x2bd: {  	[tilespmem:s19+$0x40E0] =	vst.add.f32.msk $0xffff, v1  }
0x2be: {  	v1 =	vld [tilespmem:s28+$0xF0];
	_ =	sdelay $0x4  }
0x2bf: {  	[tilespmem:s19+$0x40F0] =	vst.add.f32.msk $0xffff, v1  }
0x2c0: {  	v1 =	vld [tilespmem:s5+$0x1900];
	_ =	sdelay $0x3  }
0x2c1: {  	s29 =	spop (v2sf)  }
0x2c2: {  	[tilespmem:s29+$0x4080] =	vst.add.f32.msk $0xffff, v1  }
0x2c3: {  	v1 =	vld [tilespmem:s5+$0x1910];
	_ =	sdelay $0x4  }
0x2c4: {  	[tilespmem:s29+$0x4090] =	vst.add.f32.msk $0xffff, v1  }
0x2c5: {  	v1 =	vld [tilespmem:s5+$0x1920];
	_ =	sdelay $0x4  }
0x2c6: {  	[tilespmem:s29+$0x40A0] =	vst.add.f32.msk $0xffff, v1  }
0x2c7: {  	v1 =	vld [tilespmem:s5+$0x1930];
	_ =	sdelay $0x4  }
0x2c8: {  	[tilespmem:s29+$0x40B0] =	vst.add.f32.msk $0xffff, v1  }
0x2c9: {  	v1 =	vld [tilespmem:s5+$0x1940];
	_ =	sdelay $0x4  }
0x2ca: {  	[tilespmem:s29+$0x40C0] =	vst.add.f32.msk $0xffff, v1  }
0x2cb: {  	v1 =	vld [tilespmem:s5+$0x1950];
	_ =	sdelay $0x4  }
0x2cc: {  	[tilespmem:s29+$0x40D0] =	vst.add.f32.msk $0xffff, v1  }
0x2cd: {  	v1 =	vld [tilespmem:s5+$0x1960]  }
0x2ce: {  	(v2sf) =	vpush v60, $0x2;
	_ =	sdelay $0x3  }
0x2cf: {  	[tilespmem:s29+$0x40E0] =	vst.add.f32.msk $0xffff, v1  }
0x2d0: {  	v1 =	vld [tilespmem:s5+$0x1970];
	_ =	sdelay $0x4  }
0x2d1: {  	[tilespmem:s29+$0x40F0] =	vst.add.f32.msk $0xffff, v1  }
0x2d2: {  	v1 =	vld [tilespmem:s5+$0x1980];
	_ =	sdelay $0x3  }
0x2d3: {  	s30 =	spop (v2sf)  }
0x2d4: {  	[tilespmem:s30+$0x4080] =	vst.add.f32.msk $0xffff, v1  }
0x2d5: {  	v1 =	vld [tilespmem:s5+$0x1990];
	_ =	sdelay $0x4  }
0x2d6: {  	[tilespmem:s30+$0x4090] =	vst.add.f32.msk $0xffff, v1  }
0x2d7: {  	v1 =	vld [tilespmem:s5+$0x19A0];
	_ =	sdelay $0x4  }
0x2d8: {  	[tilespmem:s30+$0x40A0] =	vst.add.f32.msk $0xffff, v1  }
0x2d9: {  	v1 =	vld [tilespmem:s5+$0x19B0];
	_ =	sdelay $0x4  }
0x2da: {  	[tilespmem:s30+$0x40B0] =	vst.add.f32.msk $0xffff, v1  }
0x2db: {  	v1 =	vld [tilespmem:s5+$0x19C0];
	_ =	sdelay $0x4  }
0x2dc: {  	[tilespmem:s30+$0x40C0] =	vst.add.f32.msk $0xffff, v1  }
0x2dd: {  	v1 =	vld [tilespmem:s5+$0x19D0];
	_ =	sdelay $0x4  }
0x2de: {  	[tilespmem:s30+$0x40D0] =	vst.add.f32.msk $0xffff, v1  }
0x2df: {  	v1 =	vld [tilespmem:s5+$0x19E0]  }
0x2e0: {  	(v2sf) =	vpush v60, $0x3;
	_ =	sdelay $0x3  }
0x2e1: {  	[tilespmem:s30+$0x40E0] =	vst.add.f32.msk $0xffff, v1  }
0x2e2: {  	v1 =	vld [tilespmem:s5+$0x19F0];
	_ =	sdelay $0x4  }
0x2e3: {  	[tilespmem:s30+$0x40F0] =	vst.add.f32.msk $0xffff, v1  }
0x2e4: {  	v1 =	vld [tilespmem:s5+$0x1A00];
	_ =	sdelay $0x3  }
0x2e5: {  	s31 =	spop (v2sf)  }
0x2e6: {  	[tilespmem:s31+$0x4080] =	vst.add.f32.msk $0xffff, v1  }
0x2e7: {  	v1 =	vld [tilespmem:s5+$0x1A10];
	_ =	sdelay $0x4  }
0x2e8: {  	[tilespmem:s31+$0x4090] =	vst.add.f32.msk $0xffff, v1  }
0x2e9: {  	v1 =	vld [tilespmem:s5+$0x1A20];
	_ =	sdelay $0x4  }
0x2ea: {  	[tilespmem:s31+$0x40A0] =	vst.add.f32.msk $0xffff, v1  }
0x2eb: {  	v1 =	vld [tilespmem:s5+$0x1A30];
	_ =	sdelay $0x4  }
0x2ec: {  	[tilespmem:s31+$0x40B0] =	vst.add.f32.msk $0xffff, v1  }
0x2ed: {  	v1 =	vld [tilespmem:s5+$0x1A40];
	_ =	sdelay $0x4  }
0x2ee: {  	[tilespmem:s31+$0x40C0] =	vst.add.f32.msk $0xffff, v1  }
0x2ef: {  	v1 =	vld [tilespmem:s5+$0x1A50];
	_ =	sdelay $0x4  }
0x2f0: {  	[tilespmem:s31+$0x40D0] =	vst.add.f32.msk $0xffff, v1  }
0x2f1: {  	v1 =	vld [tilespmem:s5+$0x1A60]  }
0x2f2: {  	(v2sf) =	vpush v60, $0x4;
	_ =	sdelay $0x3  }
0x2f3: {  	[tilespmem:s31+$0x40E0] =	vst.add.f32.msk $0xffff, v1  }
0x2f4: {  	v1 =	vld [tilespmem:s5+$0x1A70];
	_ =	sdelay $0x4  }
0x2f5: {  	[tilespmem:s31+$0x40F0] =	vst.add.f32.msk $0xffff, v1  }
0x2f6: {  	v1 =	vld [tilespmem:s5+$0x1A80];
	_ =	sdelay $0x3  }
0x2f7: {  	s19 =	spop (v2sf)  }
0x2f8: {  	[tilespmem:s19+$0x4080] =	vst.add.f32.msk $0xffff, v1  }
0x2f9: {  	v1 =	vld [tilespmem:s5+$0x1A90];
	_ =	sdelay $0x3  }
0x2fa: {  	v62 =	vld [tilespmem:s5+$0x12A0]  }
0x2fb: {  	[tilespmem:s19+$0x4090] =	vst.add.f32.msk $0xffff, v1  }
0x2fc: {  	v1 =	vld [tilespmem:s5+$0x1AA0];
	_ =	sdelay $0x2  }
0x2fd: {  	[tilespmem:s20+$0x40A0] =	vst.add.f32.msk $0xffff, v62  }
0x2fe: {  	v2 =	vld [tilespmem:s5+$0x12B0]  }
0x2ff: {  	[tilespmem:s19+$0x40A0] =	vst.add.f32.msk $0xffff, v1  }
0x300: {  	v1 =	vld [tilespmem:s5+$0x1AB0];
	_ =	sdelay $0x2  }
0x301: {  	[tilespmem:s20+$0x40B0] =	vst.add.f32.msk $0xffff, v2  }
0x302: {  	v2 =	vld [tilespmem:s5+$0x12C0]  }
0x303: {  	[tilespmem:s19+$0x40B0] =	vst.add.f32.msk $0xffff, v1  }
0x304: {  	v1 =	vld [tilespmem:s5+$0x1AC0];
	_ =	sdelay $0x2  }
0x305: {  	[tilespmem:s20+$0x40C0] =	vst.add.f32.msk $0xffff, v2  }
0x306: {  	v2 =	vld [tilespmem:s5+$0x12D0]  }
0x307: {  	[tilespmem:s19+$0x40C0] =	vst.add.f32.msk $0xffff, v1  }
0x308: {  	v1 =	vld [tilespmem:s5+$0x1AD0];
	_ =	sdelay $0x2  }
0x309: {  	[tilespmem:s20+$0x40D0] =	vst.add.f32.msk $0xffff, v2  }
0x30a: {  	v2 =	vld [tilespmem:s5+$0x12E0]  }
0x30b: {  	[tilespmem:s19+$0x40D0] =	vst.add.f32.msk $0xffff, v1  }
0x30c: {  	v1 =	vld [tilespmem:s5+$0x1AE0]  }
0x30d: {  	(v2sf) =	vpush v60, $0x5;
	_ =	sdelay $0x1  }
0x30e: {  	[tilespmem:s20+$0x40E0] =	vst.add.f32.msk $0xffff, v2  }
0x30f: {  	v2 =	vld [tilespmem:s5+$0x12F0]  }
0x310: {  	[tilespmem:s19+$0x40E0] =	vst.add.f32.msk $0xffff, v1  }
0x311: {  	v1 =	vld [tilespmem:s5+$0x1AF0];
	_ =	sdelay $0x2  }
0x312: {  	[tilespmem:s20+$0x40F0] =	vst.add.f32.msk $0xffff, v2  }
0x313: {  	v2 =	vld [tilespmem:s5+$0x1300]  }
0x314: {  	[tilespmem:s19+$0x40F0] =	vst.add.f32.msk $0xffff, v1  }
0x315: {  	v1 =	vld [tilespmem:s5+$0x1B00];
	_ =	sdelay $0x2  }
0x316: {  	[tilespmem:s21+$0x4080] =	vst.add.f32.msk $0xffff, v2  }
0x317: {  	v2 =	vld [tilespmem:s5+$0x1310];
	s20 =	spop (v2sf)  }
0x318: {  	[tilespmem:s20+$0x4080] =	vst.add.f32.msk $0xffff, v1  }
0x319: {  	v1 =	vld [tilespmem:s5+$0x1B10];
	_ =	sdelay $0x2  }
0x31a: {  	[tilespmem:s21+$0x4090] =	vst.add.f32.msk $0xffff, v2  }
0x31b: {  	v2 =	vld [tilespmem:s5+$0x1320]  }
0x31c: {  	[tilespmem:s20+$0x4090] =	vst.add.f32.msk $0xffff, v1  }
0x31d: {  	v1 =	vld [tilespmem:s5+$0x1B20];
	_ =	sdelay $0x2  }
0x31e: {  	[tilespmem:s21+$0x40A0] =	vst.add.f32.msk $0xffff, v2  }
0x31f: {  	v2 =	vld [tilespmem:s5+$0x1330]  }
0x320: {  	[tilespmem:s20+$0x40A0] =	vst.add.f32.msk $0xffff, v1  }
0x321: {  	v1 =	vld [tilespmem:s5+$0x1B30];
	_ =	sdelay $0x2  }
0x322: {  	[tilespmem:s21+$0x40B0] =	vst.add.f32.msk $0xffff, v2  }
0x323: {  	v2 =	vld [tilespmem:s5+$0x1340]  }
0x324: {  	[tilespmem:s20+$0x40B0] =	vst.add.f32.msk $0xffff, v1  }
0x325: {  	v1 =	vld [tilespmem:s5+$0x1B40];
	_ =	sdelay $0x2  }
0x326: {  	[tilespmem:s21+$0x40C0] =	vst.add.f32.msk $0xffff, v2  }
0x327: {  	v2 =	vld [tilespmem:s5+$0x1350]  }
0x328: {  	[tilespmem:s20+$0x40C0] =	vst.add.f32.msk $0xffff, v1  }
0x329: {  	v1 =	vld [tilespmem:s5+$0x1B50];
	_ =	sdelay $0x2  }
0x32a: {  	[tilespmem:s21+$0x40D0] =	vst.add.f32.msk $0xffff, v2  }
0x32b: {  	v2 =	vld [tilespmem:s5+$0x1360]  }
0x32c: {  	[tilespmem:s20+$0x40D0] =	vst.add.f32.msk $0xffff, v1  }
0x32d: {  	v1 =	vld [tilespmem:s5+$0x1B60]  }
0x32e: {  	(v2sf) =	vpush v60, $0x6;
	_ =	sdelay $0x1  }
0x32f: {  	[tilespmem:s21+$0x40E0] =	vst.add.f32.msk $0xffff, v2  }
0x330: {  	v2 =	vld [tilespmem:s5+$0x1370]  }
0x331: {  	[tilespmem:s20+$0x40E0] =	vst.add.f32.msk $0xffff, v1  }
0x332: {  	v1 =	vld [tilespmem:s5+$0x1B70];
	_ =	sdelay $0x2  }
0x333: {  	[tilespmem:s21+$0x40F0] =	vst.add.f32.msk $0xffff, v2  }
0x334: {  	v2 =	vld [tilespmem:s5+$0x1380]  }
0x335: {  	[tilespmem:s20+$0x40F0] =	vst.add.f32.msk $0xffff, v1  }
0x336: {  	v1 =	vld [tilespmem:s5+$0x1B80];
	_ =	sdelay $0x2  }
0x337: {  	[tilespmem:s22+$0x4080] =	vst.add.f32.msk $0xffff, v2  }
0x338: {  	v2 =	vld [tilespmem:s5+$0x1390];
	s21 =	spop (v2sf)  }
0x339: {  	[tilespmem:s21+$0x4080] =	vst.add.f32.msk $0xffff, v1  }
0x33a: {  	v1 =	vld [tilespmem:s5+$0x1B90];
	_ =	sdelay $0x2  }
0x33b: {  	[tilespmem:s22+$0x4090] =	vst.add.f32.msk $0xffff, v2  }
0x33c: {  	v2 =	vld [tilespmem:s5+$0x13A0]  }
0x33d: {  	[tilespmem:s21+$0x4090] =	vst.add.f32.msk $0xffff, v1  }
0x33e: {  	v1 =	vld [tilespmem:s5+$0x1BA0];
	_ =	sdelay $0x2  }
0x33f: {  	[tilespmem:s22+$0x40A0] =	vst.add.f32.msk $0xffff, v2  }
0x340: {  	v2 =	vld [tilespmem:s5+$0x13B0]  }
0x341: {  	[tilespmem:s21+$0x40A0] =	vst.add.f32.msk $0xffff, v1  }
0x342: {  	v1 =	vld [tilespmem:s5+$0x1BB0];
	_ =	sdelay $0x2  }
0x343: {  	[tilespmem:s22+$0x40B0] =	vst.add.f32.msk $0xffff, v2  }
0x344: {  	v2 =	vld [tilespmem:s5+$0x13C0]  }
0x345: {  	[tilespmem:s21+$0x40B0] =	vst.add.f32.msk $0xffff, v1  }
0x346: {  	v1 =	vld [tilespmem:s5+$0x1BC0];
	_ =	sdelay $0x2  }
0x347: {  	[tilespmem:s22+$0x40C0] =	vst.add.f32.msk $0xffff, v2  }
0x348: {  	v2 =	vld [tilespmem:s5+$0x13D0]  }
0x349: {  	[tilespmem:s21+$0x40C0] =	vst.add.f32.msk $0xffff, v1  }
0x34a: {  	v1 =	vld [tilespmem:s5+$0x1BD0];
	_ =	sdelay $0x2  }
0x34b: {  	[tilespmem:s22+$0x40D0] =	vst.add.f32.msk $0xffff, v2  }
0x34c: {  	v2 =	vld [tilespmem:s5+$0x13E0]  }
0x34d: {  	[tilespmem:s21+$0x40D0] =	vst.add.f32.msk $0xffff, v1  }
0x34e: {  	v1 =	vld [tilespmem:s5+$0x1BE0]  }
0x34f: {  	(v2sf) =	vpush v60, $0x7;
	_ =	sdelay $0x1  }
0x350: {  	[tilespmem:s22+$0x40E0] =	vst.add.f32.msk $0xffff, v2  }
0x351: {  	v2 =	vld [tilespmem:s5+$0x13F0]  }
0x352: {  	[tilespmem:s21+$0x40E0] =	vst.add.f32.msk $0xffff, v1  }
0x353: {  	v1 =	vld [tilespmem:s5+$0x1BF0];
	_ =	sdelay $0x2  }
0x354: {  	[tilespmem:s22+$0x40F0] =	vst.add.f32.msk $0xffff, v2  }
0x355: {  	v2 =	vld [tilespmem:s5+$0x1400]  }
0x356: {  	[tilespmem:s21+$0x40F0] =	vst.add.f32.msk $0xffff, v1  }
0x357: {  	v1 =	vld [tilespmem:s5+$0x1C00];
	_ =	sdelay $0x2  }
0x358: {  	[tilespmem:s23+$0x4080] =	vst.add.f32.msk $0xffff, v2  }
0x359: {  	s22 =	spop (v2sf);
	v2 =	vld [tilespmem:s5+$0x1410]  }
0x35a: {  	[tilespmem:s22+$0x4080] =	vst.add.f32.msk $0xffff, v1  }
0x35b: {  	v1 =	vld [tilespmem:s5+$0x1C10];
	_ =	sdelay $0x2  }
0x35c: {  	[tilespmem:s23+$0x4090] =	vst.add.f32.msk $0xffff, v2  }
0x35d: {  	v2 =	vld [tilespmem:s5+$0x1420]  }
0x35e: {  	[tilespmem:s22+$0x4090] =	vst.add.f32.msk $0xffff, v1  }
0x35f: {  	v1 =	vld [tilespmem:s5+$0x1C20];
	_ =	sdelay $0x2  }
0x360: {  	[tilespmem:s23+$0x40A0] =	vst.add.f32.msk $0xffff, v2  }
0x361: {  	v2 =	vld [tilespmem:s5+$0x1430]  }
0x362: {  	[tilespmem:s22+$0x40A0] =	vst.add.f32.msk $0xffff, v1  }
0x363: {  	v1 =	vld [tilespmem:s5+$0x1C30];
	_ =	sdelay $0x2  }
0x364: {  	[tilespmem:s23+$0x40B0] =	vst.add.f32.msk $0xffff, v2  }
0x365: {  	v2 =	vld [tilespmem:s5+$0x1440]  }
0x366: {  	[tilespmem:s22+$0x40B0] =	vst.add.f32.msk $0xffff, v1  }
0x367: {  	v1 =	vld [tilespmem:s5+$0x1C40];
	_ =	sdelay $0x2  }
0x368: {  	[tilespmem:s23+$0x40C0] =	vst.add.f32.msk $0xffff, v2  }
0x369: {  	v2 =	vld [tilespmem:s5+$0x1450]  }
0x36a: {  	[tilespmem:s22+$0x40C0] =	vst.add.f32.msk $0xffff, v1  }
0x36b: {  	v1 =	vld [tilespmem:s5+$0x1C50];
	_ =	sdelay $0x2  }
0x36c: {  	[tilespmem:s23+$0x40D0] =	vst.add.f32.msk $0xffff, v2  }
0x36d: {  	v2 =	vld [tilespmem:s5+$0x1460]  }
0x36e: {  	[tilespmem:s22+$0x40D0] =	vst.add.f32.msk $0xffff, v1  }
0x36f: {  	v1 =	vld [tilespmem:s5+$0x1C60]  }
0x370: {  	(v2sf) =	vpush v60, $0x8;
	_ =	sdelay $0x1  }
0x371: {  	[tilespmem:s23+$0x40E0] =	vst.add.f32.msk $0xffff, v2  }
0x372: {  	v2 =	vld [tilespmem:s5+$0x1470]  }
0x373: {  	[tilespmem:s22+$0x40E0] =	vst.add.f32.msk $0xffff, v1  }
0x374: {  	v1 =	vld [tilespmem:s5+$0x1C70];
	_ =	sdelay $0x2  }
0x375: {  	[tilespmem:s23+$0x40F0] =	vst.add.f32.msk $0xffff, v2  }
0x376: {  	v2 =	vld [tilespmem:s5+$0x1480]  }
0x377: {  	[tilespmem:s22+$0x40F0] =	vst.add.f32.msk $0xffff, v1  }
0x378: {  	v1 =	vld [tilespmem:s5+$0x1C80];
	_ =	sdelay $0x2  }
0x379: {  	[tilespmem:s24+$0x4080] =	vst.add.f32.msk $0xffff, v2  }
0x37a: {  	s23 =	spop (v2sf);
	v2 =	vld [tilespmem:s5+$0x1490]  }
0x37b: {  	[tilespmem:s23+$0x4080] =	vst.add.f32.msk $0xffff, v1  }
0x37c: {  	v1 =	vld [tilespmem:s5+$0x1C90];
	_ =	sdelay $0x2  }
0x37d: {  	[tilespmem:s24+$0x4090] =	vst.add.f32.msk $0xffff, v2  }
0x37e: {  	v2 =	vld [tilespmem:s5+$0x14A0]  }
0x37f: {  	[tilespmem:s23+$0x4090] =	vst.add.f32.msk $0xffff, v1  }
0x380: {  	v1 =	vld [tilespmem:s5+$0x1CA0];
	_ =	sdelay $0x2  }
0x381: {  	[tilespmem:s24+$0x40A0] =	vst.add.f32.msk $0xffff, v2  }
0x382: {  	v2 =	vld [tilespmem:s5+$0x14B0]  }
0x383: {  	[tilespmem:s23+$0x40A0] =	vst.add.f32.msk $0xffff, v1  }
0x384: {  	v1 =	vld [tilespmem:s5+$0x1CB0];
	_ =	sdelay $0x2  }
0x385: {  	[tilespmem:s24+$0x40B0] =	vst.add.f32.msk $0xffff, v2  }
0x386: {  	v2 =	vld [tilespmem:s5+$0x14C0]  }
0x387: {  	[tilespmem:s23+$0x40B0] =	vst.add.f32.msk $0xffff, v1  }
0x388: {  	v1 =	vld [tilespmem:s5+$0x1CC0];
	_ =	sdelay $0x2  }
0x389: {  	[tilespmem:s24+$0x40C0] =	vst.add.f32.msk $0xffff, v2  }
0x38a: {  	v2 =	vld [tilespmem:s5+$0x14D0]  }
0x38b: {  	[tilespmem:s23+$0x40C0] =	vst.add.f32.msk $0xffff, v1  }
0x38c: {  	v1 =	vld [tilespmem:s5+$0x1CD0];
	_ =	sdelay $0x2  }
0x38d: {  	[tilespmem:s24+$0x40D0] =	vst.add.f32.msk $0xffff, v2  }
0x38e: {  	v2 =	vld [tilespmem:s5+$0x14E0]  }
0x38f: {  	[tilespmem:s23+$0x40D0] =	vst.add.f32.msk $0xffff, v1  }
0x390: {  	v1 =	vld [tilespmem:s5+$0x1CE0]  }
0x391: {  	(v2sf) =	vpush v60, $0x9;
	_ =	sdelay $0x1  }
0x392: {  	[tilespmem:s24+$0x40E0] =	vst.add.f32.msk $0xffff, v2  }
0x393: {  	v2 =	vld [tilespmem:s5+$0x14F0]  }
0x394: {  	[tilespmem:s23+$0x40E0] =	vst.add.f32.msk $0xffff, v1  }
0x395: {  	v1 =	vld [tilespmem:s5+$0x1CF0];
	_ =	sdelay $0x2  }
0x396: {  	[tilespmem:s24+$0x40F0] =	vst.add.f32.msk $0xffff, v2  }
0x397: {  	v2 =	vld [tilespmem:s5+$0x1500]  }
0x398: {  	[tilespmem:s23+$0x40F0] =	vst.add.f32.msk $0xffff, v1  }
0x399: {  	v1 =	vld [tilespmem:s5+$0x1D00];
	_ =	sdelay $0x2  }
0x39a: {  	[tilespmem:s25+$0x4080] =	vst.add.f32.msk $0xffff, v2  }
0x39b: {  	s24 =	spop (v2sf);
	v2 =	vld [tilespmem:s5+$0x1510]  }
0x39c: {  	[tilespmem:s24+$0x4080] =	vst.add.f32.msk $0xffff, v1  }
0x39d: {  	v1 =	vld [tilespmem:s5+$0x1D10];
	_ =	sdelay $0x2  }
0x39e: {  	[tilespmem:s25+$0x4090] =	vst.add.f32.msk $0xffff, v2  }
0x39f: {  	v2 =	vld [tilespmem:s5+$0x1520]  }
0x3a0: {  	[tilespmem:s24+$0x4090] =	vst.add.f32.msk $0xffff, v1  }
0x3a1: {  	v1 =	vld [tilespmem:s5+$0x1D20];
	_ =	sdelay $0x2  }
0x3a2: {  	[tilespmem:s25+$0x40A0] =	vst.add.f32.msk $0xffff, v2  }
0x3a3: {  	v2 =	vld [tilespmem:s5+$0x1530]  }
0x3a4: {  	[tilespmem:s24+$0x40A0] =	vst.add.f32.msk $0xffff, v1  }
0x3a5: {  	v1 =	vld [tilespmem:s5+$0x1D30];
	_ =	sdelay $0x2  }
0x3a6: {  	[tilespmem:s25+$0x40B0] =	vst.add.f32.msk $0xffff, v2  }
0x3a7: {  	v2 =	vld [tilespmem:s5+$0x1540]  }
0x3a8: {  	[tilespmem:s24+$0x40B0] =	vst.add.f32.msk $0xffff, v1  }
0x3a9: {  	v1 =	vld [tilespmem:s5+$0x1D40];
	_ =	sdelay $0x2  }
0x3aa: {  	[tilespmem:s25+$0x40C0] =	vst.add.f32.msk $0xffff, v2  }
0x3ab: {  	v2 =	vld [tilespmem:s5+$0x1550]  }
0x3ac: {  	[tilespmem:s24+$0x40C0] =	vst.add.f32.msk $0xffff, v1  }
0x3ad: {  	v1 =	vld [tilespmem:s5+$0x1D50];
	_ =	sdelay $0x2  }
0x3ae: {  	[tilespmem:s25+$0x40D0] =	vst.add.f32.msk $0xffff, v2  }
0x3af: {  	v2 =	vld [tilespmem:s5+$0x1560]  }
0x3b0: {  	[tilespmem:s24+$0x40D0] =	vst.add.f32.msk $0xffff, v1  }
0x3b1: {  	v1 =	vld [tilespmem:s5+$0x1D60]  }
0x3b2: {  	(v2sf) =	vpush v60, $0xA;
	_ =	sdelay $0x1  }
0x3b3: {  	[tilespmem:s25+$0x40E0] =	vst.add.f32.msk $0xffff, v2  }
0x3b4: {  	v2 =	vld [tilespmem:s5+$0x1570]  }
0x3b5: {  	[tilespmem:s24+$0x40E0] =	vst.add.f32.msk $0xffff, v1  }
0x3b6: {  	v1 =	vld [tilespmem:s5+$0x1D70];
	_ =	sdelay $0x2  }
0x3b7: {  	[tilespmem:s25+$0x40F0] =	vst.add.f32.msk $0xffff, v2  }
0x3b8: {  	v2 =	vld [tilespmem:s5+$0x1580]  }
0x3b9: {  	[tilespmem:s24+$0x40F0] =	vst.add.f32.msk $0xffff, v1  }
0x3ba: {  	v1 =	vld [tilespmem:s5+$0x1D80];
	_ =	sdelay $0x2  }
0x3bb: {  	[tilespmem:s26+$0x4080] =	vst.add.f32.msk $0xffff, v2  }
0x3bc: {  	s25 =	spop (v2sf);
	v2 =	vld [tilespmem:s5+$0x1590]  }
0x3bd: {  	[tilespmem:s25+$0x4080] =	vst.add.f32.msk $0xffff, v1  }
0x3be: {  	v1 =	vld [tilespmem:s5+$0x1D90];
	_ =	sdelay $0x2  }
0x3bf: {  	[tilespmem:s26+$0x4090] =	vst.add.f32.msk $0xffff, v2  }
0x3c0: {  	v2 =	vld [tilespmem:s5+$0x15A0]  }
0x3c1: {  	[tilespmem:s25+$0x4090] =	vst.add.f32.msk $0xffff, v1  }
0x3c2: {  	v1 =	vld [tilespmem:s5+$0x1DA0];
	_ =	sdelay $0x2  }
0x3c3: {  	[tilespmem:s26+$0x40A0] =	vst.add.f32.msk $0xffff, v2  }
0x3c4: {  	v2 =	vld [tilespmem:s5+$0x15B0]  }
0x3c5: {  	[tilespmem:s25+$0x40A0] =	vst.add.f32.msk $0xffff, v1  }
0x3c6: {  	v1 =	vld [tilespmem:s5+$0x1DB0];
	_ =	sdelay $0x2  }
0x3c7: {  	[tilespmem:s26+$0x40B0] =	vst.add.f32.msk $0xffff, v2  }
0x3c8: {  	v2 =	vld [tilespmem:s5+$0x15C0]  }
0x3c9: {  	[tilespmem:s25+$0x40B0] =	vst.add.f32.msk $0xffff, v1  }
0x3ca: {  	v1 =	vld [tilespmem:s5+$0x1DC0];
	_ =	sdelay $0x2  }
0x3cb: {  	[tilespmem:s26+$0x40C0] =	vst.add.f32.msk $0xffff, v2  }
0x3cc: {  	v2 =	vld [tilespmem:s5+$0x15D0]  }
0x3cd: {  	[tilespmem:s25+$0x40C0] =	vst.add.f32.msk $0xffff, v1  }
0x3ce: {  	v1 =	vld [tilespmem:s5+$0x1DD0];
	_ =	sdelay $0x2  }
0x3cf: {  	[tilespmem:s26+$0x40D0] =	vst.add.f32.msk $0xffff, v2  }
0x3d0: {  	v2 =	vld [tilespmem:s5+$0x15E0]  }
0x3d1: {  	[tilespmem:s25+$0x40D0] =	vst.add.f32.msk $0xffff, v1  }
0x3d2: {  	v1 =	vld [tilespmem:s5+$0x1DE0]  }
0x3d3: {  	(v2sf) =	vpush v60, $0xB;
	_ =	sdelay $0x1  }
0x3d4: {  	[tilespmem:s26+$0x40E0] =	vst.add.f32.msk $0xffff, v2  }
0x3d5: {  	v2 =	vld [tilespmem:s5+$0x15F0]  }
0x3d6: {  	[tilespmem:s25+$0x40E0] =	vst.add.f32.msk $0xffff, v1  }
0x3d7: {  	v1 =	vld [tilespmem:s5+$0x1DF0];
	_ =	sdelay $0x2  }
0x3d8: {  	[tilespmem:s26+$0x40F0] =	vst.add.f32.msk $0xffff, v2  }
0x3d9: {  	v2 =	vld [tilespmem:s5+$0x1600]  }
0x3da: {  	[tilespmem:s25+$0x40F0] =	vst.add.f32.msk $0xffff, v1  }
0x3db: {  	v1 =	vld [tilespmem:s5+$0x1E00];
	_ =	sdelay $0x2  }
0x3dc: {  	[tilespmem:s10+$0x4080] =	vst.add.f32.msk $0xffff, v2  }
0x3dd: {  	s26 =	spop (v2sf);
	v2 =	vld [tilespmem:s5+$0x1610]  }
0x3de: {  	[tilespmem:s26+$0x4080] =	vst.add.f32.msk $0xffff, v1  }
0x3df: {  	v1 =	vld [tilespmem:s5+$0x1E10];
	_ =	sdelay $0x2  }
0x3e0: {  	[tilespmem:s10+$0x4090] =	vst.add.f32.msk $0xffff, v2  }
0x3e1: {  	v2 =	vld [tilespmem:s5+$0x1620]  }
0x3e2: {  	[tilespmem:s26+$0x4090] =	vst.add.f32.msk $0xffff, v1  }
0x3e3: {  	v1 =	vld [tilespmem:s5+$0x1E20];
	_ =	sdelay $0x2  }
0x3e4: {  	[tilespmem:s10+$0x40A0] =	vst.add.f32.msk $0xffff, v2  }
0x3e5: {  	v2 =	vld [tilespmem:s5+$0x1630]  }
0x3e6: {  	[tilespmem:s26+$0x40A0] =	vst.add.f32.msk $0xffff, v1  }
0x3e7: {  	v1 =	vld [tilespmem:s5+$0x1E30];
	_ =	sdelay $0x2  }
0x3e8: {  	[tilespmem:s10+$0x40B0] =	vst.add.f32.msk $0xffff, v2  }
0x3e9: {  	v2 =	vld [tilespmem:s5+$0x1640]  }
0x3ea: {  	[tilespmem:s26+$0x40B0] =	vst.add.f32.msk $0xffff, v1  }
0x3eb: {  	v1 =	vld [tilespmem:s5+$0x1E40];
	_ =	sdelay $0x2  }
0x3ec: {  	[tilespmem:s10+$0x40C0] =	vst.add.f32.msk $0xffff, v2  }
0x3ed: {  	v2 =	vld [tilespmem:s5+$0x1650]  }
0x3ee: {  	[tilespmem:s26+$0x40C0] =	vst.add.f32.msk $0xffff, v1  }
0x3ef: {  	v1 =	vld [tilespmem:s5+$0x1E50];
	_ =	sdelay $0x2  }
0x3f0: {  	[tilespmem:s10+$0x40D0] =	vst.add.f32.msk $0xffff, v2  }
0x3f1: {  	v2 =	vld [tilespmem:s5+$0x1660]  }
0x3f2: {  	[tilespmem:s26+$0x40D0] =	vst.add.f32.msk $0xffff, v1  }
0x3f3: {  	v1 =	vld [tilespmem:s5+$0x1E60]  }
0x3f4: {  	(v2sf) =	vpush v60, $0xC;
	_ =	sdelay $0x1  }
0x3f5: {  	[tilespmem:s10+$0x40E0] =	vst.add.f32.msk $0xffff, v2  }
0x3f6: {  	v2 =	vld [tilespmem:s5+$0x1670]  }
0x3f7: {  	[tilespmem:s26+$0x40E0] =	vst.add.f32.msk $0xffff, v1  }
0x3f8: {  	v1 =	vld [tilespmem:s5+$0x1E70];
	_ =	sdelay $0x2  }
0x3f9: {  	[tilespmem:s10+$0x40F0] =	vst.add.f32.msk $0xffff, v2  }
0x3fa: {  	v2 =	vld [tilespmem:s5+$0x1680]  }
0x3fb: {  	[tilespmem:s26+$0x40F0] =	vst.add.f32.msk $0xffff, v1  }
0x3fc: {  	v1 =	vld [tilespmem:s5+$0x1E80];
	_ =	sdelay $0x2  }
0x3fd: {  	[tilespmem:s9+$0x4080] =	vst.add.f32.msk $0xffff, v2  }
0x3fe: {  	s28 =	spop (v2sf);
	v2 =	vld [tilespmem:s5+$0x1690]  }
0x3ff: {  	[tilespmem:s28+$0x4080] =	vst.add.f32.msk $0xffff, v1  }
0x400: {  	v1 =	vld [tilespmem:s5+$0x1E90];
	_ =	sdelay $0x2  }
0x401: {  	[tilespmem:s9+$0x4090] =	vst.add.f32.msk $0xffff, v2  }
0x402: {  	v2 =	vld [tilespmem:s5+$0x16A0]  }
0x403: {  	[tilespmem:s28+$0x4090] =	vst.add.f32.msk $0xffff, v1  }
0x404: {  	v1 =	vld [tilespmem:s5+$0x1EA0];
	_ =	sdelay $0x2  }
0x405: {  	[tilespmem:s9+$0x40A0] =	vst.add.f32.msk $0xffff, v2  }
0x406: {  	v2 =	vld [tilespmem:s5+$0x16B0]  }
0x407: {  	[tilespmem:s28+$0x40A0] =	vst.add.f32.msk $0xffff, v1  }
0x408: {  	v1 =	vld [tilespmem:s5+$0x1EB0];
	_ =	sdelay $0x2  }
0x409: {  	[tilespmem:s9+$0x40B0] =	vst.add.f32.msk $0xffff, v2  }
0x40a: {  	v2 =	vld [tilespmem:s5+$0x16C0]  }
0x40b: {  	[tilespmem:s28+$0x40B0] =	vst.add.f32.msk $0xffff, v1  }
0x40c: {  	v1 =	vld [tilespmem:s5+$0x1EC0];
	_ =	sdelay $0x2  }
0x40d: {  	[tilespmem:s9+$0x40C0] =	vst.add.f32.msk $0xffff, v2  }
0x40e: {  	v2 =	vld [tilespmem:s5+$0x16D0]  }
0x40f: {  	[tilespmem:s28+$0x40C0] =	vst.add.f32.msk $0xffff, v1  }
0x410: {  	v1 =	vld [tilespmem:s5+$0x1ED0];
	_ =	sdelay $0x2  }
0x411: {  	[tilespmem:s9+$0x40D0] =	vst.add.f32.msk $0xffff, v2  }
0x412: {  	v2 =	vld [tilespmem:s5+$0x16E0]  }
0x413: {  	[tilespmem:s28+$0x40D0] =	vst.add.f32.msk $0xffff, v1  }
0x414: {  	v1 =	vld [tilespmem:s5+$0x1EE0]  }
0x415: {  	(v2sf) =	vpush v60, $0xD;
	_ =	sdelay $0x1  }
0x416: {  	[tilespmem:s9+$0x40E0] =	vst.add.f32.msk $0xffff, v2  }
0x417: {  	v2 =	vld [tilespmem:s5+$0x16F0]  }
0x418: {  	[tilespmem:s28+$0x40E0] =	vst.add.f32.msk $0xffff, v1  }
0x419: {  	v1 =	vld [tilespmem:s5+$0x1EF0];
	_ =	sdelay $0x2  }
0x41a: {  	[tilespmem:s9+$0x40F0] =	vst.add.f32.msk $0xffff, v2  }
0x41b: {  	v2 =	vld [tilespmem:s5+$0x1700]  }
0x41c: {  	[tilespmem:s28+$0x40F0] =	vst.add.f32.msk $0xffff, v1  }
0x41d: {  	v1 =	vld [tilespmem:s5+$0x1F00];
	_ =	sdelay $0x2  }
0x41e: {  	[tilespmem:s8+$0x4080] =	vst.add.f32.msk $0xffff, v2  }
0x41f: {  	s29 =	spop (v2sf);
	v2 =	vld [tilespmem:s5+$0x1710]  }
0x420: {  	[tilespmem:s29+$0x4080] =	vst.add.f32.msk $0xffff, v1  }
0x421: {  	v1 =	vld [tilespmem:s5+$0x1F10];
	_ =	sdelay $0x2  }
0x422: {  	[tilespmem:s8+$0x4090] =	vst.add.f32.msk $0xffff, v2  }
0x423: {  	v2 =	vld [tilespmem:s5+$0x1720]  }
0x424: {  	[tilespmem:s29+$0x4090] =	vst.add.f32.msk $0xffff, v1  }
0x425: {  	v1 =	vld [tilespmem:s5+$0x1F20];
	_ =	sdelay $0x2  }
0x426: {  	[tilespmem:s8+$0x40A0] =	vst.add.f32.msk $0xffff, v2  }
0x427: {  	v2 =	vld [tilespmem:s5+$0x1730]  }
0x428: {  	[tilespmem:s29+$0x40A0] =	vst.add.f32.msk $0xffff, v1  }
0x429: {  	v1 =	vld [tilespmem:s5+$0x1F30];
	_ =	sdelay $0x2  }
0x42a: {  	[tilespmem:s8+$0x40B0] =	vst.add.f32.msk $0xffff, v2  }
0x42b: {  	v2 =	vld [tilespmem:s5+$0x1740]  }
0x42c: {  	[tilespmem:s29+$0x40B0] =	vst.add.f32.msk $0xffff, v1  }
0x42d: {  	v1 =	vld [tilespmem:s5+$0x1F40];
	_ =	sdelay $0x2  }
0x42e: {  	[tilespmem:s8+$0x40C0] =	vst.add.f32.msk $0xffff, v2  }
0x42f: {  	v2 =	vld [tilespmem:s5+$0x1750]  }
0x430: {  	[tilespmem:s29+$0x40C0] =	vst.add.f32.msk $0xffff, v1  }
0x431: {  	v1 =	vld [tilespmem:s5+$0x1F50];
	_ =	sdelay $0x2  }
0x432: {  	[tilespmem:s8+$0x40D0] =	vst.add.f32.msk $0xffff, v2  }
0x433: {  	v2 =	vld [tilespmem:s5+$0x1760]  }
0x434: {  	[tilespmem:s29+$0x40D0] =	vst.add.f32.msk $0xffff, v1  }
0x435: {  	v1 =	vld [tilespmem:s5+$0x1F60]  }
0x436: {  	(v2sf) =	vpush v60, $0xE;
	_ =	sdelay $0x1  }
0x437: {  	[tilespmem:s8+$0x40E0] =	vst.add.f32.msk $0xffff, v2  }
0x438: {  	v2 =	vld [tilespmem:s5+$0x1770]  }
0x439: {  	[tilespmem:s29+$0x40E0] =	vst.add.f32.msk $0xffff, v1  }
0x43a: {  	v1 =	vld [tilespmem:s5+$0x1F70];
	_ =	sdelay $0x2  }
0x43b: {  	[tilespmem:s8+$0x40F0] =	vst.add.f32.msk $0xffff, v2  }
0x43c: {  	v2 =	vld [tilespmem:s5+$0x1780]  }
0x43d: {  	[tilespmem:s29+$0x40F0] =	vst.add.f32.msk $0xffff, v1  }
0x43e: {  	v1 =	vld [tilespmem:s5+$0x1F80];
	_ =	sdelay $0x2  }
0x43f: {  	[tilespmem:s7+$0x4080] =	vst.add.f32.msk $0xffff, v2  }
0x440: {  	s30 =	spop (v2sf);
	v2 =	vld [tilespmem:s5+$0x1790]  }
0x441: {  	[tilespmem:s30+$0x4080] =	vst.add.f32.msk $0xffff, v1  }
0x442: {  	v1 =	vld [tilespmem:s5+$0x1F90];
	_ =	sdelay $0x2  }
0x443: {  	[tilespmem:s7+$0x4090] =	vst.add.f32.msk $0xffff, v2  }
0x444: {  	v2 =	vld [tilespmem:s5+$0x17A0]  }
0x445: {  	[tilespmem:s30+$0x4090] =	vst.add.f32.msk $0xffff, v1  }
0x446: {  	v1 =	vld [tilespmem:s5+$0x1FA0];
	_ =	sdelay $0x2  }
0x447: {  	[tilespmem:s7+$0x40A0] =	vst.add.f32.msk $0xffff, v2  }
0x448: {  	v2 =	vld [tilespmem:s5+$0x17B0]  }
0x449: {  	[tilespmem:s30+$0x40A0] =	vst.add.f32.msk $0xffff, v1  }
0x44a: {  	v1 =	vld [tilespmem:s5+$0x1FB0];
	_ =	sdelay $0x2  }
0x44b: {  	[tilespmem:s7+$0x40B0] =	vst.add.f32.msk $0xffff, v2  }
0x44c: {  	v2 =	vld [tilespmem:s5+$0x17C0]  }
0x44d: {  	[tilespmem:s30+$0x40B0] =	vst.add.f32.msk $0xffff, v1  }
0x44e: {  	v1 =	vld [tilespmem:s5+$0x1FC0];
	_ =	sdelay $0x2  }
0x44f: {  	[tilespmem:s7+$0x40C0] =	vst.add.f32.msk $0xffff, v2  }
0x450: {  	v2 =	vld [tilespmem:s5+$0x17D0]  }
0x451: {  	[tilespmem:s30+$0x40C0] =	vst.add.f32.msk $0xffff, v1  }
0x452: {  	v1 =	vld [tilespmem:s5+$0x1FD0];
	_ =	sdelay $0x2  }
0x453: {  	[tilespmem:s7+$0x40D0] =	vst.add.f32.msk $0xffff, v2  }
0x454: {  	v2 =	vld [tilespmem:s5+$0x17E0]  }
0x455: {  	[tilespmem:s30+$0x40D0] =	vst.add.f32.msk $0xffff, v1  }
0x456: {  	v1 =	vld [tilespmem:s5+$0x1FE0]  }
0x457: {  	(v2sf) =	vpush v60, $0xF;
	_ =	sdelay $0x1  }
0x458: {  	[tilespmem:s7+$0x40E0] =	vst.add.f32.msk $0xffff, v2  }
0x459: {  	v63 =	vld [tilespmem:s5+$0x17F0]  }
0x45a: {  	[tilespmem:s30+$0x40E0] =	vst.add.f32.msk $0xffff, v1  }
0x45b: {  	v1 =	vld [tilespmem:s5+$0x1FF0];
	_ =	sdelay $0x2  }
0x45c: {  	[tilespmem:s7+$0x40F0] =	vst.add.f32.msk $0xffff, v63  }
0x45d: {  	v0 =	vld [tilespmem:s5+$0x1800]  }
0x45e: {  	[tilespmem:s30+$0x40F0] =	vst.add.f32.msk $0xffff, v1  }
0x45f: {  	v1 =	vld [tilespmem:s5+$0x2000];
	_ =	sdelay $0x2  }
0x460: {  	[tilespmem:s6+$0x4080] =	vst.add.f32.msk $0xffff, v0  }
0x461: {  	s31 =	spop (v2sf);
	v0 =	vld [tilespmem:s5+$0x1810]  }
0x462: {  	[tilespmem:s31+$0x4080] =	vst.add.f32.msk $0xffff, v1  }
0x463: {  	v1 =	vld [tilespmem:s5+$0x2010];
	_ =	sdelay $0x2  }
0x464: {  	[tilespmem:s6+$0x4090] =	vst.add.f32.msk $0xffff, v0  }
0x465: {  	v0 =	vld [tilespmem:s5+$0x1820]  }
0x466: {  	[tilespmem:s31+$0x4090] =	vst.add.f32.msk $0xffff, v1  }
0x467: {  	v1 =	vld [tilespmem:s5+$0x2020];
	_ =	sdelay $0x2  }
0x468: {  	[tilespmem:s6+$0x40A0] =	vst.add.f32.msk $0xffff, v0  }
0x469: {  	v0 =	vld [tilespmem:s5+$0x1830]  }
0x46a: {  	[tilespmem:s31+$0x40A0] =	vst.add.f32.msk $0xffff, v1  }
0x46b: {  	v1 =	vld [tilespmem:s5+$0x2030];
	_ =	sdelay $0x2  }
0x46c: {  	[tilespmem:s6+$0x40B0] =	vst.add.f32.msk $0xffff, v0  }
0x46d: {  	v0 =	vld [tilespmem:s5+$0x1840]  }
0x46e: {  	[tilespmem:s31+$0x40B0] =	vst.add.f32.msk $0xffff, v1  }
0x46f: {  	v1 =	vld [tilespmem:s5+$0x2040];
	_ =	sdelay $0x2  }
0x470: {  	[tilespmem:s6+$0x40C0] =	vst.add.f32.msk $0xffff, v0  }
0x471: {  	v0 =	vld [tilespmem:s5+$0x1850]  }
0x472: {  	[tilespmem:s31+$0x40C0] =	vst.add.f32.msk $0xffff, v1  }
0x473: {  	v1 =	vld [tilespmem:s5+$0x2050];
	_ =	sdelay $0x2  }
0x474: {  	[tilespmem:s6+$0x40D0] =	vst.add.f32.msk $0xffff, v0  }
0x475: {  	v0 =	vld [tilespmem:s5+$0x1860]  }
0x476: {  	[tilespmem:s31+$0x40D0] =	vst.add.f32.msk $0xffff, v1  }
0x477: {  	v1 =	vld [tilespmem:s5+$0x2060];
	_ =	sdelay $0x2  }
0x478: {  	[tilespmem:s6+$0x40E0] =	vst.add.f32.msk $0xffff, v0  }
0x479: {  	v0 =	vld [tilespmem:s5+$0x1870]  }
0x47a: {  	[tilespmem:s31+$0x40E0] =	vst.add.f32.msk $0xffff, v1  }
0x47b: {  	p1 =	por p0, p0;
	v1 =	vld [tilespmem:s5+$0x2070]  }
.Ltmp0:
0x47c: {  	_ = 	snop;
	(pc) =	sbr.rel @p1 .LBB2_1-.Ltmp0, $3  }
0x47d: {  	_ =	sdelay $0x1  }
0x47e: {  	[tilespmem:s6+$0x40F0] =	vst.add.f32.msk $0xffff, v0  }
0x47f: {  	p0 =	por $0x0, $0x0;
	s5 =	simm.s32 $0x4;
	[tilespmem:s31+$0x40F0] =	vst.add.f32.msk $0xffff, v1  }
0x480: {  	s2 =	sshll.u32 s2, $0x11  }
0x481: {  	s2 =	sor.u32 s3, s2  }
0x482: {  	s29 =	simm.s32 $0x400;
	s30 =	simm.s32 $0x1000;
	s2 =	sshrl.u32 s2, $0x3  }
0x483: {  	s5 =	simm.s32 $0x4080;
	s31 =	simm.s32 $0x1;
	s2 =	sadd.s32 s4, s2  }
0x484: {  	[hbm4b:s2+s29] =	stream.strided.scatter [tilespmem:s5], [sflag:$0x1], $0x8000, s30, s29, $0x38;
	[tilespmem:$0xC080] =	vst v63  }
0x485: {  	_ =	swait.ge [sflag:s31], $0x8000  }
0x486: {  	[sflag:s31] =	ssyncset.done $0x0  }
0x487: {  	[sflag:s31] =	ssyncadd.s32 $0xFFFF8000  }
0x488: {  	_ =	sfence.sel $0x180000  }
0x489: {  	[bflag:$0x0] =	sbarrier.arrive $0xFFFF  }
0x48a: {  	p0 =	sne.s32 s1, $0x0;
	_ =	strace $0x90000047  }
0x48b: {  	s0 =	sadd.s32 @!p0 $0x100000, s0;
	[bflag:$0x2] =	sbarrier.arrive $0xFFFF  }
0x48c: {  	[sflag:s0] =	ssyncadd.tile.s32 @!p0 $0x1;
	_ =	shalt  }
.Lfunc_end2:
_tile_overlayer_lowered:
.L_overlay_start_2:
0x48d: {  	(tag) =	ssettag $0x2  }
0x48e: {  	s0 =	rddreg [dreg:$0x0];
	s2 =	stileid.u32  }
0x48f: {  	s1 =	rddreg [dreg:$0x1];
	p0 =	sne.s32 s2, $0x0  }
0x490: {  	s3 =	rddreg [dreg:$0x2];
	[bflag:$0x3] =	sbarrier.arrive $0xFFFF;
	s2 =	simm.s32 @!p0 $0x1C01  }
0x491: {  	[timem:s3], [sflag:s2] =	dma.local @!p0 [hbm:s0], s1  }
0x492: {  	s0 =	simm.s32 @!p0 $0x1  }
0x493: {  	_ =	swait.ge @!p0 [sflag:s0], s1  }
0x494: {  	s1 =	ssub.s32 @!p0 $0x0, s1;
	[sflag:s0] =	ssyncset.done @!p0 $0x0  }
0x495: {  	[sflag:s0] =	ssyncadd.s32 @!p0 s1  }
0x496: {  	[bflag:$0x3] =	sbarrier.arrive $0xFFFF  }
0x497: {  	_ =	shalt  }

</sc_bundles>
